<compile_context>
chip_gen: v7x
topology: tpu7x:2x2x1
jax: 0.10.2.dev20260603
libtpu: 0.0.44.dev20260713+nightly
codegen_flags: <defaults>
</compile_context>

<pallas_src>
import functools

import numpy as np
import jax
import jax.numpy as jnp
from jax import lax
from jax.experimental import pallas as pl
from jax.experimental.pallas import tpu as pltpu
from jax.experimental.pallas import tpu_sc as plsc

B = 32
N = 224 * 224
LANES = 16
ROWLEN = 128
ROWS = N // ROWLEN
SUB = ROWLEN // LANES
MIN_I32 = -2147483648
CAP = 224


def _sortable(v):
    return v ^ ((v >> 31) & 0x7FFFFFFF)


def _sc_body(cp_hbm, ct_hbm, out_hbm, a_ref, b_ref, c_ref, res_ref,
             sem1, sem2):
    wid = lax.axis_index("s") * 2 + lax.axis_index("c")
    h1 = pltpu.async_copy(cp_hbm.at[wid], a_ref, sem1)
    h2 = pltpu.async_copy(ct_hbm.at[wid], b_ref, sem2)
    h1.wait()
    h2.wait()

    iota16 = lax.iota(jnp.int32, LANES)
    zero_i = jnp.zeros((LANES,), jnp.int32)

    def p0(i, carry):
        npos_vec, nneg_vec = carry
        for u in range(SUB):
            ctv = b_ref[i, pl.ds(u * LANES, LANES)]
            v = plsc.bitcast(a_ref[i, pl.ds(u * LANES, LANES)], jnp.int32)
            a_ref[i, pl.ds(u * LANES, LANES)] = plsc.bitcast(
                _sortable(v), jnp.float32)
            npos_vec = npos_vec + jnp.where(ctv > 0.1, 1, 0)
            nneg_vec = nneg_vec + jnp.where(v >= 0, 1, 0)
        return npos_vec, nneg_vec

    npos_vec, nneg_vec = lax.fori_loop(0, ROWS, p0, (zero_i, zero_i))
    num_pos = jnp.sum(npos_vec)
    k = jnp.minimum(3 * num_pos, N - 1)
    cnt31 = jnp.sum(nneg_vec)

    def count_ge(cand_signed):
        def body(i, cnt_vec):
            for u in range(SUB):
                s = plsc.bitcast(a_ref[i, pl.ds(u * LANES, LANES)], jnp.int32)
                cnt_vec = cnt_vec + jnp.where(s >= cand_signed, 1, 0)
            return cnt_vec
        return jnp.sum(lax.fori_loop(0, ROWS, body, zero_i))

    def sbody(it, t_off):
        cand = t_off | jnp.left_shift(1, 31 - it)
        cnt = count_ge(cand ^ MIN_I32)
        return jnp.where(cnt >= k, cand, t_off)

    t31 = jnp.where(cnt31 >= k, np.int32(MIN_I32), np.int32(0))
    t_off8 = lax.fori_loop(1, 8, sbody, t31)
    p8 = lax.shift_right_logical(t_off8, 24)

    def compact(i, carry):
        cnts = carry[:SUB]
        above_vec = carry[SUB]
        new_cnts = []
        for u in range(SUB):
            cnt_u = cnts[u]
            sv = a_ref[i, pl.ds(u * LANES, LANES)]
            s = plsc.bitcast(sv, jnp.int32)
            bf = lax.shift_right_logical(s ^ MIN_I32, 24)
            match = bf == p8
            row = jnp.minimum(cnt_u, CAP - 1)
            col = iota16 + u * LANES
            plsc.store_scatter(c_ref, [row, col], sv,
                               mask=match & (cnt_u < CAP))
            new_cnts.append(cnt_u + jnp.where(match, 1, 0))
            above_vec = above_vec + jnp.where(bf > p8, 1, 0)
        return tuple(new_cnts) + (above_vec,)

    init = tuple(zero_i for _ in range(SUB)) + (zero_i,)
    res_c = lax.fori_loop(0, ROWS, compact, init)
    cnts = res_c[:SUB]
    above_cls = jnp.sum(res_c[SUB])
    mx = cnts[0]
    for u in range(1, SUB):
        mx = jnp.maximum(mx, cnts[u])
    maxc = jnp.max(mx)

    def finish_compacted(_):
        def count_ge_c(cand_signed):
            def body(rr, cnt_vec):
                for u in range(SUB):
                    sv = c_ref[rr, pl.ds(u * LANES, LANES)]
                    s = plsc.bitcast(sv, jnp.int32)
                    keep = (rr < cnts[u]) & (s >= cand_signed)
                    cnt_vec = cnt_vec + jnp.where(keep, 1, 0)
                return cnt_vec
            return jnp.sum(lax.fori_loop(0, maxc, body, zero_i))

        def sbody_c(it, t_off):
            cand = t_off | jnp.left_shift(1, 23 - it)
            cnt = above_cls + count_ge_c(cand ^ MIN_I32)
            return jnp.where(cnt >= k, cand, t_off)

        t_off = lax.fori_loop(0, 24, sbody_c, t_off8)
        tt = t_off ^ MIN_I32

        def cpass(rr, carry):
            gt_vec, ge_vec = carry
            for u in range(SUB):
                s = plsc.bitcast(c_ref[rr, pl.ds(u * LANES, LANES)],
                                 jnp.int32)
                valid = rr < cnts[u]
                gt_vec = gt_vec + jnp.where(valid & (s > tt), 1, 0)
                ge_vec = ge_vec + jnp.where(valid & (s >= tt), 1, 0)
            return gt_vec, ge_vec

        gt_vec, ge_vec = lax.fori_loop(0, maxc, cpass, (zero_i, zero_i))
        return tt, above_cls + jnp.sum(gt_vec), above_cls + jnp.sum(ge_vec)

    def finish_full(_):
        def sbody_f(it, t_off):
            cand = t_off | jnp.left_shift(1, 23 - it)
            cnt = count_ge(cand ^ MIN_I32)
            return jnp.where(cnt >= k, cand, t_off)

        t_off = lax.fori_loop(0, 24, sbody_f, t_off8)
        tt = t_off ^ MIN_I32

        def cpass(i, carry):
            gt_vec, ge_vec = carry
            for u in range(SUB):
                s = plsc.bitcast(a_ref[i, pl.ds(u * LANES, LANES)], jnp.int32)
                gt_vec = gt_vec + jnp.where(s > tt, 1, 0)
                ge_vec = ge_vec + jnp.where(s >= tt, 1, 0)
            return gt_vec, ge_vec

        gt_vec, ge_vec = lax.fori_loop(0, ROWS, cpass, (zero_i, zero_i))
        return tt, jnp.sum(gt_vec), jnp.sum(ge_vec)

    t, cnt_gt, cnt_ge = lax.cond(maxc <= CAP, finish_compacted, finish_full, 0)
    m = k - cnt_gt
    n_ties = cnt_ge - cnt_gt

    def idx_search(_):
        def count_tie_lt(cand):
            def body(i, cnt_vec):
                for u in range(SUB):
                    s = plsc.bitcast(
                        a_ref[i, pl.ds(u * LANES, LANES)], jnp.int32)
                    idx = i * ROWLEN + u * LANES + iota16
                    cnt_vec = cnt_vec + jnp.where((s == t) & (idx < cand), 1, 0)
                return cnt_vec
            return jnp.sum(lax.fori_loop(0, ROWS, body, zero_i))

        def ibody(it, cut):
            cand = cut | jnp.left_shift(1, 16 - it)
            return jnp.where(count_tie_lt(cand) <= m, cand, cut)

        return lax.fori_loop(0, 17, ibody, np.int32(0))

    cut = lax.cond(n_ties == m, lambda _: np.int32(131072), idx_search, 0)

    def fpass_simple(_):
        def fpass(i, carry):
            sq_vec, keep_vec = carry
            for u in range(SUB):
                s = plsc.bitcast(a_ref[i, pl.ds(u * LANES, LANES)], jnp.int32)
                cpv = plsc.bitcast(_sortable(s), jnp.float32)
                ctv = b_ref[i, pl.ds(u * LANES, LANES)]
                keep = (ctv > 0.1) | (s >= t)
                d = cpv - ctv
                sq_vec = sq_vec + jnp.where(keep, d * d, 0.0)
                keep_vec = keep_vec + jnp.where(keep, 1, 0)
            return sq_vec, keep_vec
        return lax.fori_loop(
            0, ROWS, fpass, (jnp.zeros((LANES,), jnp.float32), zero_i))

    def fpass_ties(_):
        def fpass(i, carry):
            sq_vec, keep_vec = carry
            for u in range(SUB):
                s = plsc.bitcast(a_ref[i, pl.ds(u * LANES, LANES)], jnp.int32)
                cpv = plsc.bitcast(_sortable(s), jnp.float32)
                ctv = b_ref[i, pl.ds(u * LANES, LANES)]
                idx = i * ROWLEN + u * LANES + iota16
                keep = (ctv > 0.1) | (s > t) | ((s == t) & (idx < cut))
                d = cpv - ctv
                sq_vec = sq_vec + jnp.where(keep, d * d, 0.0)
                keep_vec = keep_vec + jnp.where(keep, 1, 0)
            return sq_vec, keep_vec
        return lax.fori_loop(
            0, ROWS, fpass, (jnp.zeros((LANES,), jnp.float32), zero_i))

    sq_vec, keep_vec = lax.cond(cut == 131072, fpass_simple, fpass_ties, 0)
    sq_sum = jnp.sum(sq_vec)
    n_keep = jnp.sum(keep_vec).astype(jnp.float32)

    res = jnp.where(iota16 == 0, sq_sum,
                    jnp.where(iota16 == 1, n_keep, 0.0))
    res_ref[...] = res
    pltpu.sync_copy(res_ref, out_hbm.at[wid])


@functools.partial(jax.jit, static_argnums=())
def _sc_partials(cp, ct):
    mesh = plsc.VectorSubcoreMesh(core_axis_name="c", subcore_axis_name="s")
    f = functools.partial(
        pl.kernel,
        mesh=mesh,
        compiler_params=pltpu.CompilerParams(
            needs_layout_passes=False, use_tc_tiling_on_sc=False),
        out_type=jax.ShapeDtypeStruct((B, LANES), jnp.float32),
        scratch_types=[
            pltpu.VMEM((ROWS, ROWLEN), jnp.float32),
            pltpu.VMEM((ROWS, ROWLEN), jnp.float32),
            pltpu.VMEM((CAP, ROWLEN), jnp.float32),
            pltpu.VMEM((LANES,), jnp.float32),
            pltpu.SemaphoreType.DMA,
            pltpu.SemaphoreType.DMA,
        ],
    )(_sc_body)
    return f(cp, ct)


def _tc_reduce_body(part_ref, sp_ref, st_ref, out_ref):
    p = part_ref[...]
    lane = lax.broadcasted_iota(jnp.int32, p.shape, 1)
    sq_sum = jnp.sum(jnp.where(lane == 0, p, 0.0))
    n_keep = jnp.sum(jnp.where(lane == 1, p, 0.0))
    court = sq_sum / jnp.maximum(n_keep, 1.0)
    d = sp_ref[...] - st_ref[...]
    score = jnp.sum(d * d) / float(B * 8)
    out_ref[0, 0] = court + score


def _tc_reduce(partials, sp, st):
    return pl.pallas_call(
        _tc_reduce_body,
        out_shape=jax.ShapeDtypeStruct((1, 1), jnp.float32),
        out_specs=pl.BlockSpec(memory_space=pltpu.SMEM),
    )(partials, sp, st)


def kernel(court_preds, score_preds, court_targs, score_targs):
    cp = court_preds.reshape(B, ROWS, ROWLEN)
    ct = court_targs.reshape(B, ROWS, ROWLEN)
    partials = _sc_partials(cp, ct)
    out = _tc_reduce(partials, score_preds, score_targs)
    return out[0, 0]

# --- scband reference (transcript-rebuilt; emitter-appended) ---
"""Pipeline reference for scband-court-score-loss-39651138076864 (READ-ONLY COPY).

The authoritative reference and input builder live on the scoring server;
editing this copy changes nothing except your own understanding.
"""

import jax, jax.numpy as jnp
import numpy as np

COURT_WEIGHT = 1.0
SCORE_WEIGHT = 1.0


def setup_inputs(seed: int = 0) -> dict:
    key = jax.random.key(seed)
    k1, k2, k3, k4 = jax.random.split(key, 4)
    court_preds = jax.random.normal(k1, (32, 1, 224, 224), dtype=jnp.float32)
    score_preds = jax.random.normal(k2, (32, 8), dtype=jnp.float32)
    court_targs = jax.random.uniform(k3, (32, 1, 224, 224), dtype=jnp.float32)
    score_targs = jax.random.normal(k4, (32, 8), dtype=jnp.float32)
    return {
        "court_preds": court_preds,
        "score_preds": score_preds,
        "court_targs": court_targs,
        "score_targs": score_targs,
    }


def reference(court_preds, score_preds, court_targs, score_targs):
    # preds = (court_preds, score_preds); targ = (court_targs, score_targs)
    b = court_preds.shape[0]
    cp = court_preds.reshape(b, -1)
    ct = court_targs.reshape(b, -1)

    keep_pos = ct > 0.1

    # torch: _, loss_idx = cp.sort(1, descending=True); _, idx_rank = loss_idx.sort(1)
    loss_idx = jnp.argsort(-cp, axis=1)
    idx_rank = jnp.argsort(loss_idx, axis=1)

    num_pos = keep_pos.astype(jnp.int32).sum(axis=1, keepdims=True)
    num_neg = jnp.minimum(3 * num_pos, keep_pos.shape[1] - 1)
    keep_neg = idx_rank < num_neg

    mask = (keep_pos.astype(jnp.int32) + keep_neg.astype(jnp.int32)) > 0

    # court_criterion = MSE with mean reduction over the kept (masked) elements
    diff = cp - ct
    sq = diff * diff
    n_keep = jnp.maximum(mask.astype(jnp.int32).sum(), 1)
    court_loss = jnp.sum(jnp.where(mask, sq, 0.0)) / n_keep.astype(cp.dtype)

    # score_criterion = MSE with mean reduction
    score_loss = jnp.mean((score_preds - score_targs) ** 2)

    return score_loss * SCORE_WEIGHT + court_loss * COURT_WEIGHT

if __name__ == "__main__":
    import jax
    _d = setup_inputs()
    print(jax.jit(kernel)(*tuple(_d.values())))

</pallas_src>

<mosaic_0001>
#map = affine_map<(d0, d1) -> (0, 0, 0)>
#map1 = affine_map<(d0, d1) -> (0, 0)>
module attributes {stable_mosaic.version = 14 : i64} {
  func.func @_sc_body(%arg0: i32, %arg1: i32, %arg2: memref<32x392x128xf32, #tpu.memory_space<hbm>>, %arg3: memref<32x392x128xf32, #tpu.memory_space<hbm>>, %arg4: memref<32x16xf32, #tpu.memory_space<hbm>>, %arg5: memref<392x128xf32, #tpu.memory_space<vmem>>, %arg6: memref<392x128xf32, #tpu.memory_space<vmem>>, %arg7: memref<224x128xf32, #tpu.memory_space<vmem>>, %arg8: memref<16xf32, #tpu.memory_space<vmem>>, %arg9: memref<!tpu.dma_semaphore, #tpu.memory_space<semaphore_mem>>, %arg10: memref<!tpu.dma_semaphore, #tpu.memory_space<semaphore_mem>>) attributes {dimension_semantics = [#tpu.dimension_semantics<core_parallel>, #tpu.dimension_semantics<subcore_parallel>], iteration_bounds = array<i64: 2, 16>, scalar_prefetch = 0 : i64, scratch_operands = 6 : i64, tpu.core_type = #tpu.core_type<sc_vector_subcore>, window_params = [{transform_indices = #map}, {transform_indices = #map}, {transform_indices = #map1}]} {
    %mul3A = arith.constant 2 : i32
    %mul3A_0 = arith.muli %arg1, %mul3A : i32
    %add3A = arith.addi %mul3A_0, %arg0 : i32
    %dma_start3A = arith.constant 0 : i32
    %dma_start3A_1 = arith.constant 0 : i32
    %dma_start3A_2 = tpu.memref_slice %arg2[%add3A, %dma_start3A, %dma_start3A_1] : memref<32x392x128xf32, #tpu.memory_space<hbm>> -> memref<1x392x128xf32, #tpu.memory_space<hbm>>
    %dma_start3A_3 = tpu.memref_squeeze %dma_start3A_2 : memref<1x392x128xf32, #tpu.memory_space<hbm>> -> memref<392x128xf32, #tpu.memory_space<hbm>>
    %dma_start3A_4 = arith.constant 0 : i32
    %dma_start3A_5 = arith.constant 0 : i32
    %dma_start3A_6 = tpu.memref_slice %arg2[%add3A, %dma_start3A_4, %dma_start3A_5] : memref<32x392x128xf32, #tpu.memory_space<hbm>> -> memref<1x392x128xf32, #tpu.memory_space<hbm>>
    %dma_start3A_7 = tpu.memref_squeeze %dma_start3A_6 : memref<1x392x128xf32, #tpu.memory_space<hbm>> -> memref<392x128xf32, #tpu.memory_space<hbm>>
    tpu.enqueue_dma source(%dma_start3A_7 : memref<392x128xf32, #tpu.memory_space<hbm>>) target(%arg5 : memref<392x128xf32, #tpu.memory_space<vmem>>) target_semaphore(%arg9 : memref<!tpu.dma_semaphore, #tpu.memory_space<semaphore_mem>>)
    %dma_start3A_8 = arith.constant 0 : i32
    %dma_start3A_9 = arith.constant 0 : i32
    %dma_start3A_10 = tpu.memref_slice %arg3[%add3A, %dma_start3A_8, %dma_start3A_9] : memref<32x392x128xf32, #tpu.memory_space<hbm>> -> memref<1x392x128xf32, #tpu.memory_space<hbm>>
    %dma_start3A_11 = tpu.memref_squeeze %dma_start3A_10 : memref<1x392x128xf32, #tpu.memory_space<hbm>> -> memref<392x128xf32, #tpu.memory_space<hbm>>
    %dma_start3A_12 = arith.constant 0 : i32
    %dma_start3A_13 = arith.constant 0 : i32
    %dma_start3A_14 = tpu.memref_slice %arg3[%add3A, %dma_start3A_12, %dma_start3A_13] : memref<32x392x128xf32, #tpu.memory_space<hbm>> -> memref<1x392x128xf32, #tpu.memory_space<hbm>>
    %dma_start3A_15 = tpu.memref_squeeze %dma_start3A_14 : memref<1x392x128xf32, #tpu.memory_space<hbm>> -> memref<392x128xf32, #tpu.memory_space<hbm>>
    tpu.enqueue_dma source(%dma_start3A_15 : memref<392x128xf32, #tpu.memory_space<hbm>>) target(%arg6 : memref<392x128xf32, #tpu.memory_space<vmem>>) target_semaphore(%arg10 : memref<!tpu.dma_semaphore, #tpu.memory_space<semaphore_mem>>)
    %dma_wait3A = arith.constant 0 : i32
    %dma_wait3A_16 = arith.constant 0 : i32
    %dma_wait3A_17 = tpu.memref_slice %arg2[%add3A, %dma_wait3A, %dma_wait3A_16] : memref<32x392x128xf32, #tpu.memory_space<hbm>> -> memref<1x392x128xf32, #tpu.memory_space<hbm>>
    %dma_wait3A_18 = tpu.memref_squeeze %dma_wait3A_17 : memref<1x392x128xf32, #tpu.memory_space<hbm>> -> memref<392x128xf32, #tpu.memory_space<hbm>>
    %dma_wait3A_19 = arith.constant 0 : i32
    %dma_wait3A_20 = arith.constant 0 : i32
    %dma_wait3A_21 = tpu.memref_slice %arg2[%add3A, %dma_wait3A_19, %dma_wait3A_20] : memref<32x392x128xf32, #tpu.memory_space<hbm>> -> memref<1x392x128xf32, #tpu.memory_space<hbm>>
    %dma_wait3A_22 = tpu.memref_squeeze %dma_wait3A_21 : memref<1x392x128xf32, #tpu.memory_space<hbm>> -> memref<392x128xf32, #tpu.memory_space<hbm>>
    tpu.wait_dma2 semaphore(%arg9 : memref<!tpu.dma_semaphore, #tpu.memory_space<semaphore_mem>>) src(%dma_wait3A_22 : memref<392x128xf32, #tpu.memory_space<hbm>>) dst(%arg5 : memref<392x128xf32, #tpu.memory_space<vmem>>)
    %dma_wait3A_23 = arith.constant 0 : i32
    %dma_wait3A_24 = arith.constant 0 : i32
    %dma_wait3A_25 = tpu.memref_slice %arg3[%add3A, %dma_wait3A_23, %dma_wait3A_24] : memref<32x392x128xf32, #tpu.memory_space<hbm>> -> memref<1x392x128xf32, #tpu.memory_space<hbm>>
    %dma_wait3A_26 = tpu.memref_squeeze %dma_wait3A_25 : memref<1x392x128xf32, #tpu.memory_space<hbm>> -> memref<392x128xf32, #tpu.memory_space<hbm>>
    %dma_wait3A_27 = arith.constant 0 : i32
    %dma_wait3A_28 = arith.constant 0 : i32
    %dma_wait3A_29 = tpu.memref_slice %arg3[%add3A, %dma_wait3A_27, %dma_wait3A_28] : memref<32x392x128xf32, #tpu.memory_space<hbm>> -> memref<1x392x128xf32, #tpu.memory_space<hbm>>
    %dma_wait3A_30 = tpu.memref_squeeze %dma_wait3A_29 : memref<1x392x128xf32, #tpu.memory_space<hbm>> -> memref<392x128xf32, #tpu.memory_space<hbm>>
    tpu.wait_dma2 semaphore(%arg10 : memref<!tpu.dma_semaphore, #tpu.memory_space<semaphore_mem>>) src(%dma_wait3A_30 : memref<392x128xf32, #tpu.memory_space<hbm>>) dst(%arg6 : memref<392x128xf32, #tpu.memory_space<vmem>>)
    %iota3A = tpu.iota {dimensions = array<i32: 0>} : vector<16xi32>
    %broadcast_in_dim3A = arith.constant 0 : i32
    %broadcast_in_dim3A_31 = vector.broadcast %broadcast_in_dim3A : i32 to vector<16xi32>
    %scan3A = arith.constant 0 : i32
    %scan3A_32 = arith.constant 392 : i32
    %scan3A_33 = arith.addi %scan3A, %scan3A_32 : i32
    %scan3A_34 = arith.constant 1 : i32
    %scan3A_35:2 = scf.for %scan3A_117 = %scan3A to %scan3A_33 step %scan3A_34 iter_args(%scan3A_118 = %broadcast_in_dim3A_31, %scan3A_119 = %broadcast_in_dim3A_31) -> (vector<16xi32>, vector<16xi32>)  : i32 {
      %get3A = arith.index_cast %scan3A_117 : i32 to index
      %get3A_120 = arith.constant 0 : index
      %get3A_121 = tpu.vector_load %arg6[%get3A, %get3A_120] {strides = array<i32>} : memref<392x128xf32, #tpu.memory_space<vmem>>, vector<16xf32>,
      %get3A_122 = arith.index_cast %scan3A_117 : i32 to index
      %get3A_123 = arith.constant 0 : index
      %get3A_124 = tpu.vector_load %arg5[%get3A_122, %get3A_123] {strides = array<i32>} : memref<392x128xf32, #tpu.memory_space<vmem>>, vector<16xf32>,
      %bitcast3A = vector.bitcast %get3A_124 : vector<16xf32> to vector<16xi32>
      %shift_right_arithmetic3A = arith.constant 31 : i32
      %shift_right_arithmetic3A_125 = vector.broadcast %shift_right_arithmetic3A : i32 to vector<16xi32>
      %shift_right_arithmetic3A_126 = arith.shrsi %bitcast3A, %shift_right_arithmetic3A_125 : vector<16xi32>
      %and3A = arith.constant 2147483647 : i32
      %and3A_127 = vector.broadcast %and3A : i32 to vector<16xi32>
      %and3A_128 = arith.andi %shift_right_arithmetic3A_126, %and3A_127 : vector<16xi32>
      %xor3A = arith.xori %bitcast3A, %and3A_128 : vector<16xi32>
      %bitcast3A_129 = vector.bitcast %xor3A : vector<16xi32> to vector<16xf32>
      %swap3A_130 = arith.index_cast %scan3A_117 : i32 to index
      %swap3A_131 = arith.constant 0 : index
      %swap3A_132 = tpu.vector_load %arg5[%swap3A_130, %swap3A_131] {strides = array<i32>} : memref<392x128xf32, #tpu.memory_space<vmem>>, vector<16xf32>,
      tpu.vector_store %arg5[%swap3A_130, %swap3A_131], %bitcast3A_129 {strides = array<i32>} : memref<392x128xf32, #tpu.memory_space<vmem>>, vector<16xf32>,
      %gt3A = arith.constant 1.000000e-01 : f32
      %gt3A_133 = vector.broadcast %gt3A : f32 to vector<16xf32>
      %gt3A_134 = arith.cmpf ogt, %get3A_121, %gt3A_133 : vector<16xf32>
      %jit3A_135 = arith.constant 1 : i32
      %jit3A_136 = arith.constant 0 : i32
      %broadcast_in_dim3A_137 = vector.broadcast %jit3A_135 : i32 to vector<16xi32>
      %broadcast_in_dim3A_138 = vector.broadcast %jit3A_136 : i32 to vector<16xi32>
      %select_n3A_139 = arith.select %gt3A_134, %broadcast_in_dim3A_137, %broadcast_in_dim3A_138 : vector<16xi1>, vector<16xi32>
      %add3A_140 = arith.addi %scan3A_118, %select_n3A_139 : vector<16xi32>
      %ge3A_141 = arith.constant 0 : i32
      %ge3A_142 = vector.broadcast %ge3A_141 : i32 to vector<16xi32>
      %ge3A_143 = arith.cmpi sge, %bitcast3A, %ge3A_142 : vector<16xi32>
      %jit3A_144 = arith.constant 1 : i32
      %jit3A_145 = arith.constant 0 : i32
      %broadcast_in_dim3A_146 = vector.broadcast %jit3A_144 : i32 to vector<16xi32>
      %broadcast_in_dim3A_147 = vector.broadcast %jit3A_145 : i32 to vector<16xi32>
      %select_n3A_148 = arith.select %ge3A_143, %broadcast_in_dim3A_146, %broadcast_in_dim3A_147 : vector<16xi1>, vector<16xi32>
      %add3A_149 = arith.addi %scan3A_119, %select_n3A_148 : vector<16xi32>
      %get3A_150 = arith.index_cast %scan3A_117 : i32 to index
      %get3A_151 = arith.constant 16 : index
      %get3A_152 = tpu.vector_load %arg6[%get3A_150, %get3A_151] {strides = array<i32>} : memref<392x128xf32, #tpu.memory_space<vmem>>, vector<16xf32>,
      %get3A_153 = arith.index_cast %scan3A_117 : i32 to index
      %get3A_154 = arith.constant 16 : index
      %get3A_155 = tpu.vector_load %arg5[%get3A_153, %get3A_154] {strides = array<i32>} : memref<392x128xf32, #tpu.memory_space<vmem>>, vector<16xf32>,
      %bitcast3A_156 = vector.bitcast %get3A_155 : vector<16xf32> to vector<16xi32>
      %shift_right_arithmetic3A_157 = arith.constant 31 : i32
      %shift_right_arithmetic3A_158 = vector.broadcast %shift_right_arithmetic3A_157 : i32 to vector<16xi32>
      %shift_right_arithmetic3A_159 = arith.shrsi %bitcast3A_156, %shift_right_arithmetic3A_158 : vector<16xi32>
      %and3A_160 = arith.constant 2147483647 : i32
      %and3A_161 = vector.broadcast %and3A_160 : i32 to vector<16xi32>
      %and3A_162 = arith.andi %shift_right_arithmetic3A_159, %and3A_161 : vector<16xi32>
      %xor3A_163 = arith.xori %bitcast3A_156, %and3A_162 : vector<16xi32>
      %bitcast3A_164 = vector.bitcast %xor3A_163 : vector<16xi32> to vector<16xf32>
      %swap3A_165 = arith.index_cast %scan3A_117 : i32 to index
      %swap3A_166 = arith.constant 16 : index
      %swap3A_167 = tpu.vector_load %arg5[%swap3A_165, %swap3A_166] {strides = array<i32>} : memref<392x128xf32, #tpu.memory_space<vmem>>, vector<16xf32>,
      tpu.vector_store %arg5[%swap3A_165, %swap3A_166], %bitcast3A_164 {strides = array<i32>} : memref<392x128xf32, #tpu.memory_space<vmem>>, vector<16xf32>,
      %gt3A_168 = arith.constant 1.000000e-01 : f32
      %gt3A_169 = vector.broadcast %gt3A_168 : f32 to vector<16xf32>
      %gt3A_170 = arith.cmpf ogt, %get3A_152, %gt3A_169 : vector<16xf32>
      %jit3A_171 = arith.constant 1 : i32
      %jit3A_172 = arith.constant 0 : i32
      %broadcast_in_dim3A_173 = vector.broadcast %jit3A_171 : i32 to vector<16xi32>
      %broadcast_in_dim3A_174 = vector.broadcast %jit3A_172 : i32 to vector<16xi32>
      %select_n3A_175 = arith.select %gt3A_170, %broadcast_in_dim3A_173, %broadcast_in_dim3A_174 : vector<16xi1>, vector<16xi32>
      %add3A_176 = arith.addi %add3A_140, %select_n3A_175 : vector<16xi32>
      %ge3A_177 = arith.constant 0 : i32
      %ge3A_178 = vector.broadcast %ge3A_177 : i32 to vector<16xi32>
      %ge3A_179 = arith.cmpi sge, %bitcast3A_156, %ge3A_178 : vector<16xi32>
      %jit3A_180 = arith.constant 1 : i32
      %jit3A_181 = arith.constant 0 : i32
      %broadcast_in_dim3A_182 = vector.broadcast %jit3A_180 : i32 to vector<16xi32>
      %broadcast_in_dim3A_183 = vector.broadcast %jit3A_181 : i32 to vector<16xi32>
      %select_n3A_184 = arith.select %ge3A_179, %broadcast_in_dim3A_182, %broadcast_in_dim3A_183 : vector<16xi1>, vector<16xi32>
      %add3A_185 = arith.addi %add3A_149, %select_n3A_184 : vector<16xi32>
      %get3A_186 = arith.index_cast %scan3A_117 : i32 to index
      %get3A_187 = arith.constant 32 : index
      %get3A_188 = tpu.vector_load %arg6[%get3A_186, %get3A_187] {strides = array<i32>} : memref<392x128xf32, #tpu.memory_space<vmem>>, vector<16xf32>,
      %get3A_189 = arith.index_cast %scan3A_117 : i32 to index
      %get3A_190 = arith.constant 32 : index
      %get3A_191 = tpu.vector_load %arg5[%get3A_189, %get3A_190] {strides = array<i32>} : memref<392x128xf32, #tpu.memory_space<vmem>>, vector<16xf32>,
      %bitcast3A_192 = vector.bitcast %get3A_191 : vector<16xf32> to vector<16xi32>
      %shift_right_arithmetic3A_193 = arith.constant 31 : i32
      %shift_right_arithmetic3A_194 = vector.broadcast %shift_right_arithmetic3A_193 : i32 to vector<16xi32>
      %shift_right_arithmetic3A_195 = arith.shrsi %bitcast3A_192, %shift_right_arithmetic3A_194 : vector<16xi32>
      %and3A_196 = arith.constant 2147483647 : i32
      %and3A_197 = vector.broadcast %and3A_196 : i32 to vector<16xi32>
      %and3A_198 = arith.andi %shift_right_arithmetic3A_195, %and3A_197 : vector<16xi32>
      %xor3A_199 = arith.xori %bitcast3A_192, %and3A_198 : vector<16xi32>
      %bitcast3A_200 = vector.bitcast %xor3A_199 : vector<16xi32> to vector<16xf32>
      %swap3A_201 = arith.index_cast %scan3A_117 : i32 to index
      %swap3A_202 = arith.constant 32 : index
      %swap3A_203 = tpu.vector_load %arg5[%swap3A_201, %swap3A_202] {strides = array<i32>} : memref<392x128xf32, #tpu.memory_space<vmem>>, vector<16xf32>,
      tpu.vector_store %arg5[%swap3A_201, %swap3A_202], %bitcast3A_200 {strides = array<i32>} : memref<392x128xf32, #tpu.memory_space<vmem>>, vector<16xf32>,
      %gt3A_204 = arith.constant 1.000000e-01 : f32
      %gt3A_205 = vector.broadcast %gt3A_204 : f32 to vector<16xf32>
      %gt3A_206 = arith.cmpf ogt, %get3A_188, %gt3A_205 : vector<16xf32>
      %jit3A_207 = arith.constant 1 : i32
      %jit3A_208 = arith.constant 0 : i32
      %broadcast_in_dim3A_209 = vector.broadcast %jit3A_207 : i32 to vector<16xi32>
      %broadcast_in_dim3A_210 = vector.broadcast %jit3A_208 : i32 to vector<16xi32>
      %select_n3A_211 = arith.select %gt3A_206, %broadcast_in_dim3A_209, %broadcast_in_dim3A_210 : vector<16xi1>, vector<16xi32>
      %add3A_212 = arith.addi %add3A_176, %select_n3A_211 : vector<16xi32>
      %ge3A_213 = arith.constant 0 : i32
      %ge3A_214 = vector.broadcast %ge3A_213 : i32 to vector<16xi32>
      %ge3A_215 = arith.cmpi sge, %bitcast3A_192, %ge3A_214 : vector<16xi32>
      %jit3A_216 = arith.constant 1 : i32
      %jit3A_217 = arith.constant 0 : i32
      %broadcast_in_dim3A_218 = vector.broadcast %jit3A_216 : i32 to vector<16xi32>
      %broadcast_in_dim3A_219 = vector.broadcast %jit3A_217 : i32 to vector<16xi32>
      %select_n3A_220 = arith.select %ge3A_215, %broadcast_in_dim3A_218, %broadcast_in_dim3A_219 : vector<16xi1>, vector<16xi32>
      %add3A_221 = arith.addi %add3A_185, %select_n3A_220 : vector<16xi32>
      %get3A_222 = arith.index_cast %scan3A_117 : i32 to index
      %get3A_223 = arith.constant 48 : index
      %get3A_224 = tpu.vector_load %arg6[%get3A_222, %get3A_223] {strides = array<i32>} : memref<392x128xf32, #tpu.memory_space<vmem>>, vector<16xf32>,
      %get3A_225 = arith.index_cast %scan3A_117 : i32 to index
      %get3A_226 = arith.constant 48 : index
      %get3A_227 = tpu.vector_load %arg5[%get3A_225, %get3A_226] {strides = array<i32>} : memref<392x128xf32, #tpu.memory_space<vmem>>, vector<16xf32>,
      %bitcast3A_228 = vector.bitcast %get3A_227 : vector<16xf32> to vector<16xi32>
      %shift_right_arithmetic3A_229 = arith.constant 31 : i32
      %shift_right_arithmetic3A_230 = vector.broadcast %shift_right_arithmetic3A_229 : i32 to vector<16xi32>
      %shift_right_arithmetic3A_231 = arith.shrsi %bitcast3A_228, %shift_right_arithmetic3A_230 : vector<16xi32>
      %and3A_232 = arith.constant 2147483647 : i32
      %and3A_233 = vector.broadcast %and3A_232 : i32 to vector<16xi32>
      %and3A_234 = arith.andi %shift_right_arithmetic3A_231, %and3A_233 : vector<16xi32>
      %xor3A_235 = arith.xori %bitcast3A_228, %and3A_234 : vector<16xi32>
      %bitcast3A_236 = vector.bitcast %xor3A_235 : vector<16xi32> to vector<16xf32>
      %swap3A_237 = arith.index_cast %scan3A_117 : i32 to index
      %swap3A_238 = arith.constant 48 : index
      %swap3A_239 = tpu.vector_load %arg5[%swap3A_237, %swap3A_238] {strides = array<i32>} : memref<392x128xf32, #tpu.memory_space<vmem>>, vector<16xf32>,
      tpu.vector_store %arg5[%swap3A_237, %swap3A_238], %bitcast3A_236 {strides = array<i32>} : memref<392x128xf32, #tpu.memory_space<vmem>>, vector<16xf32>,
      %gt3A_240 = arith.constant 1.000000e-01 : f32
      %gt3A_241 = vector.broadcast %gt3A_240 : f32 to vector<16xf32>
      %gt3A_242 = arith.cmpf ogt, %get3A_224, %gt3A_241 : vector<16xf32>
      %jit3A_243 = arith.constant 1 : i32
      %jit3A_244 = arith.constant 0 : i32
      %broadcast_in_dim3A_245 = vector.broadcast %jit3A_243 : i32 to vector<16xi32>
      %broadcast_in_dim3A_246 = vector.broadcast %jit3A_244 : i32 to vector<16xi32>
      %select_n3A_247 = arith.select %gt3A_242, %broadcast_in_dim3A_245, %broadcast_in_dim3A_246 : vector<16xi1>, vector<16xi32>
      %add3A_248 = arith.addi %add3A_212, %select_n3A_247 : vector<16xi32>
      %ge3A_249 = arith.constant 0 : i32
      %ge3A_250 = vector.broadcast %ge3A_249 : i32 to vector<16xi32>
      %ge3A_251 = arith.cmpi sge, %bitcast3A_228, %ge3A_250 : vector<16xi32>
      %jit3A_252 = arith.constant 1 : i32
      %jit3A_253 = arith.constant 0 : i32
      %broadcast_in_dim3A_254 = vector.broadcast %jit3A_252 : i32 to vector<16xi32>
      %broadcast_in_dim3A_255 = vector.broadcast %jit3A_253 : i32 to vector<16xi32>
      %select_n3A_256 = arith.select %ge3A_251, %broadcast_in_dim3A_254, %broadcast_in_dim3A_255 : vector<16xi1>, vector<16xi32>
      %add3A_257 = arith.addi %add3A_221, %select_n3A_256 : vector<16xi32>
      %get3A_258 = arith.index_cast %scan3A_117 : i32 to index
      %get3A_259 = arith.constant 64 : index
      %get3A_260 = tpu.vector_load %arg6[%get3A_258, %get3A_259] {strides = array<i32>} : memref<392x128xf32, #tpu.memory_space<vmem>>, vector<16xf32>,
      %get3A_261 = arith.index_cast %scan3A_117 : i32 to index
      %get3A_262 = arith.constant 64 : index
      %get3A_263 = tpu.vector_load %arg5[%get3A_261, %get3A_262] {strides = array<i32>} : memref<392x128xf32, #tpu.memory_space<vmem>>, vector<16xf32>,
      %bitcast3A_264 = vector.bitcast %get3A_263 : vector<16xf32> to vector<16xi32>
      %shift_right_arithmetic3A_265 = arith.constant 31 : i32
      %shift_right_arithmetic3A_266 = vector.broadcast %shift_right_arithmetic3A_265 : i32 to vector<16xi32>
      %shift_right_arithmetic3A_267 = arith.shrsi %bitcast3A_264, %shift_right_arithmetic3A_266 : vector<16xi32>
      %and3A_268 = arith.constant 2147483647 : i32
      %and3A_269 = vector.broadcast %and3A_268 : i32 to vector<16xi32>
      %and3A_270 = arith.andi %shift_right_arithmetic3A_267, %and3A_269 : vector<16xi32>
      %xor3A_271 = arith.xori %bitcast3A_264, %and3A_270 : vector<16xi32>
      %bitcast3A_272 = vector.bitcast %xor3A_271 : vector<16xi32> to vector<16xf32>
      %swap3A_273 = arith.index_cast %scan3A_117 : i32 to index
      %swap3A_274 = arith.constant 64 : index
      %swap3A_275 = tpu.vector_load %arg5[%swap3A_273, %swap3A_274] {strides = array<i32>} : memref<392x128xf32, #tpu.memory_space<vmem>>, vector<16xf32>,
      tpu.vector_store %arg5[%swap3A_273, %swap3A_274], %bitcast3A_272 {strides = array<i32>} : memref<392x128xf32, #tpu.memory_space<vmem>>, vector<16xf32>,
      %gt3A_276 = arith.constant 1.000000e-01 : f32
      %gt3A_277 = vector.broadcast %gt3A_276 : f32 to vector<16xf32>
      %gt3A_278 = arith.cmpf ogt, %get3A_260, %gt3A_277 : vector<16xf32>
      %jit3A_279 = arith.constant 1 : i32
      %jit3A_280 = arith.constant 0 : i32
      %broadcast_in_dim3A_281 = vector.broadcast %jit3A_279 : i32 to vector<16xi32>
      %broadcast_in_dim3A_282 = vector.broadcast %jit3A_280 : i32 to vector<16xi32>
      %select_n3A_283 = arith.select %gt3A_278, %broadcast_in_dim3A_281, %broadcast_in_dim3A_282 : vector<16xi1>, vector<16xi32>
      %add3A_284 = arith.addi %add3A_248, %select_n3A_283 : vector<16xi32>
      %ge3A_285 = arith.constant 0 : i32
      %ge3A_286 = vector.broadcast %ge3A_285 : i32 to vector<16xi32>
      %ge3A_287 = arith.cmpi sge, %bitcast3A_264, %ge3A_286 : vector<16xi32>
      %jit3A_288 = arith.constant 1 : i32
      %jit3A_289 = arith.constant 0 : i32
      %broadcast_in_dim3A_290 = vector.broadcast %jit3A_288 : i32 to vector<16xi32>
      %broadcast_in_dim3A_291 = vector.broadcast %jit3A_289 : i32 to vector<16xi32>
      %select_n3A_292 = arith.select %ge3A_287, %broadcast_in_dim3A_290, %broadcast_in_dim3A_291 : vector<16xi1>, vector<16xi32>
      %add3A_293 = arith.addi %add3A_257, %select_n3A_292 : vector<16xi32>
      %get3A_294 = arith.index_cast %scan3A_117 : i32 to index
      %get3A_295 = arith.constant 80 : index
      %get3A_296 = tpu.vector_load %arg6[%get3A_294, %get3A_295] {strides = array<i32>} : memref<392x128xf32, #tpu.memory_space<vmem>>, vector<16xf32>,
      %get3A_297 = arith.index_cast %scan3A_117 : i32 to index
      %get3A_298 = arith.constant 80 : index
      %get3A_299 = tpu.vector_load %arg5[%get3A_297, %get3A_298] {strides = array<i32>} : memref<392x128xf32, #tpu.memory_space<vmem>>, vector<16xf32>,
      %bitcast3A_300 = vector.bitcast %get3A_299 : vector<16xf32> to vector<16xi32>
      %shift_right_arithmetic3A_301 = arith.constant 31 : i32
      %shift_right_arithmetic3A_302 = vector.broadcast %shift_right_arithmetic3A_301 : i32 to vector<16xi32>
      %shift_right_arithmetic3A_303 = arith.shrsi %bitcast3A_300, %shift_right_arithmetic3A_302 : vector<16xi32>
      %and3A_304 = arith.constant 2147483647 : i32
      %and3A_305 = vector.broadcast %and3A_304 : i32 to vector<16xi32>
      %and3A_306 = arith.andi %shift_right_arithmetic3A_303, %and3A_305 : vector<16xi32>
      %xor3A_307 = arith.xori %bitcast3A_300, %and3A_306 : vector<16xi32>
      %bitcast3A_308 = vector.bitcast %xor3A_307 : vector<16xi32> to vector<16xf32>
      %swap3A_309 = arith.index_cast %scan3A_117 : i32 to index
      %swap3A_310 = arith.constant 80 : index
      %swap3A_311 = tpu.vector_load %arg5[%swap3A_309, %swap3A_310] {strides = array<i32>} : memref<392x128xf32, #tpu.memory_space<vmem>>, vector<16xf32>,
      tpu.vector_store %arg5[%swap3A_309, %swap3A_310], %bitcast3A_308 {strides = array<i32>} : memref<392x128xf32, #tpu.memory_space<vmem>>, vector<16xf32>,
      %gt3A_312 = arith.constant 1.000000e-01 : f32
      %gt3A_313 = vector.broadcast %gt3A_312 : f32 to vector<16xf32>
      %gt3A_314 = arith.cmpf ogt, %get3A_296, %gt3A_313 : vector<16xf32>
      %jit3A_315 = arith.constant 1 : i32
      %jit3A_316 = arith.constant 0 : i32
      %broadcast_in_dim3A_317 = vector.broadcast %jit3A_315 : i32 to vector<16xi32>
      %broadcast_in_dim3A_318 = vector.broadcast %jit3A_316 : i32 to vector<16xi32>
      %select_n3A_319 = arith.select %gt3A_314, %broadcast_in_dim3A_317, %broadcast_in_dim3A_318 : vector<16xi1>, vector<16xi32>
      %add3A_320 = arith.addi %add3A_284, %select_n3A_319 : vector<16xi32>
      %ge3A_321 = arith.constant 0 : i32
      %ge3A_322 = vector.broadcast %ge3A_321 : i32 to vector<16xi32>
      %ge3A_323 = arith.cmpi sge, %bitcast3A_300, %ge3A_322 : vector<16xi32>
      %jit3A_324 = arith.constant 1 : i32
      %jit3A_325 = arith.constant 0 : i32
      %broadcast_in_dim3A_326 = vector.broadcast %jit3A_324 : i32 to vector<16xi32>
      %broadcast_in_dim3A_327 = vector.broadcast %jit3A_325 : i32 to vector<16xi32>
      %select_n3A_328 = arith.select %ge3A_323, %broadcast_in_dim3A_326, %broadcast_in_dim3A_327 : vector<16xi1>, vector<16xi32>
      %add3A_329 = arith.addi %add3A_293, %select_n3A_328 : vector<16xi32>
      %get3A_330 = arith.index_cast %scan3A_117 : i32 to index
      %get3A_331 = arith.constant 96 : index
      %get3A_332 = tpu.vector_load %arg6[%get3A_330, %get3A_331] {strides = array<i32>} : memref<392x128xf32, #tpu.memory_space<vmem>>, vector<16xf32>,
      %get3A_333 = arith.index_cast %scan3A_117 : i32 to index
      %get3A_334 = arith.constant 96 : index
      %get3A_335 = tpu.vector_load %arg5[%get3A_333, %get3A_334] {strides = array<i32>} : memref<392x128xf32, #tpu.memory_space<vmem>>, vector<16xf32>,
      %bitcast3A_336 = vector.bitcast %get3A_335 : vector<16xf32> to vector<16xi32>
      %shift_right_arithmetic3A_337 = arith.constant 31 : i32
      %shift_right_arithmetic3A_338 = vector.broadcast %shift_right_arithmetic3A_337 : i32 to vector<16xi32>
      %shift_right_arithmetic3A_339 = arith.shrsi %bitcast3A_336, %shift_right_arithmetic3A_338 : vector<16xi32>
      %and3A_340 = arith.constant 2147483647 : i32
      %and3A_341 = vector.broadcast %and3A_340 : i32 to vector<16xi32>
      %and3A_342 = arith.andi %shift_right_arithmetic3A_339, %and3A_341 : vector<16xi32>
      %xor3A_343 = arith.xori %bitcast3A_336, %and3A_342 : vector<16xi32>
      %bitcast3A_344 = vector.bitcast %xor3A_343 : vector<16xi32> to vector<16xf32>
      %swap3A_345 = arith.index_cast %scan3A_117 : i32 to index
      %swap3A_346 = arith.constant 96 : index
      %swap3A_347 = tpu.vector_load %arg5[%swap3A_345, %swap3A_346] {strides = array<i32>} : memref<392x128xf32, #tpu.memory_space<vmem>>, vector<16xf32>,
      tpu.vector_store %arg5[%swap3A_345, %swap3A_346], %bitcast3A_344 {strides = array<i32>} : memref<392x128xf32, #tpu.memory_space<vmem>>, vector<16xf32>,
      %gt3A_348 = arith.constant 1.000000e-01 : f32
      %gt3A_349 = vector.broadcast %gt3A_348 : f32 to vector<16xf32>
      %gt3A_350 = arith.cmpf ogt, %get3A_332, %gt3A_349 : vector<16xf32>
      %jit3A_351 = arith.constant 1 : i32
      %jit3A_352 = arith.constant 0 : i32
      %broadcast_in_dim3A_353 = vector.broadcast %jit3A_351 : i32 to vector<16xi32>
      %broadcast_in_dim3A_354 = vector.broadcast %jit3A_352 : i32 to vector<16xi32>
      %select_n3A_355 = arith.select %gt3A_350, %broadcast_in_dim3A_353, %broadcast_in_dim3A_354 : vector<16xi1>, vector<16xi32>
      %add3A_356 = arith.addi %add3A_320, %select_n3A_355 : vector<16xi32>
      %ge3A_357 = arith.constant 0 : i32
      %ge3A_358 = vector.broadcast %ge3A_357 : i32 to vector<16xi32>
      %ge3A_359 = arith.cmpi sge, %bitcast3A_336, %ge3A_358 : vector<16xi32>
      %jit3A_360 = arith.constant 1 : i32
      %jit3A_361 = arith.constant 0 : i32
      %broadcast_in_dim3A_362 = vector.broadcast %jit3A_360 : i32 to vector<16xi32>
      %broadcast_in_dim3A_363 = vector.broadcast %jit3A_361 : i32 to vector<16xi32>
      %select_n3A_364 = arith.select %ge3A_359, %broadcast_in_dim3A_362, %broadcast_in_dim3A_363 : vector<16xi1>, vector<16xi32>
      %add3A_365 = arith.addi %add3A_329, %select_n3A_364 : vector<16xi32>
      %get3A_366 = arith.index_cast %scan3A_117 : i32 to index
      %get3A_367 = arith.constant 112 : index
      %get3A_368 = tpu.vector_load %arg6[%get3A_366, %get3A_367] {strides = array<i32>} : memref<392x128xf32, #tpu.memory_space<vmem>>, vector<16xf32>,
      %get3A_369 = arith.index_cast %scan3A_117 : i32 to index
      %get3A_370 = arith.constant 112 : index
      %get3A_371 = tpu.vector_load %arg5[%get3A_369, %get3A_370] {strides = array<i32>} : memref<392x128xf32, #tpu.memory_space<vmem>>, vector<16xf32>,
      %bitcast3A_372 = vector.bitcast %get3A_371 : vector<16xf32> to vector<16xi32>
      %shift_right_arithmetic3A_373 = arith.constant 31 : i32
      %shift_right_arithmetic3A_374 = vector.broadcast %shift_right_arithmetic3A_373 : i32 to vector<16xi32>
      %shift_right_arithmetic3A_375 = arith.shrsi %bitcast3A_372, %shift_right_arithmetic3A_374 : vector<16xi32>
      %and3A_376 = arith.constant 2147483647 : i32
      %and3A_377 = vector.broadcast %and3A_376 : i32 to vector<16xi32>
      %and3A_378 = arith.andi %shift_right_arithmetic3A_375, %and3A_377 : vector<16xi32>
      %xor3A_379 = arith.xori %bitcast3A_372, %and3A_378 : vector<16xi32>
      %bitcast3A_380 = vector.bitcast %xor3A_379 : vector<16xi32> to vector<16xf32>
      %swap3A_381 = arith.index_cast %scan3A_117 : i32 to index
      %swap3A_382 = arith.constant 112 : index
      %swap3A_383 = tpu.vector_load %arg5[%swap3A_381, %swap3A_382] {strides = array<i32>} : memref<392x128xf32, #tpu.memory_space<vmem>>, vector<16xf32>,
      tpu.vector_store %arg5[%swap3A_381, %swap3A_382], %bitcast3A_380 {strides = array<i32>} : memref<392x128xf32, #tpu.memory_space<vmem>>, vector<16xf32>,
      %gt3A_384 = arith.constant 1.000000e-01 : f32
      %gt3A_385 = vector.broadcast %gt3A_384 : f32 to vector<16xf32>
      %gt3A_386 = arith.cmpf ogt, %get3A_368, %gt3A_385 : vector<16xf32>
      %jit3A_387 = arith.constant 1 : i32
      %jit3A_388 = arith.constant 0 : i32
      %broadcast_in_dim3A_389 = vector.broadcast %jit3A_387 : i32 to vector<16xi32>
      %broadcast_in_dim3A_390 = vector.broadcast %jit3A_388 : i32 to vector<16xi32>
      %select_n3A_391 = arith.select %gt3A_386, %broadcast_in_dim3A_389, %broadcast_in_dim3A_390 : vector<16xi1>, vector<16xi32>
      %add3A_392 = arith.addi %add3A_356, %select_n3A_391 : vector<16xi32>
      %ge3A_393 = arith.constant 0 : i32
      %ge3A_394 = vector.broadcast %ge3A_393 : i32 to vector<16xi32>
      %ge3A_395 = arith.cmpi sge, %bitcast3A_372, %ge3A_394 : vector<16xi32>
      %jit3A_396 = arith.constant 1 : i32
      %jit3A_397 = arith.constant 0 : i32
      %broadcast_in_dim3A_398 = vector.broadcast %jit3A_396 : i32 to vector<16xi32>
      %broadcast_in_dim3A_399 = vector.broadcast %jit3A_397 : i32 to vector<16xi32>
      %select_n3A_400 = arith.select %ge3A_395, %broadcast_in_dim3A_398, %broadcast_in_dim3A_399 : vector<16xi1>, vector<16xi32>
      %add3A_401 = arith.addi %add3A_365, %select_n3A_400 : vector<16xi32>
      scf.yield %add3A_392, %add3A_401 : vector<16xi32>, vector<16xi32>
    }
    %scan3A_36 = arith.constant 392 : i32
    %reduce_sum3A = arith.constant true
    %reduce_sum3A_37 = vector.broadcast %reduce_sum3A : i1 to vector<16xi1>
    %reduce_sum3A_38 = tpu.scan <sum>, %scan3A_35#0 masked %reduce_sum3A_37 : vector<16xi32>, vector<16xi1> -> vector<16xi32>
    %reduce_sum3A_39 = vector.extract %reduce_sum3A_38[15] : i32 from vector<16xi32>
    %mul3A_40 = arith.constant 3 : i32
    %mul3A_41 = arith.muli %mul3A_40, %reduce_sum3A_39 : i32
    %min3A = arith.constant 50175 : i32
    %min3A_42 = arith.minsi %mul3A_41, %min3A : i32
    %reduce_sum3A_43 = arith.constant true
    %reduce_sum3A_44 = vector.broadcast %reduce_sum3A_43 : i1 to vector<16xi1>
    %reduce_sum3A_45 = tpu.scan <sum>, %scan3A_35#1 masked %reduce_sum3A_44 : vector<16xi32>, vector<16xi1> -> vector<16xi32>
    %reduce_sum3A_46 = vector.extract %reduce_sum3A_45[15] : i32 from vector<16xi32>
    %ge3A = arith.cmpi sge, %reduce_sum3A_46, %min3A_42 : i32
    %jit3A = arith.constant -2147483648 : i32
    %jit3A_47 = arith.constant 0 : i32
    %select_n3A = arith.select %ge3A, %jit3A, %jit3A_47 : i32
    %scan3A_48 = arith.constant 1 : i32
    %scan3A_49 = arith.constant 7 : i32
    %scan3A_50 = arith.addi %scan3A_48, %scan3A_49 : i32
    %scan3A_51 = arith.constant 1 : i32
    %scan3A_52 = scf.for %scan3A_117 = %scan3A_48 to %scan3A_50 step %scan3A_51 iter_args(%scan3A_118 = %select_n3A) -> (i32)  : i32 {
      %sub3A_119 = arith.constant 31 : i32
      %sub3A_120 = arith.subi %sub3A_119, %scan3A_117 : i32
      %shift_left3A = arith.constant 1 : i32
      %shift_left3A_121 = arith.shli %shift_left3A, %sub3A_120 : i32
      %or3A = arith.ori %scan3A_118, %shift_left3A_121 : i32
      %xor3A = arith.constant -2147483648 : i32
      %xor3A_122 = arith.xori %or3A, %xor3A : i32
      %scan3A_123 = arith.constant 0 : i32
      %scan3A_124 = arith.constant 392 : i32
      %scan3A_125 = arith.addi %scan3A_123, %scan3A_124 : i32
      %scan3A_126 = arith.constant 1 : i32
      %scan3A_127 = scf.for %scan3A_135 = %scan3A_123 to %scan3A_125 step %scan3A_126 iter_args(%scan3A_136 = %broadcast_in_dim3A_31) -> (vector<16xi32>)  : i32 {
        %get3A = arith.index_cast %scan3A_135 : i32 to index
        %get3A_137 = arith.constant 0 : index
        %get3A_138 = tpu.vector_load %arg5[%get3A, %get3A_137] {strides = array<i32>} : memref<392x128xf32, #tpu.memory_space<vmem>>, vector<16xf32>,
        %bitcast3A = vector.bitcast %get3A_138 : vector<16xf32> to vector<16xi32>
        %ge3A_139 = vector.broadcast %xor3A_122 : i32 to vector<16xi32>
        %ge3A_140 = arith.cmpi sge, %bitcast3A, %ge3A_139 : vector<16xi32>
        %jit3A_141 = arith.constant 1 : i32
        %jit3A_142 = arith.constant 0 : i32
        %broadcast_in_dim3A_143 = vector.broadcast %jit3A_141 : i32 to vector<16xi32>
        %broadcast_in_dim3A_144 = vector.broadcast %jit3A_142 : i32 to vector<16xi32>
        %select_n3A_145 = arith.select %ge3A_140, %broadcast_in_dim3A_143, %broadcast_in_dim3A_144 : vector<16xi1>, vector<16xi32>
        %add3A_146 = arith.addi %scan3A_136, %select_n3A_145 : vector<16xi32>
        %get3A_147 = arith.index_cast %scan3A_135 : i32 to index
        %get3A_148 = arith.constant 16 : index
        %get3A_149 = tpu.vector_load %arg5[%get3A_147, %get3A_148] {strides = array<i32>} : memref<392x128xf32, #tpu.memory_space<vmem>>, vector<16xf32>,
        %bitcast3A_150 = vector.bitcast %get3A_149 : vector<16xf32> to vector<16xi32>
        %ge3A_151 = vector.broadcast %xor3A_122 : i32 to vector<16xi32>
        %ge3A_152 = arith.cmpi sge, %bitcast3A_150, %ge3A_151 : vector<16xi32>
        %jit3A_153 = arith.constant 1 : i32
        %jit3A_154 = arith.constant 0 : i32
        %broadcast_in_dim3A_155 = vector.broadcast %jit3A_153 : i32 to vector<16xi32>
        %broadcast_in_dim3A_156 = vector.broadcast %jit3A_154 : i32 to vector<16xi32>
        %select_n3A_157 = arith.select %ge3A_152, %broadcast_in_dim3A_155, %broadcast_in_dim3A_156 : vector<16xi1>, vector<16xi32>
        %add3A_158 = arith.addi %add3A_146, %select_n3A_157 : vector<16xi32>
        %get3A_159 = arith.index_cast %scan3A_135 : i32 to index
        %get3A_160 = arith.constant 32 : index
        %get3A_161 = tpu.vector_load %arg5[%get3A_159, %get3A_160] {strides = array<i32>} : memref<392x128xf32, #tpu.memory_space<vmem>>, vector<16xf32>,
        %bitcast3A_162 = vector.bitcast %get3A_161 : vector<16xf32> to vector<16xi32>
        %ge3A_163 = vector.broadcast %xor3A_122 : i32 to vector<16xi32>
        %ge3A_164 = arith.cmpi sge, %bitcast3A_162, %ge3A_163 : vector<16xi32>
        %jit3A_165 = arith.constant 1 : i32
        %jit3A_166 = arith.constant 0 : i32
        %broadcast_in_dim3A_167 = vector.broadcast %jit3A_165 : i32 to vector<16xi32>
        %broadcast_in_dim3A_168 = vector.broadcast %jit3A_166 : i32 to vector<16xi32>
        %select_n3A_169 = arith.select %ge3A_164, %broadcast_in_dim3A_167, %broadcast_in_dim3A_168 : vector<16xi1>, vector<16xi32>
        %add3A_170 = arith.addi %add3A_158, %select_n3A_169 : vector<16xi32>
        %get3A_171 = arith.index_cast %scan3A_135 : i32 to index
        %get3A_172 = arith.constant 48 : index
        %get3A_173 = tpu.vector_load %arg5[%get3A_171, %get3A_172] {strides = array<i32>} : memref<392x128xf32, #tpu.memory_space<vmem>>, vector<16xf32>,
        %bitcast3A_174 = vector.bitcast %get3A_173 : vector<16xf32> to vector<16xi32>
        %ge3A_175 = vector.broadcast %xor3A_122 : i32 to vector<16xi32>
        %ge3A_176 = arith.cmpi sge, %bitcast3A_174, %ge3A_175 : vector<16xi32>
        %jit3A_177 = arith.constant 1 : i32
        %jit3A_178 = arith.constant 0 : i32
        %broadcast_in_dim3A_179 = vector.broadcast %jit3A_177 : i32 to vector<16xi32>
        %broadcast_in_dim3A_180 = vector.broadcast %jit3A_178 : i32 to vector<16xi32>
        %select_n3A_181 = arith.select %ge3A_176, %broadcast_in_dim3A_179, %broadcast_in_dim3A_180 : vector<16xi1>, vector<16xi32>
        %add3A_182 = arith.addi %add3A_170, %select_n3A_181 : vector<16xi32>
        %get3A_183 = arith.index_cast %scan3A_135 : i32 to index
        %get3A_184 = arith.constant 64 : index
        %get3A_185 = tpu.vector_load %arg5[%get3A_183, %get3A_184] {strides = array<i32>} : memref<392x128xf32, #tpu.memory_space<vmem>>, vector<16xf32>,
        %bitcast3A_186 = vector.bitcast %get3A_185 : vector<16xf32> to vector<16xi32>
        %ge3A_187 = vector.broadcast %xor3A_122 : i32 to vector<16xi32>
        %ge3A_188 = arith.cmpi sge, %bitcast3A_186, %ge3A_187 : vector<16xi32>
        %jit3A_189 = arith.constant 1 : i32
        %jit3A_190 = arith.constant 0 : i32
        %broadcast_in_dim3A_191 = vector.broadcast %jit3A_189 : i32 to vector<16xi32>
        %broadcast_in_dim3A_192 = vector.broadcast %jit3A_190 : i32 to vector<16xi32>
        %select_n3A_193 = arith.select %ge3A_188, %broadcast_in_dim3A_191, %broadcast_in_dim3A_192 : vector<16xi1>, vector<16xi32>
        %add3A_194 = arith.addi %add3A_182, %select_n3A_193 : vector<16xi32>
        %get3A_195 = arith.index_cast %scan3A_135 : i32 to index
        %get3A_196 = arith.constant 80 : index
        %get3A_197 = tpu.vector_load %arg5[%get3A_195, %get3A_196] {strides = array<i32>} : memref<392x128xf32, #tpu.memory_space<vmem>>, vector<16xf32>,
        %bitcast3A_198 = vector.bitcast %get3A_197 : vector<16xf32> to vector<16xi32>
        %ge3A_199 = vector.broadcast %xor3A_122 : i32 to vector<16xi32>
        %ge3A_200 = arith.cmpi sge, %bitcast3A_198, %ge3A_199 : vector<16xi32>
        %jit3A_201 = arith.constant 1 : i32
        %jit3A_202 = arith.constant 0 : i32
        %broadcast_in_dim3A_203 = vector.broadcast %jit3A_201 : i32 to vector<16xi32>
        %broadcast_in_dim3A_204 = vector.broadcast %jit3A_202 : i32 to vector<16xi32>
        %select_n3A_205 = arith.select %ge3A_200, %broadcast_in_dim3A_203, %broadcast_in_dim3A_204 : vector<16xi1>, vector<16xi32>
        %add3A_206 = arith.addi %add3A_194, %select_n3A_205 : vector<16xi32>
        %get3A_207 = arith.index_cast %scan3A_135 : i32 to index
        %get3A_208 = arith.constant 96 : index
        %get3A_209 = tpu.vector_load %arg5[%get3A_207, %get3A_208] {strides = array<i32>} : memref<392x128xf32, #tpu.memory_space<vmem>>, vector<16xf32>,
        %bitcast3A_210 = vector.bitcast %get3A_209 : vector<16xf32> to vector<16xi32>
        %ge3A_211 = vector.broadcast %xor3A_122 : i32 to vector<16xi32>
        %ge3A_212 = arith.cmpi sge, %bitcast3A_210, %ge3A_211 : vector<16xi32>
        %jit3A_213 = arith.constant 1 : i32
        %jit3A_214 = arith.constant 0 : i32
        %broadcast_in_dim3A_215 = vector.broadcast %jit3A_213 : i32 to vector<16xi32>
        %broadcast_in_dim3A_216 = vector.broadcast %jit3A_214 : i32 to vector<16xi32>
        %select_n3A_217 = arith.select %ge3A_212, %broadcast_in_dim3A_215, %broadcast_in_dim3A_216 : vector<16xi1>, vector<16xi32>
        %add3A_218 = arith.addi %add3A_206, %select_n3A_217 : vector<16xi32>
        %get3A_219 = arith.index_cast %scan3A_135 : i32 to index
        %get3A_220 = arith.constant 112 : index
        %get3A_221 = tpu.vector_load %arg5[%get3A_219, %get3A_220] {strides = array<i32>} : memref<392x128xf32, #tpu.memory_space<vmem>>, vector<16xf32>,
        %bitcast3A_222 = vector.bitcast %get3A_221 : vector<16xf32> to vector<16xi32>
        %ge3A_223 = vector.broadcast %xor3A_122 : i32 to vector<16xi32>
        %ge3A_224 = arith.cmpi sge, %bitcast3A_222, %ge3A_223 : vector<16xi32>
        %jit3A_225 = arith.constant 1 : i32
        %jit3A_226 = arith.constant 0 : i32
        %broadcast_in_dim3A_227 = vector.broadcast %jit3A_225 : i32 to vector<16xi32>
        %broadcast_in_dim3A_228 = vector.broadcast %jit3A_226 : i32 to vector<16xi32>
        %select_n3A_229 = arith.select %ge3A_224, %broadcast_in_dim3A_227, %broadcast_in_dim3A_228 : vector<16xi1>, vector<16xi32>
        %add3A_230 = arith.addi %add3A_218, %select_n3A_229 : vector<16xi32>
        scf.yield %add3A_230 : vector<16xi32>
      }
      %scan3A_128 = arith.constant 392 : i32
      %reduce_sum3A_129 = arith.constant true
      %reduce_sum3A_130 = vector.broadcast %reduce_sum3A_129 : i1 to vector<16xi1>
      %reduce_sum3A_131 = tpu.scan <sum>, %scan3A_127 masked %reduce_sum3A_130 : vector<16xi32>, vector<16xi1> -> vector<16xi32>
      %reduce_sum3A_132 = vector.extract %reduce_sum3A_131[15] : i32 from vector<16xi32>
      %ge3A_133 = arith.cmpi sge, %reduce_sum3A_132, %min3A_42 : i32
      %select_n3A_134 = arith.select %ge3A_133, %or3A, %scan3A_118 : i32
      scf.yield %select_n3A_134 : i32
    }
    %scan3A_53 = arith.constant 7 : i32
    %shift_right_logical3A = arith.constant 24 : i32
    %shift_right_logical3A_54 = arith.shrui %scan3A_52, %shift_right_logical3A : i32
    %scan3A_55 = arith.constant 0 : i32
    %scan3A_56 = arith.constant 392 : i32
    %scan3A_57 = arith.addi %scan3A_55, %scan3A_56 : i32
    %scan3A_58 = arith.constant 1 : i32
    %scan3A_59:9 = scf.for %scan3A_117 = %scan3A_55 to %scan3A_57 step %scan3A_58 iter_args(%scan3A_118 = %broadcast_in_dim3A_31, %scan3A_119 = %broadcast_in_dim3A_31, %scan3A_120 = %broadcast_in_dim3A_31, %scan3A_121 = %broadcast_in_dim3A_31, %scan3A_122 = %broadcast_in_dim3A_31, %scan3A_123 = %broadcast_in_dim3A_31, %scan3A_124 = %broadcast_in_dim3A_31, %scan3A_125 = %broadcast_in_dim3A_31, %scan3A_126 = %broadcast_in_dim3A_31) -> (vector<16xi32>, vector<16xi32>, vector<16xi32>, vector<16xi32>, vector<16xi32>, vector<16xi32>, vector<16xi32>, vector<16xi32>, vector<16xi32>)  : i32 {
      %get3A = arith.index_cast %scan3A_117 : i32 to index
      %get3A_127 = arith.constant 0 : index
      %get3A_128 = tpu.vector_load %arg5[%get3A, %get3A_127] {strides = array<i32>} : memref<392x128xf32, #tpu.memory_space<vmem>>, vector<16xf32>,
      %bitcast3A = vector.bitcast %get3A_128 : vector<16xf32> to vector<16xi32>
      %xor3A = arith.constant -2147483648 : i32
      %xor3A_129 = vector.broadcast %xor3A : i32 to vector<16xi32>
      %xor3A_130 = arith.xori %bitcast3A, %xor3A_129 : vector<16xi32>
      %shift_right_logical3A_131 = arith.constant 24 : i32
      %shift_right_logical3A_132 = vector.broadcast %shift_right_logical3A_131 : i32 to vector<16xi32>
      %shift_right_logical3A_133 = arith.shrui %xor3A_130, %shift_right_logical3A_132 : vector<16xi32>
      %eq3A_134 = vector.broadcast %shift_right_logical3A_54 : i32 to vector<16xi32>
      %eq3A_135 = arith.cmpi eq, %shift_right_logical3A_133, %eq3A_134 : vector<16xi32>
      %min3A_136 = arith.constant 223 : i32
      %min3A_137 = vector.broadcast %min3A_136 : i32 to vector<16xi32>
      %min3A_138 = arith.minsi %scan3A_118, %min3A_137 : vector<16xi32>
      %add3A_139 = arith.constant 0 : i32
      %add3A_140 = vector.broadcast %add3A_139 : i32 to vector<16xi32>
      %add3A_141 = arith.addi %iota3A, %add3A_140 : vector<16xi32>
      %lt3A = arith.constant 224 : i32
      %lt3A_142 = vector.broadcast %lt3A : i32 to vector<16xi32>
      %lt3A_143 = arith.cmpi slt, %scan3A_118, %lt3A_142 : vector<16xi32>
      %and3A = arith.andi %eq3A_135, %lt3A_143 : vector<16xi1>
      tpu.vector_store_idx %arg7[%min3A_138, %add3A_141], %get3A_128 masked %and3A : memref<224x128xf32, #tpu.memory_space<vmem>>[vector<16xi32>, vector<16xi32>], vector<16xf32>, vector<16xi1>
      %jit3A_144 = arith.constant 1 : i32
      %jit3A_145 = arith.constant 0 : i32
      %broadcast_in_dim3A_146 = vector.broadcast %jit3A_144 : i32 to vector<16xi32>
      %broadcast_in_dim3A_147 = vector.broadcast %jit3A_145 : i32 to vector<16xi32>
      %select_n3A_148 = arith.select %eq3A_135, %broadcast_in_dim3A_146, %broadcast_in_dim3A_147 : vector<16xi1>, vector<16xi32>
      %add3A_149 = arith.addi %scan3A_118, %select_n3A_148 : vector<16xi32>
      %gt3A = vector.broadcast %shift_right_logical3A_54 : i32 to vector<16xi32>
      %gt3A_150 = arith.cmpi sgt, %shift_right_logical3A_133, %gt3A : vector<16xi32>
      %jit3A_151 = arith.constant 1 : i32
      %jit3A_152 = arith.constant 0 : i32
      %broadcast_in_dim3A_153 = vector.broadcast %jit3A_151 : i32 to vector<16xi32>
      %broadcast_in_dim3A_154 = vector.broadcast %jit3A_152 : i32 to vector<16xi32>
      %select_n3A_155 = arith.select %gt3A_150, %broadcast_in_dim3A_153, %broadcast_in_dim3A_154 : vector<16xi1>, vector<16xi32>
      %add3A_156 = arith.addi %scan3A_126, %select_n3A_155 : vector<16xi32>
      %get3A_157 = arith.index_cast %scan3A_117 : i32 to index
      %get3A_158 = arith.constant 16 : index
      %get3A_159 = tpu.vector_load %arg5[%get3A_157, %get3A_158] {strides = array<i32>} : memref<392x128xf32, #tpu.memory_space<vmem>>, vector<16xf32>,
      %bitcast3A_160 = vector.bitcast %get3A_159 : vector<16xf32> to vector<16xi32>
      %xor3A_161 = arith.constant -2147483648 : i32
      %xor3A_162 = vector.broadcast %xor3A_161 : i32 to vector<16xi32>
      %xor3A_163 = arith.xori %bitcast3A_160, %xor3A_162 : vector<16xi32>
      %shift_right_logical3A_164 = arith.constant 24 : i32
      %shift_right_logical3A_165 = vector.broadcast %shift_right_logical3A_164 : i32 to vector<16xi32>
      %shift_right_logical3A_166 = arith.shrui %xor3A_163, %shift_right_logical3A_165 : vector<16xi32>
      %eq3A_167 = vector.broadcast %shift_right_logical3A_54 : i32 to vector<16xi32>
      %eq3A_168 = arith.cmpi eq, %shift_right_logical3A_166, %eq3A_167 : vector<16xi32>
      %min3A_169 = arith.constant 223 : i32
      %min3A_170 = vector.broadcast %min3A_169 : i32 to vector<16xi32>
      %min3A_171 = arith.minsi %scan3A_119, %min3A_170 : vector<16xi32>
      %add3A_172 = arith.constant 16 : i32
      %add3A_173 = vector.broadcast %add3A_172 : i32 to vector<16xi32>
      %add3A_174 = arith.addi %iota3A, %add3A_173 : vector<16xi32>
      %lt3A_175 = arith.constant 224 : i32
      %lt3A_176 = vector.broadcast %lt3A_175 : i32 to vector<16xi32>
      %lt3A_177 = arith.cmpi slt, %scan3A_119, %lt3A_176 : vector<16xi32>
      %and3A_178 = arith.andi %eq3A_168, %lt3A_177 : vector<16xi1>
      tpu.vector_store_idx %arg7[%min3A_171, %add3A_174], %get3A_159 masked %and3A_178 : memref<224x128xf32, #tpu.memory_space<vmem>>[vector<16xi32>, vector<16xi32>], vector<16xf32>, vector<16xi1>
      %jit3A_179 = arith.constant 1 : i32
      %jit3A_180 = arith.constant 0 : i32
      %broadcast_in_dim3A_181 = vector.broadcast %jit3A_179 : i32 to vector<16xi32>
      %broadcast_in_dim3A_182 = vector.broadcast %jit3A_180 : i32 to vector<16xi32>
      %select_n3A_183 = arith.select %eq3A_168, %broadcast_in_dim3A_181, %broadcast_in_dim3A_182 : vector<16xi1>, vector<16xi32>
      %add3A_184 = arith.addi %scan3A_119, %select_n3A_183 : vector<16xi32>
      %gt3A_185 = vector.broadcast %shift_right_logical3A_54 : i32 to vector<16xi32>
      %gt3A_186 = arith.cmpi sgt, %shift_right_logical3A_166, %gt3A_185 : vector<16xi32>
      %jit3A_187 = arith.constant 1 : i32
      %jit3A_188 = arith.constant 0 : i32
      %broadcast_in_dim3A_189 = vector.broadcast %jit3A_187 : i32 to vector<16xi32>
      %broadcast_in_dim3A_190 = vector.broadcast %jit3A_188 : i32 to vector<16xi32>
      %select_n3A_191 = arith.select %gt3A_186, %broadcast_in_dim3A_189, %broadcast_in_dim3A_190 : vector<16xi1>, vector<16xi32>
      %add3A_192 = arith.addi %add3A_156, %select_n3A_191 : vector<16xi32>
      %get3A_193 = arith.index_cast %scan3A_117 : i32 to index
      %get3A_194 = arith.constant 32 : index
      %get3A_195 = tpu.vector_load %arg5[%get3A_193, %get3A_194] {strides = array<i32>} : memref<392x128xf32, #tpu.memory_space<vmem>>, vector<16xf32>,
      %bitcast3A_196 = vector.bitcast %get3A_195 : vector<16xf32> to vector<16xi32>
      %xor3A_197 = arith.constant -2147483648 : i32
      %xor3A_198 = vector.broadcast %xor3A_197 : i32 to vector<16xi32>
      %xor3A_199 = arith.xori %bitcast3A_196, %xor3A_198 : vector<16xi32>
      %shift_right_logical3A_200 = arith.constant 24 : i32
      %shift_right_logical3A_201 = vector.broadcast %shift_right_logical3A_200 : i32 to vector<16xi32>
      %shift_right_logical3A_202 = arith.shrui %xor3A_199, %shift_right_logical3A_201 : vector<16xi32>
      %eq3A_203 = vector.broadcast %shift_right_logical3A_54 : i32 to vector<16xi32>
      %eq3A_204 = arith.cmpi eq, %shift_right_logical3A_202, %eq3A_203 : vector<16xi32>
      %min3A_205 = arith.constant 223 : i32
      %min3A_206 = vector.broadcast %min3A_205 : i32 to vector<16xi32>
      %min3A_207 = arith.minsi %scan3A_120, %min3A_206 : vector<16xi32>
      %add3A_208 = arith.constant 32 : i32
      %add3A_209 = vector.broadcast %add3A_208 : i32 to vector<16xi32>
      %add3A_210 = arith.addi %iota3A, %add3A_209 : vector<16xi32>
      %lt3A_211 = arith.constant 224 : i32
      %lt3A_212 = vector.broadcast %lt3A_211 : i32 to vector<16xi32>
      %lt3A_213 = arith.cmpi slt, %scan3A_120, %lt3A_212 : vector<16xi32>
      %and3A_214 = arith.andi %eq3A_204, %lt3A_213 : vector<16xi1>
      tpu.vector_store_idx %arg7[%min3A_207, %add3A_210], %get3A_195 masked %and3A_214 : memref<224x128xf32, #tpu.memory_space<vmem>>[vector<16xi32>, vector<16xi32>], vector<16xf32>, vector<16xi1>
      %jit3A_215 = arith.constant 1 : i32
      %jit3A_216 = arith.constant 0 : i32
      %broadcast_in_dim3A_217 = vector.broadcast %jit3A_215 : i32 to vector<16xi32>
      %broadcast_in_dim3A_218 = vector.broadcast %jit3A_216 : i32 to vector<16xi32>
      %select_n3A_219 = arith.select %eq3A_204, %broadcast_in_dim3A_217, %broadcast_in_dim3A_218 : vector<16xi1>, vector<16xi32>
      %add3A_220 = arith.addi %scan3A_120, %select_n3A_219 : vector<16xi32>
      %gt3A_221 = vector.broadcast %shift_right_logical3A_54 : i32 to vector<16xi32>
      %gt3A_222 = arith.cmpi sgt, %shift_right_logical3A_202, %gt3A_221 : vector<16xi32>
      %jit3A_223 = arith.constant 1 : i32
      %jit3A_224 = arith.constant 0 : i32
      %broadcast_in_dim3A_225 = vector.broadcast %jit3A_223 : i32 to vector<16xi32>
      %broadcast_in_dim3A_226 = vector.broadcast %jit3A_224 : i32 to vector<16xi32>
      %select_n3A_227 = arith.select %gt3A_222, %broadcast_in_dim3A_225, %broadcast_in_dim3A_226 : vector<16xi1>, vector<16xi32>
      %add3A_228 = arith.addi %add3A_192, %select_n3A_227 : vector<16xi32>
      %get3A_229 = arith.index_cast %scan3A_117 : i32 to index
      %get3A_230 = arith.constant 48 : index
      %get3A_231 = tpu.vector_load %arg5[%get3A_229, %get3A_230] {strides = array<i32>} : memref<392x128xf32, #tpu.memory_space<vmem>>, vector<16xf32>,
      %bitcast3A_232 = vector.bitcast %get3A_231 : vector<16xf32> to vector<16xi32>
      %xor3A_233 = arith.constant -2147483648 : i32
      %xor3A_234 = vector.broadcast %xor3A_233 : i32 to vector<16xi32>
      %xor3A_235 = arith.xori %bitcast3A_232, %xor3A_234 : vector<16xi32>
      %shift_right_logical3A_236 = arith.constant 24 : i32
      %shift_right_logical3A_237 = vector.broadcast %shift_right_logical3A_236 : i32 to vector<16xi32>
      %shift_right_logical3A_238 = arith.shrui %xor3A_235, %shift_right_logical3A_237 : vector<16xi32>
      %eq3A_239 = vector.broadcast %shift_right_logical3A_54 : i32 to vector<16xi32>
      %eq3A_240 = arith.cmpi eq, %shift_right_logical3A_238, %eq3A_239 : vector<16xi32>
      %min3A_241 = arith.constant 223 : i32
      %min3A_242 = vector.broadcast %min3A_241 : i32 to vector<16xi32>
      %min3A_243 = arith.minsi %scan3A_121, %min3A_242 : vector<16xi32>
      %add3A_244 = arith.constant 48 : i32
      %add3A_245 = vector.broadcast %add3A_244 : i32 to vector<16xi32>
      %add3A_246 = arith.addi %iota3A, %add3A_245 : vector<16xi32>
      %lt3A_247 = arith.constant 224 : i32
      %lt3A_248 = vector.broadcast %lt3A_247 : i32 to vector<16xi32>
      %lt3A_249 = arith.cmpi slt, %scan3A_121, %lt3A_248 : vector<16xi32>
      %and3A_250 = arith.andi %eq3A_240, %lt3A_249 : vector<16xi1>
      tpu.vector_store_idx %arg7[%min3A_243, %add3A_246], %get3A_231 masked %and3A_250 : memref<224x128xf32, #tpu.memory_space<vmem>>[vector<16xi32>, vector<16xi32>], vector<16xf32>, vector<16xi1>
      %jit3A_251 = arith.constant 1 : i32
      %jit3A_252 = arith.constant 0 : i32
      %broadcast_in_dim3A_253 = vector.broadcast %jit3A_251 : i32 to vector<16xi32>
      %broadcast_in_dim3A_254 = vector.broadcast %jit3A_252 : i32 to vector<16xi32>
      %select_n3A_255 = arith.select %eq3A_240, %broadcast_in_dim3A_253, %broadcast_in_dim3A_254 : vector<16xi1>, vector<16xi32>
      %add3A_256 = arith.addi %scan3A_121, %select_n3A_255 : vector<16xi32>
      %gt3A_257 = vector.broadcast %shift_right_logical3A_54 : i32 to vector<16xi32>
      %gt3A_258 = arith.cmpi sgt, %shift_right_logical3A_238, %gt3A_257 : vector<16xi32>
      %jit3A_259 = arith.constant 1 : i32
      %jit3A_260 = arith.constant 0 : i32
      %broadcast_in_dim3A_261 = vector.broadcast %jit3A_259 : i32 to vector<16xi32>
      %broadcast_in_dim3A_262 = vector.broadcast %jit3A_260 : i32 to vector<16xi32>
      %select_n3A_263 = arith.select %gt3A_258, %broadcast_in_dim3A_261, %broadcast_in_dim3A_262 : vector<16xi1>, vector<16xi32>
      %add3A_264 = arith.addi %add3A_228, %select_n3A_263 : vector<16xi32>
      %get3A_265 = arith.index_cast %scan3A_117 : i32 to index
      %get3A_266 = arith.constant 64 : index
      %get3A_267 = tpu.vector_load %arg5[%get3A_265, %get3A_266] {strides = array<i32>} : memref<392x128xf32, #tpu.memory_space<vmem>>, vector<16xf32>,
      %bitcast3A_268 = vector.bitcast %get3A_267 : vector<16xf32> to vector<16xi32>
      %xor3A_269 = arith.constant -2147483648 : i32
      %xor3A_270 = vector.broadcast %xor3A_269 : i32 to vector<16xi32>
      %xor3A_271 = arith.xori %bitcast3A_268, %xor3A_270 : vector<16xi32>
      %shift_right_logical3A_272 = arith.constant 24 : i32
      %shift_right_logical3A_273 = vector.broadcast %shift_right_logical3A_272 : i32 to vector<16xi32>
      %shift_right_logical3A_274 = arith.shrui %xor3A_271, %shift_right_logical3A_273 : vector<16xi32>
      %eq3A_275 = vector.broadcast %shift_right_logical3A_54 : i32 to vector<16xi32>
      %eq3A_276 = arith.cmpi eq, %shift_right_logical3A_274, %eq3A_275 : vector<16xi32>
      %min3A_277 = arith.constant 223 : i32
      %min3A_278 = vector.broadcast %min3A_277 : i32 to vector<16xi32>
      %min3A_279 = arith.minsi %scan3A_122, %min3A_278 : vector<16xi32>
      %add3A_280 = arith.constant 64 : i32
      %add3A_281 = vector.broadcast %add3A_280 : i32 to vector<16xi32>
      %add3A_282 = arith.addi %iota3A, %add3A_281 : vector<16xi32>
      %lt3A_283 = arith.constant 224 : i32
      %lt3A_284 = vector.broadcast %lt3A_283 : i32 to vector<16xi32>
      %lt3A_285 = arith.cmpi slt, %scan3A_122, %lt3A_284 : vector<16xi32>
      %and3A_286 = arith.andi %eq3A_276, %lt3A_285 : vector<16xi1>
      tpu.vector_store_idx %arg7[%min3A_279, %add3A_282], %get3A_267 masked %and3A_286 : memref<224x128xf32, #tpu.memory_space<vmem>>[vector<16xi32>, vector<16xi32>], vector<16xf32>, vector<16xi1>
      %jit3A_287 = arith.constant 1 : i32
      %jit3A_288 = arith.constant 0 : i32
      %broadcast_in_dim3A_289 = vector.broadcast %jit3A_287 : i32 to vector<16xi32>
      %broadcast_in_dim3A_290 = vector.broadcast %jit3A_288 : i32 to vector<16xi32>
      %select_n3A_291 = arith.select %eq3A_276, %broadcast_in_dim3A_289, %broadcast_in_dim3A_290 : vector<16xi1>, vector<16xi32>
      %add3A_292 = arith.addi %scan3A_122, %select_n3A_291 : vector<16xi32>
      %gt3A_293 = vector.broadcast %shift_right_logical3A_54 : i32 to vector<16xi32>
      %gt3A_294 = arith.cmpi sgt, %shift_right_logical3A_274, %gt3A_293 : vector<16xi32>
      %jit3A_295 = arith.constant 1 : i32
      %jit3A_296 = arith.constant 0 : i32
      %broadcast_in_dim3A_297 = vector.broadcast %jit3A_295 : i32 to vector<16xi32>
      %broadcast_in_dim3A_298 = vector.broadcast %jit3A_296 : i32 to vector<16xi32>
      %select_n3A_299 = arith.select %gt3A_294, %broadcast_in_dim3A_297, %broadcast_in_dim3A_298 : vector<16xi1>, vector<16xi32>
      %add3A_300 = arith.addi %add3A_264, %select_n3A_299 : vector<16xi32>
      %get3A_301 = arith.index_cast %scan3A_117 : i32 to index
      %get3A_302 = arith.constant 80 : index
      %get3A_303 = tpu.vector_load %arg5[%get3A_301, %get3A_302] {strides = array<i32>} : memref<392x128xf32, #tpu.memory_space<vmem>>, vector<16xf32>,
      %bitcast3A_304 = vector.bitcast %get3A_303 : vector<16xf32> to vector<16xi32>
      %xor3A_305 = arith.constant -2147483648 : i32
      %xor3A_306 = vector.broadcast %xor3A_305 : i32 to vector<16xi32>
      %xor3A_307 = arith.xori %bitcast3A_304, %xor3A_306 : vector<16xi32>
      %shift_right_logical3A_308 = arith.constant 24 : i32
      %shift_right_logical3A_309 = vector.broadcast %shift_right_logical3A_308 : i32 to vector<16xi32>
      %shift_right_logical3A_310 = arith.shrui %xor3A_307, %shift_right_logical3A_309 : vector<16xi32>
      %eq3A_311 = vector.broadcast %shift_right_logical3A_54 : i32 to vector<16xi32>
      %eq3A_312 = arith.cmpi eq, %shift_right_logical3A_310, %eq3A_311 : vector<16xi32>
      %min3A_313 = arith.constant 223 : i32
      %min3A_314 = vector.broadcast %min3A_313 : i32 to vector<16xi32>
      %min3A_315 = arith.minsi %scan3A_123, %min3A_314 : vector<16xi32>
      %add3A_316 = arith.constant 80 : i32
      %add3A_317 = vector.broadcast %add3A_316 : i32 to vector<16xi32>
      %add3A_318 = arith.addi %iota3A, %add3A_317 : vector<16xi32>
      %lt3A_319 = arith.constant 224 : i32
      %lt3A_320 = vector.broadcast %lt3A_319 : i32 to vector<16xi32>
      %lt3A_321 = arith.cmpi slt, %scan3A_123, %lt3A_320 : vector<16xi32>
      %and3A_322 = arith.andi %eq3A_312, %lt3A_321 : vector<16xi1>
      tpu.vector_store_idx %arg7[%min3A_315, %add3A_318], %get3A_303 masked %and3A_322 : memref<224x128xf32, #tpu.memory_space<vmem>>[vector<16xi32>, vector<16xi32>], vector<16xf32>, vector<16xi1>
      %jit3A_323 = arith.constant 1 : i32
      %jit3A_324 = arith.constant 0 : i32
      %broadcast_in_dim3A_325 = vector.broadcast %jit3A_323 : i32 to vector<16xi32>
      %broadcast_in_dim3A_326 = vector.broadcast %jit3A_324 : i32 to vector<16xi32>
      %select_n3A_327 = arith.select %eq3A_312, %broadcast_in_dim3A_325, %broadcast_in_dim3A_326 : vector<16xi1>, vector<16xi32>
      %add3A_328 = arith.addi %scan3A_123, %select_n3A_327 : vector<16xi32>
      %gt3A_329 = vector.broadcast %shift_right_logical3A_54 : i32 to vector<16xi32>
      %gt3A_330 = arith.cmpi sgt, %shift_right_logical3A_310, %gt3A_329 : vector<16xi32>
      %jit3A_331 = arith.constant 1 : i32
      %jit3A_332 = arith.constant 0 : i32
      %broadcast_in_dim3A_333 = vector.broadcast %jit3A_331 : i32 to vector<16xi32>
      %broadcast_in_dim3A_334 = vector.broadcast %jit3A_332 : i32 to vector<16xi32>
      %select_n3A_335 = arith.select %gt3A_330, %broadcast_in_dim3A_333, %broadcast_in_dim3A_334 : vector<16xi1>, vector<16xi32>
      %add3A_336 = arith.addi %add3A_300, %select_n3A_335 : vector<16xi32>
      %get3A_337 = arith.index_cast %scan3A_117 : i32 to index
      %get3A_338 = arith.constant 96 : index
      %get3A_339 = tpu.vector_load %arg5[%get3A_337, %get3A_338] {strides = array<i32>} : memref<392x128xf32, #tpu.memory_space<vmem>>, vector<16xf32>,
      %bitcast3A_340 = vector.bitcast %get3A_339 : vector<16xf32> to vector<16xi32>
      %xor3A_341 = arith.constant -2147483648 : i32
      %xor3A_342 = vector.broadcast %xor3A_341 : i32 to vector<16xi32>
      %xor3A_343 = arith.xori %bitcast3A_340, %xor3A_342 : vector<16xi32>
      %shift_right_logical3A_344 = arith.constant 24 : i32
      %shift_right_logical3A_345 = vector.broadcast %shift_right_logical3A_344 : i32 to vector<16xi32>
      %shift_right_logical3A_346 = arith.shrui %xor3A_343, %shift_right_logical3A_345 : vector<16xi32>
      %eq3A_347 = vector.broadcast %shift_right_logical3A_54 : i32 to vector<16xi32>
      %eq3A_348 = arith.cmpi eq, %shift_right_logical3A_346, %eq3A_347 : vector<16xi32>
      %min3A_349 = arith.constant 223 : i32
      %min3A_350 = vector.broadcast %min3A_349 : i32 to vector<16xi32>
      %min3A_351 = arith.minsi %scan3A_124, %min3A_350 : vector<16xi32>
      %add3A_352 = arith.constant 96 : i32
      %add3A_353 = vector.broadcast %add3A_352 : i32 to vector<16xi32>
      %add3A_354 = arith.addi %iota3A, %add3A_353 : vector<16xi32>
      %lt3A_355 = arith.constant 224 : i32
      %lt3A_356 = vector.broadcast %lt3A_355 : i32 to vector<16xi32>
      %lt3A_357 = arith.cmpi slt, %scan3A_124, %lt3A_356 : vector<16xi32>
      %and3A_358 = arith.andi %eq3A_348, %lt3A_357 : vector<16xi1>
      tpu.vector_store_idx %arg7[%min3A_351, %add3A_354], %get3A_339 masked %and3A_358 : memref<224x128xf32, #tpu.memory_space<vmem>>[vector<16xi32>, vector<16xi32>], vector<16xf32>, vector<16xi1>
      %jit3A_359 = arith.constant 1 : i32
      %jit3A_360 = arith.constant 0 : i32
      %broadcast_in_dim3A_361 = vector.broadcast %jit3A_359 : i32 to vector<16xi32>
      %broadcast_in_dim3A_362 = vector.broadcast %jit3A_360 : i32 to vector<16xi32>
      %select_n3A_363 = arith.select %eq3A_348, %broadcast_in_dim3A_361, %broadcast_in_dim3A_362 : vector<16xi1>, vector<16xi32>
      %add3A_364 = arith.addi %scan3A_124, %select_n3A_363 : vector<16xi32>
      %gt3A_365 = vector.broadcast %shift_right_logical3A_54 : i32 to vector<16xi32>
      %gt3A_366 = arith.cmpi sgt, %shift_right_logical3A_346, %gt3A_365 : vector<16xi32>
      %jit3A_367 = arith.constant 1 : i32
      %jit3A_368 = arith.constant 0 : i32
      %broadcast_in_dim3A_369 = vector.broadcast %jit3A_367 : i32 to vector<16xi32>
      %broadcast_in_dim3A_370 = vector.broadcast %jit3A_368 : i32 to vector<16xi32>
      %select_n3A_371 = arith.select %gt3A_366, %broadcast_in_dim3A_369, %broadcast_in_dim3A_370 : vector<16xi1>, vector<16xi32>
      %add3A_372 = arith.addi %add3A_336, %select_n3A_371 : vector<16xi32>
      %get3A_373 = arith.index_cast %scan3A_117 : i32 to index
      %get3A_374 = arith.constant 112 : index
      %get3A_375 = tpu.vector_load %arg5[%get3A_373, %get3A_374] {strides = array<i32>} : memref<392x128xf32, #tpu.memory_space<vmem>>, vector<16xf32>,
      %bitcast3A_376 = vector.bitcast %get3A_375 : vector<16xf32> to vector<16xi32>
      %xor3A_377 = arith.constant -2147483648 : i32
      %xor3A_378 = vector.broadcast %xor3A_377 : i32 to vector<16xi32>
      %xor3A_379 = arith.xori %bitcast3A_376, %xor3A_378 : vector<16xi32>
      %shift_right_logical3A_380 = arith.constant 24 : i32
      %shift_right_logical3A_381 = vector.broadcast %shift_right_logical3A_380 : i32 to vector<16xi32>
      %shift_right_logical3A_382 = arith.shrui %xor3A_379, %shift_right_logical3A_381 : vector<16xi32>
      %eq3A_383 = vector.broadcast %shift_right_logical3A_54 : i32 to vector<16xi32>
      %eq3A_384 = arith.cmpi eq, %shift_right_logical3A_382, %eq3A_383 : vector<16xi32>
      %min3A_385 = arith.constant 223 : i32
      %min3A_386 = vector.broadcast %min3A_385 : i32 to vector<16xi32>
      %min3A_387 = arith.minsi %scan3A_125, %min3A_386 : vector<16xi32>
      %add3A_388 = arith.constant 112 : i32
      %add3A_389 = vector.broadcast %add3A_388 : i32 to vector<16xi32>
      %add3A_390 = arith.addi %iota3A, %add3A_389 : vector<16xi32>
      %lt3A_391 = arith.constant 224 : i32
      %lt3A_392 = vector.broadcast %lt3A_391 : i32 to vector<16xi32>
      %lt3A_393 = arith.cmpi slt, %scan3A_125, %lt3A_392 : vector<16xi32>
      %and3A_394 = arith.andi %eq3A_384, %lt3A_393 : vector<16xi1>
      tpu.vector_store_idx %arg7[%min3A_387, %add3A_390], %get3A_375 masked %and3A_394 : memref<224x128xf32, #tpu.memory_space<vmem>>[vector<16xi32>, vector<16xi32>], vector<16xf32>, vector<16xi1>
      %jit3A_395 = arith.constant 1 : i32
      %jit3A_396 = arith.constant 0 : i32
      %broadcast_in_dim3A_397 = vector.broadcast %jit3A_395 : i32 to vector<16xi32>
      %broadcast_in_dim3A_398 = vector.broadcast %jit3A_396 : i32 to vector<16xi32>
      %select_n3A_399 = arith.select %eq3A_384, %broadcast_in_dim3A_397, %broadcast_in_dim3A_398 : vector<16xi1>, vector<16xi32>
      %add3A_400 = arith.addi %scan3A_125, %select_n3A_399 : vector<16xi32>
      %gt3A_401 = vector.broadcast %shift_right_logical3A_54 : i32 to vector<16xi32>
      %gt3A_402 = arith.cmpi sgt, %shift_right_logical3A_382, %gt3A_401 : vector<16xi32>
      %jit3A_403 = arith.constant 1 : i32
      %jit3A_404 = arith.constant 0 : i32
      %broadcast_in_dim3A_405 = vector.broadcast %jit3A_403 : i32 to vector<16xi32>
      %broadcast_in_dim3A_406 = vector.broadcast %jit3A_404 : i32 to vector<16xi32>
      %select_n3A_407 = arith.select %gt3A_402, %broadcast_in_dim3A_405, %broadcast_in_dim3A_406 : vector<16xi1>, vector<16xi32>
      %add3A_408 = arith.addi %add3A_372, %select_n3A_407 : vector<16xi32>
      scf.yield %add3A_149, %add3A_184, %add3A_220, %add3A_256, %add3A_292, %add3A_328, %add3A_364, %add3A_400, %add3A_408 : vector<16xi32>, vector<16xi32>, vector<16xi32>, vector<16xi32>, vector<16xi32>, vector<16xi32>, vector<16xi32>, vector<16xi32>, vector<16xi32>
    }
    %scan3A_60 = arith.constant 392 : i32
    %reduce_sum3A_61 = arith.constant true
    %reduce_sum3A_62 = vector.broadcast %reduce_sum3A_61 : i1 to vector<16xi1>
    %reduce_sum3A_63 = tpu.scan <sum>, %scan3A_59#8 masked %reduce_sum3A_62 : vector<16xi32>, vector<16xi1> -> vector<16xi32>
    %reduce_sum3A_64 = vector.extract %reduce_sum3A_63[15] : i32 from vector<16xi32>
    %max3A = arith.maxsi %scan3A_59#0, %scan3A_59#1 : vector<16xi32>
    %max3A_65 = arith.maxsi %max3A, %scan3A_59#2 : vector<16xi32>
    %max3A_66 = arith.maxsi %max3A_65, %scan3A_59#3 : vector<16xi32>
    %max3A_67 = arith.maxsi %max3A_66, %scan3A_59#4 : vector<16xi32>
    %max3A_68 = arith.maxsi %max3A_67, %scan3A_59#5 : vector<16xi32>
    %max3A_69 = arith.maxsi %max3A_68, %scan3A_59#6 : vector<16xi32>
    %max3A_70 = arith.maxsi %max3A_69, %scan3A_59#7 : vector<16xi32>
    %reduce_max3A = arith.constant true
    %reduce_max3A_71 = vector.broadcast %reduce_max3A : i1 to vector<16xi1>
    %reduce_max3A_72 = arith.constant -2147483648 : i32
    %reduce_max3A_73 = vector.broadcast %reduce_max3A_72 : i32 to vector<16xi32>
    %reduce_max3A_74 = arith.xori %max3A_70, %reduce_max3A_73 : vector<16xi32>
    %reduce_max3A_75 = tpu.scan <max>, %reduce_max3A_74 masked %reduce_max3A_71 : vector<16xi32>, vector<16xi1> -> vector<16xi32>
    %reduce_max3A_76 = arith.xori %reduce_max3A_75, %reduce_max3A_73 : vector<16xi32>
    %reduce_max3A_77 = vector.extract %reduce_max3A_76[15] : i32 from vector<16xi32>
    %le3A = arith.constant 224 : i32
    %le3A_78 = arith.cmpi sle, %reduce_max3A_77, %le3A : i32
    %convert_element_type3A = arith.extui %le3A_78 : i1 to i32
    %cond3A = arith.constant 0 : i32
    %cond3A_79 = arith.constant 0 : i32
    %cond3A_80 = arith.cmpi ne, %convert_element_type3A, %cond3A_79 : i32
    %cond3A_81:3 = scf.if %cond3A_80 -> (i32, i32, i32) {
      %scan3A_117 = arith.constant 0 : i32
      %scan3A_118 = arith.constant 24 : i32
      %scan3A_119 = arith.addi %scan3A_117, %scan3A_118 : i32
      %scan3A_120 = arith.constant 1 : i32
      %scan3A_121 = scf.for %scan3A_144 = %scan3A_117 to %scan3A_119 step %scan3A_120 iter_args(%scan3A_145 = %scan3A_52) -> (i32)  : i32 {
        %sub3A_146 = arith.constant 23 : i32
        %sub3A_147 = arith.subi %sub3A_146, %scan3A_144 : i32
        %shift_left3A = arith.constant 1 : i32
        %shift_left3A_148 = arith.shli %shift_left3A, %sub3A_147 : i32
        %or3A = arith.ori %scan3A_145, %shift_left3A_148 : i32
        %xor3A_149 = arith.constant -2147483648 : i32
        %xor3A_150 = arith.xori %or3A, %xor3A_149 : i32
        %while3A_151 = arith.constant 0 : i32
        %while3A_152 = arith.subi %reduce_max3A_77, %while3A_151 : i32
        %while3A_153 = arith.addi %while3A_151, %while3A_152 : i32
        %while3A_154 = arith.constant 1 : i32
        %while3A_155 = arith.divsi %while3A_152, %while3A_154 : i32
        %while3A_156 = arith.muli %while3A_155, %while3A_154 : i32
        %while3A_157 = arith.addi %while3A_151, %while3A_156 : i32
        %while3A_158 = arith.constant 1 : i32
        %while3A_159 = scf.for %while3A_169 = %while3A_151 to %while3A_157 step %while3A_158 iter_args(%while3A_170 = %broadcast_in_dim3A_31) -> (vector<16xi32>)  : i32 {
          %get3A = arith.index_cast %while3A_169 : i32 to index
          %get3A_171 = arith.constant 0 : index
          %get3A_172 = tpu.vector_load %arg7[%get3A, %get3A_171] {strides = array<i32>} : memref<224x128xf32, #tpu.memory_space<vmem>>, vector<16xf32>,
          %bitcast3A = vector.bitcast %get3A_172 : vector<16xf32> to vector<16xi32>
          %lt3A = vector.broadcast %while3A_169 : i32 to vector<16xi32>
          %lt3A_173 = arith.cmpi slt, %lt3A, %scan3A_59#0 : vector<16xi32>
          %ge3A_174 = vector.broadcast %xor3A_150 : i32 to vector<16xi32>
          %ge3A_175 = arith.cmpi sge, %bitcast3A, %ge3A_174 : vector<16xi32>
          %and3A = arith.andi %lt3A_173, %ge3A_175 : vector<16xi1>
          %jit3A_176 = arith.constant 1 : i32
          %jit3A_177 = arith.constant 0 : i32
          %broadcast_in_dim3A_178 = vector.broadcast %jit3A_176 : i32 to vector<16xi32>
          %broadcast_in_dim3A_179 = vector.broadcast %jit3A_177 : i32 to vector<16xi32>
          %select_n3A_180 = arith.select %and3A, %broadcast_in_dim3A_178, %broadcast_in_dim3A_179 : vector<16xi1>, vector<16xi32>
          %add3A_181 = arith.addi %while3A_170, %select_n3A_180 : vector<16xi32>
          %get3A_182 = arith.index_cast %while3A_169 : i32 to index
          %get3A_183 = arith.constant 16 : index
          %get3A_184 = tpu.vector_load %arg7[%get3A_182, %get3A_183] {strides = array<i32>} : memref<224x128xf32, #tpu.memory_space<vmem>>, vector<16xf32>,
          %bitcast3A_185 = vector.bitcast %get3A_184 : vector<16xf32> to vector<16xi32>
          %lt3A_186 = vector.broadcast %while3A_169 : i32 to vector<16xi32>
          %lt3A_187 = arith.cmpi slt, %lt3A_186, %scan3A_59#1 : vector<16xi32>
          %ge3A_188 = vector.broadcast %xor3A_150 : i32 to vector<16xi32>
          %ge3A_189 = arith.cmpi sge, %bitcast3A_185, %ge3A_188 : vector<16xi32>
          %and3A_190 = arith.andi %lt3A_187, %ge3A_189 : vector<16xi1>
          %jit3A_191 = arith.constant 1 : i32
          %jit3A_192 = arith.constant 0 : i32
          %broadcast_in_dim3A_193 = vector.broadcast %jit3A_191 : i32 to vector<16xi32>
          %broadcast_in_dim3A_194 = vector.broadcast %jit3A_192 : i32 to vector<16xi32>
          %select_n3A_195 = arith.select %and3A_190, %broadcast_in_dim3A_193, %broadcast_in_dim3A_194 : vector<16xi1>, vector<16xi32>
          %add3A_196 = arith.addi %add3A_181, %select_n3A_195 : vector<16xi32>
          %get3A_197 = arith.index_cast %while3A_169 : i32 to index
          %get3A_198 = arith.constant 32 : index
          %get3A_199 = tpu.vector_load %arg7[%get3A_197, %get3A_198] {strides = array<i32>} : memref<224x128xf32, #tpu.memory_space<vmem>>, vector<16xf32>,
          %bitcast3A_200 = vector.bitcast %get3A_199 : vector<16xf32> to vector<16xi32>
          %lt3A_201 = vector.broadcast %while3A_169 : i32 to vector<16xi32>
          %lt3A_202 = arith.cmpi slt, %lt3A_201, %scan3A_59#2 : vector<16xi32>
          %ge3A_203 = vector.broadcast %xor3A_150 : i32 to vector<16xi32>
          %ge3A_204 = arith.cmpi sge, %bitcast3A_200, %ge3A_203 : vector<16xi32>
          %and3A_205 = arith.andi %lt3A_202, %ge3A_204 : vector<16xi1>
          %jit3A_206 = arith.constant 1 : i32
          %jit3A_207 = arith.constant 0 : i32
          %broadcast_in_dim3A_208 = vector.broadcast %jit3A_206 : i32 to vector<16xi32>
          %broadcast_in_dim3A_209 = vector.broadcast %jit3A_207 : i32 to vector<16xi32>
          %select_n3A_210 = arith.select %and3A_205, %broadcast_in_dim3A_208, %broadcast_in_dim3A_209 : vector<16xi1>, vector<16xi32>
          %add3A_211 = arith.addi %add3A_196, %select_n3A_210 : vector<16xi32>
          %get3A_212 = arith.index_cast %while3A_169 : i32 to index
          %get3A_213 = arith.constant 48 : index
          %get3A_214 = tpu.vector_load %arg7[%get3A_212, %get3A_213] {strides = array<i32>} : memref<224x128xf32, #tpu.memory_space<vmem>>, vector<16xf32>,
          %bitcast3A_215 = vector.bitcast %get3A_214 : vector<16xf32> to vector<16xi32>
          %lt3A_216 = vector.broadcast %while3A_169 : i32 to vector<16xi32>
          %lt3A_217 = arith.cmpi slt, %lt3A_216, %scan3A_59#3 : vector<16xi32>
          %ge3A_218 = vector.broadcast %xor3A_150 : i32 to vector<16xi32>
          %ge3A_219 = arith.cmpi sge, %bitcast3A_215, %ge3A_218 : vector<16xi32>
          %and3A_220 = arith.andi %lt3A_217, %ge3A_219 : vector<16xi1>
          %jit3A_221 = arith.constant 1 : i32
          %jit3A_222 = arith.constant 0 : i32
          %broadcast_in_dim3A_223 = vector.broadcast %jit3A_221 : i32 to vector<16xi32>
          %broadcast_in_dim3A_224 = vector.broadcast %jit3A_222 : i32 to vector<16xi32>
          %select_n3A_225 = arith.select %and3A_220, %broadcast_in_dim3A_223, %broadcast_in_dim3A_224 : vector<16xi1>, vector<16xi32>
          %add3A_226 = arith.addi %add3A_211, %select_n3A_225 : vector<16xi32>
          %get3A_227 = arith.index_cast %while3A_169 : i32 to index
          %get3A_228 = arith.constant 64 : index
          %get3A_229 = tpu.vector_load %arg7[%get3A_227, %get3A_228] {strides = array<i32>} : memref<224x128xf32, #tpu.memory_space<vmem>>, vector<16xf32>,
          %bitcast3A_230 = vector.bitcast %get3A_229 : vector<16xf32> to vector<16xi32>
          %lt3A_231 = vector.broadcast %while3A_169 : i32 to vector<16xi32>
          %lt3A_232 = arith.cmpi slt, %lt3A_231, %scan3A_59#4 : vector<16xi32>
          %ge3A_233 = vector.broadcast %xor3A_150 : i32 to vector<16xi32>
          %ge3A_234 = arith.cmpi sge, %bitcast3A_230, %ge3A_233 : vector<16xi32>
          %and3A_235 = arith.andi %lt3A_232, %ge3A_234 : vector<16xi1>
          %jit3A_236 = arith.constant 1 : i32
          %jit3A_237 = arith.constant 0 : i32
          %broadcast_in_dim3A_238 = vector.broadcast %jit3A_236 : i32 to vector<16xi32>
          %broadcast_in_dim3A_239 = vector.broadcast %jit3A_237 : i32 to vector<16xi32>
          %select_n3A_240 = arith.select %and3A_235, %broadcast_in_dim3A_238, %broadcast_in_dim3A_239 : vector<16xi1>, vector<16xi32>
          %add3A_241 = arith.addi %add3A_226, %select_n3A_240 : vector<16xi32>
          %get3A_242 = arith.index_cast %while3A_169 : i32 to index
          %get3A_243 = arith.constant 80 : index
          %get3A_244 = tpu.vector_load %arg7[%get3A_242, %get3A_243] {strides = array<i32>} : memref<224x128xf32, #tpu.memory_space<vmem>>, vector<16xf32>,
          %bitcast3A_245 = vector.bitcast %get3A_244 : vector<16xf32> to vector<16xi32>
          %lt3A_246 = vector.broadcast %while3A_169 : i32 to vector<16xi32>
          %lt3A_247 = arith.cmpi slt, %lt3A_246, %scan3A_59#5 : vector<16xi32>
          %ge3A_248 = vector.broadcast %xor3A_150 : i32 to vector<16xi32>
          %ge3A_249 = arith.cmpi sge, %bitcast3A_245, %ge3A_248 : vector<16xi32>
          %and3A_250 = arith.andi %lt3A_247, %ge3A_249 : vector<16xi1>
          %jit3A_251 = arith.constant 1 : i32
          %jit3A_252 = arith.constant 0 : i32
          %broadcast_in_dim3A_253 = vector.broadcast %jit3A_251 : i32 to vector<16xi32>
          %broadcast_in_dim3A_254 = vector.broadcast %jit3A_252 : i32 to vector<16xi32>
          %select_n3A_255 = arith.select %and3A_250, %broadcast_in_dim3A_253, %broadcast_in_dim3A_254 : vector<16xi1>, vector<16xi32>
          %add3A_256 = arith.addi %add3A_241, %select_n3A_255 : vector<16xi32>
          %get3A_257 = arith.index_cast %while3A_169 : i32 to index
          %get3A_258 = arith.constant 96 : index
          %get3A_259 = tpu.vector_load %arg7[%get3A_257, %get3A_258] {strides = array<i32>} : memref<224x128xf32, #tpu.memory_space<vmem>>, vector<16xf32>,
          %bitcast3A_260 = vector.bitcast %get3A_259 : vector<16xf32> to vector<16xi32>
          %lt3A_261 = vector.broadcast %while3A_169 : i32 to vector<16xi32>
          %lt3A_262 = arith.cmpi slt, %lt3A_261, %scan3A_59#6 : vector<16xi32>
          %ge3A_263 = vector.broadcast %xor3A_150 : i32 to vector<16xi32>
          %ge3A_264 = arith.cmpi sge, %bitcast3A_260, %ge3A_263 : vector<16xi32>
          %and3A_265 = arith.andi %lt3A_262, %ge3A_264 : vector<16xi1>
          %jit3A_266 = arith.constant 1 : i32
          %jit3A_267 = arith.constant 0 : i32
          %broadcast_in_dim3A_268 = vector.broadcast %jit3A_266 : i32 to vector<16xi32>
          %broadcast_in_dim3A_269 = vector.broadcast %jit3A_267 : i32 to vector<16xi32>
          %select_n3A_270 = arith.select %and3A_265, %broadcast_in_dim3A_268, %broadcast_in_dim3A_269 : vector<16xi1>, vector<16xi32>
          %add3A_271 = arith.addi %add3A_256, %select_n3A_270 : vector<16xi32>
          %get3A_272 = arith.index_cast %while3A_169 : i32 to index
          %get3A_273 = arith.constant 112 : index
          %get3A_274 = tpu.vector_load %arg7[%get3A_272, %get3A_273] {strides = array<i32>} : memref<224x128xf32, #tpu.memory_space<vmem>>, vector<16xf32>,
          %bitcast3A_275 = vector.bitcast %get3A_274 : vector<16xf32> to vector<16xi32>
          %lt3A_276 = vector.broadcast %while3A_169 : i32 to vector<16xi32>
          %lt3A_277 = arith.cmpi slt, %lt3A_276, %scan3A_59#7 : vector<16xi32>
          %ge3A_278 = vector.broadcast %xor3A_150 : i32 to vector<16xi32>
          %ge3A_279 = arith.cmpi sge, %bitcast3A_275, %ge3A_278 : vector<16xi32>
          %and3A_280 = arith.andi %lt3A_277, %ge3A_279 : vector<16xi1>
          %jit3A_281 = arith.constant 1 : i32
          %jit3A_282 = arith.constant 0 : i32
          %broadcast_in_dim3A_283 = vector.broadcast %jit3A_281 : i32 to vector<16xi32>
          %broadcast_in_dim3A_284 = vector.broadcast %jit3A_282 : i32 to vector<16xi32>
          %select_n3A_285 = arith.select %and3A_280, %broadcast_in_dim3A_283, %broadcast_in_dim3A_284 : vector<16xi1>, vector<16xi32>
          %add3A_286 = arith.addi %add3A_271, %select_n3A_285 : vector<16xi32>
          scf.yield %add3A_286 : vector<16xi32>
        }
        %while3A_160 = arith.constant 1 : i32
        %while3A_161 = scf.for %while3A_169 = %while3A_157 to %while3A_153 step %while3A_160 iter_args(%while3A_170 = %while3A_159) -> (vector<16xi32>)  : i32 {
          %get3A = arith.index_cast %while3A_169 : i32 to index
          %get3A_171 = arith.constant 0 : index
          %get3A_172 = tpu.vector_load %arg7[%get3A, %get3A_171] {strides = array<i32>} : memref<224x128xf32, #tpu.memory_space<vmem>>, vector<16xf32>,
          %bitcast3A = vector.bitcast %get3A_172 : vector<16xf32> to vector<16xi32>
          %lt3A = vector.broadcast %while3A_169 : i32 to vector<16xi32>
          %lt3A_173 = arith.cmpi slt, %lt3A, %scan3A_59#0 : vector<16xi32>
          %ge3A_174 = vector.broadcast %xor3A_150 : i32 to vector<16xi32>
          %ge3A_175 = arith.cmpi sge, %bitcast3A, %ge3A_174 : vector<16xi32>
          %and3A = arith.andi %lt3A_173, %ge3A_175 : vector<16xi1>
          %jit3A_176 = arith.constant 1 : i32
          %jit3A_177 = arith.constant 0 : i32
          %broadcast_in_dim3A_178 = vector.broadcast %jit3A_176 : i32 to vector<16xi32>
          %broadcast_in_dim3A_179 = vector.broadcast %jit3A_177 : i32 to vector<16xi32>
          %select_n3A_180 = arith.select %and3A, %broadcast_in_dim3A_178, %broadcast_in_dim3A_179 : vector<16xi1>, vector<16xi32>
          %add3A_181 = arith.addi %while3A_170, %select_n3A_180 : vector<16xi32>
          %get3A_182 = arith.index_cast %while3A_169 : i32 to index
          %get3A_183 = arith.constant 16 : index
          %get3A_184 = tpu.vector_load %arg7[%get3A_182, %get3A_183] {strides = array<i32>} : memref<224x128xf32, #tpu.memory_space<vmem>>, vector<16xf32>,
          %bitcast3A_185 = vector.bitcast %get3A_184 : vector<16xf32> to vector<16xi32>
          %lt3A_186 = vector.broadcast %while3A_169 : i32 to vector<16xi32>
          %lt3A_187 = arith.cmpi slt, %lt3A_186, %scan3A_59#1 : vector<16xi32>
          %ge3A_188 = vector.broadcast %xor3A_150 : i32 to vector<16xi32>
          %ge3A_189 = arith.cmpi sge, %bitcast3A_185, %ge3A_188 : vector<16xi32>
          %and3A_190 = arith.andi %lt3A_187, %ge3A_189 : vector<16xi1>
          %jit3A_191 = arith.constant 1 : i32
          %jit3A_192 = arith.constant 0 : i32
          %broadcast_in_dim3A_193 = vector.broadcast %jit3A_191 : i32 to vector<16xi32>
          %broadcast_in_dim3A_194 = vector.broadcast %jit3A_192 : i32 to vector<16xi32>
          %select_n3A_195 = arith.select %and3A_190, %broadcast_in_dim3A_193, %broadcast_in_dim3A_194 : vector<16xi1>, vector<16xi32>
          %add3A_196 = arith.addi %add3A_181, %select_n3A_195 : vector<16xi32>
          %get3A_197 = arith.index_cast %while3A_169 : i32 to index
          %get3A_198 = arith.constant 32 : index
          %get3A_199 = tpu.vector_load %arg7[%get3A_197, %get3A_198] {strides = array<i32>} : memref<224x128xf32, #tpu.memory_space<vmem>>, vector<16xf32>,
          %bitcast3A_200 = vector.bitcast %get3A_199 : vector<16xf32> to vector<16xi32>
          %lt3A_201 = vector.broadcast %while3A_169 : i32 to vector<16xi32>
          %lt3A_202 = arith.cmpi slt, %lt3A_201, %scan3A_59#2 : vector<16xi32>
          %ge3A_203 = vector.broadcast %xor3A_150 : i32 to vector<16xi32>
          %ge3A_204 = arith.cmpi sge, %bitcast3A_200, %ge3A_203 : vector<16xi32>
          %and3A_205 = arith.andi %lt3A_202, %ge3A_204 : vector<16xi1>
          %jit3A_206 = arith.constant 1 : i32
          %jit3A_207 = arith.constant 0 : i32
          %broadcast_in_dim3A_208 = vector.broadcast %jit3A_206 : i32 to vector<16xi32>
          %broadcast_in_dim3A_209 = vector.broadcast %jit3A_207 : i32 to vector<16xi32>
          %select_n3A_210 = arith.select %and3A_205, %broadcast_in_dim3A_208, %broadcast_in_dim3A_209 : vector<16xi1>, vector<16xi32>
          %add3A_211 = arith.addi %add3A_196, %select_n3A_210 : vector<16xi32>
          %get3A_212 = arith.index_cast %while3A_169 : i32 to index
          %get3A_213 = arith.constant 48 : index
          %get3A_214 = tpu.vector_load %arg7[%get3A_212, %get3A_213] {strides = array<i32>} : memref<224x128xf32, #tpu.memory_space<vmem>>, vector<16xf32>,
          %bitcast3A_215 = vector.bitcast %get3A_214 : vector<16xf32> to vector<16xi32>
          %lt3A_216 = vector.broadcast %while3A_169 : i32 to vector<16xi32>
          %lt3A_217 = arith.cmpi slt, %lt3A_216, %scan3A_59#3 : vector<16xi32>
          %ge3A_218 = vector.broadcast %xor3A_150 : i32 to vector<16xi32>
          %ge3A_219 = arith.cmpi sge, %bitcast3A_215, %ge3A_218 : vector<16xi32>
          %and3A_220 = arith.andi %lt3A_217, %ge3A_219 : vector<16xi1>
          %jit3A_221 = arith.constant 1 : i32
          %jit3A_222 = arith.constant 0 : i32
          %broadcast_in_dim3A_223 = vector.broadcast %jit3A_221 : i32 to vector<16xi32>
          %broadcast_in_dim3A_224 = vector.broadcast %jit3A_222 : i32 to vector<16xi32>
          %select_n3A_225 = arith.select %and3A_220, %broadcast_in_dim3A_223, %broadcast_in_dim3A_224 : vector<16xi1>, vector<16xi32>
          %add3A_226 = arith.addi %add3A_211, %select_n3A_225 : vector<16xi32>
          %get3A_227 = arith.index_cast %while3A_169 : i32 to index
          %get3A_228 = arith.constant 64 : index
          %get3A_229 = tpu.vector_load %arg7[%get3A_227, %get3A_228] {strides = array<i32>} : memref<224x128xf32, #tpu.memory_space<vmem>>, vector<16xf32>,
          %bitcast3A_230 = vector.bitcast %get3A_229 : vector<16xf32> to vector<16xi32>
          %lt3A_231 = vector.broadcast %while3A_169 : i32 to vector<16xi32>
          %lt3A_232 = arith.cmpi slt, %lt3A_231, %scan3A_59#4 : vector<16xi32>
          %ge3A_233 = vector.broadcast %xor3A_150 : i32 to vector<16xi32>
          %ge3A_234 = arith.cmpi sge, %bitcast3A_230, %ge3A_233 : vector<16xi32>
          %and3A_235 = arith.andi %lt3A_232, %ge3A_234 : vector<16xi1>
          %jit3A_236 = arith.constant 1 : i32
          %jit3A_237 = arith.constant 0 : i32
          %broadcast_in_dim3A_238 = vector.broadcast %jit3A_236 : i32 to vector<16xi32>
          %broadcast_in_dim3A_239 = vector.broadcast %jit3A_237 : i32 to vector<16xi32>
          %select_n3A_240 = arith.select %and3A_235, %broadcast_in_dim3A_238, %broadcast_in_dim3A_239 : vector<16xi1>, vector<16xi32>
          %add3A_241 = arith.addi %add3A_226, %select_n3A_240 : vector<16xi32>
          %get3A_242 = arith.index_cast %while3A_169 : i32 to index
          %get3A_243 = arith.constant 80 : index
          %get3A_244 = tpu.vector_load %arg7[%get3A_242, %get3A_243] {strides = array<i32>} : memref<224x128xf32, #tpu.memory_space<vmem>>, vector<16xf32>,
          %bitcast3A_245 = vector.bitcast %get3A_244 : vector<16xf32> to vector<16xi32>
          %lt3A_246 = vector.broadcast %while3A_169 : i32 to vector<16xi32>
          %lt3A_247 = arith.cmpi slt, %lt3A_246, %scan3A_59#5 : vector<16xi32>
          %ge3A_248 = vector.broadcast %xor3A_150 : i32 to vector<16xi32>
          %ge3A_249 = arith.cmpi sge, %bitcast3A_245, %ge3A_248 : vector<16xi32>
          %and3A_250 = arith.andi %lt3A_247, %ge3A_249 : vector<16xi1>
          %jit3A_251 = arith.constant 1 : i32
          %jit3A_252 = arith.constant 0 : i32
          %broadcast_in_dim3A_253 = vector.broadcast %jit3A_251 : i32 to vector<16xi32>
          %broadcast_in_dim3A_254 = vector.broadcast %jit3A_252 : i32 to vector<16xi32>
          %select_n3A_255 = arith.select %and3A_250, %broadcast_in_dim3A_253, %broadcast_in_dim3A_254 : vector<16xi1>, vector<16xi32>
          %add3A_256 = arith.addi %add3A_241, %select_n3A_255 : vector<16xi32>
          %get3A_257 = arith.index_cast %while3A_169 : i32 to index
          %get3A_258 = arith.constant 96 : index
          %get3A_259 = tpu.vector_load %arg7[%get3A_257, %get3A_258] {strides = array<i32>} : memref<224x128xf32, #tpu.memory_space<vmem>>, vector<16xf32>,
          %bitcast3A_260 = vector.bitcast %get3A_259 : vector<16xf32> to vector<16xi32>
          %lt3A_261 = vector.broadcast %while3A_169 : i32 to vector<16xi32>
          %lt3A_262 = arith.cmpi slt, %lt3A_261, %scan3A_59#6 : vector<16xi32>
          %ge3A_263 = vector.broadcast %xor3A_150 : i32 to vector<16xi32>
          %ge3A_264 = arith.cmpi sge, %bitcast3A_260, %ge3A_263 : vector<16xi32>
          %and3A_265 = arith.andi %lt3A_262, %ge3A_264 : vector<16xi1>
          %jit3A_266 = arith.constant 1 : i32
          %jit3A_267 = arith.constant 0 : i32
          %broadcast_in_dim3A_268 = vector.broadcast %jit3A_266 : i32 to vector<16xi32>
          %broadcast_in_dim3A_269 = vector.broadcast %jit3A_267 : i32 to vector<16xi32>
          %select_n3A_270 = arith.select %and3A_265, %broadcast_in_dim3A_268, %broadcast_in_dim3A_269 : vector<16xi1>, vector<16xi32>
          %add3A_271 = arith.addi %add3A_256, %select_n3A_270 : vector<16xi32>
          %get3A_272 = arith.index_cast %while3A_169 : i32 to index
          %get3A_273 = arith.constant 112 : index
          %get3A_274 = tpu.vector_load %arg7[%get3A_272, %get3A_273] {strides = array<i32>} : memref<224x128xf32, #tpu.memory_space<vmem>>, vector<16xf32>,
          %bitcast3A_275 = vector.bitcast %get3A_274 : vector<16xf32> to vector<16xi32>
          %lt3A_276 = vector.broadcast %while3A_169 : i32 to vector<16xi32>
          %lt3A_277 = arith.cmpi slt, %lt3A_276, %scan3A_59#7 : vector<16xi32>
          %ge3A_278 = vector.broadcast %xor3A_150 : i32 to vector<16xi32>
          %ge3A_279 = arith.cmpi sge, %bitcast3A_275, %ge3A_278 : vector<16xi32>
          %and3A_280 = arith.andi %lt3A_277, %ge3A_279 : vector<16xi1>
          %jit3A_281 = arith.constant 1 : i32
          %jit3A_282 = arith.constant 0 : i32
          %broadcast_in_dim3A_283 = vector.broadcast %jit3A_281 : i32 to vector<16xi32>
          %broadcast_in_dim3A_284 = vector.broadcast %jit3A_282 : i32 to vector<16xi32>
          %select_n3A_285 = arith.select %and3A_280, %broadcast_in_dim3A_283, %broadcast_in_dim3A_284 : vector<16xi1>, vector<16xi32>
          %add3A_286 = arith.addi %add3A_271, %select_n3A_285 : vector<16xi32>
          scf.yield %add3A_286 : vector<16xi32>
        }
        %reduce_sum3A_162 = arith.constant true
        %reduce_sum3A_163 = vector.broadcast %reduce_sum3A_162 : i1 to vector<16xi1>
        %reduce_sum3A_164 = tpu.scan <sum>, %while3A_161 masked %reduce_sum3A_163 : vector<16xi32>, vector<16xi1> -> vector<16xi32>
        %reduce_sum3A_165 = vector.extract %reduce_sum3A_164[15] : i32 from vector<16xi32>
        %add3A_166 = arith.addi %reduce_sum3A_64, %reduce_sum3A_165 : i32
        %ge3A_167 = arith.cmpi sge, %add3A_166, %min3A_42 : i32
        %select_n3A_168 = arith.select %ge3A_167, %or3A, %scan3A_145 : i32
        scf.yield %select_n3A_168 : i32
      }
      %scan3A_122 = arith.constant 24 : i32
      %xor3A = arith.constant -2147483648 : i32
      %xor3A_123 = arith.xori %scan3A_121, %xor3A : i32
      %while3A = arith.constant 0 : i32
      %while3A_124 = arith.subi %reduce_max3A_77, %while3A : i32
      %while3A_125 = arith.addi %while3A, %while3A_124 : i32
      %while3A_126 = arith.constant 1 : i32
      %while3A_127 = arith.divsi %while3A_124, %while3A_126 : i32
      %while3A_128 = arith.muli %while3A_127, %while3A_126 : i32
      %while3A_129 = arith.addi %while3A, %while3A_128 : i32
      %while3A_130 = arith.constant 1 : i32
      %while3A_131:2 = scf.for %while3A_144 = %while3A to %while3A_129 step %while3A_130 iter_args(%while3A_145 = %broadcast_in_dim3A_31, %while3A_146 = %broadcast_in_dim3A_31) -> (vector<16xi32>, vector<16xi32>)  : i32 {
        %get3A = arith.index_cast %while3A_144 : i32 to index
        %get3A_147 = arith.constant 0 : index
        %get3A_148 = tpu.vector_load %arg7[%get3A, %get3A_147] {strides = array<i32>} : memref<224x128xf32, #tpu.memory_space<vmem>>, vector<16xf32>,
        %bitcast3A = vector.bitcast %get3A_148 : vector<16xf32> to vector<16xi32>
        %lt3A = vector.broadcast %while3A_144 : i32 to vector<16xi32>
        %lt3A_149 = arith.cmpi slt, %lt3A, %scan3A_59#0 : vector<16xi32>
        %gt3A = vector.broadcast %xor3A_123 : i32 to vector<16xi32>
        %gt3A_150 = arith.cmpi sgt, %bitcast3A, %gt3A : vector<16xi32>
        %and3A = arith.andi %lt3A_149, %gt3A_150 : vector<16xi1>
        %jit3A_151 = arith.constant 1 : i32
        %jit3A_152 = arith.constant 0 : i32
        %broadcast_in_dim3A_153 = vector.broadcast %jit3A_151 : i32 to vector<16xi32>
        %broadcast_in_dim3A_154 = vector.broadcast %jit3A_152 : i32 to vector<16xi32>
        %select_n3A_155 = arith.select %and3A, %broadcast_in_dim3A_153, %broadcast_in_dim3A_154 : vector<16xi1>, vector<16xi32>
        %add3A_156 = arith.addi %while3A_145, %select_n3A_155 : vector<16xi32>
        %ge3A_157 = vector.broadcast %xor3A_123 : i32 to vector<16xi32>
        %ge3A_158 = arith.cmpi sge, %bitcast3A, %ge3A_157 : vector<16xi32>
        %and3A_159 = arith.andi %lt3A_149, %ge3A_158 : vector<16xi1>
        %jit3A_160 = arith.constant 1 : i32
        %jit3A_161 = arith.constant 0 : i32
        %broadcast_in_dim3A_162 = vector.broadcast %jit3A_160 : i32 to vector<16xi32>
        %broadcast_in_dim3A_163 = vector.broadcast %jit3A_161 : i32 to vector<16xi32>
        %select_n3A_164 = arith.select %and3A_159, %broadcast_in_dim3A_162, %broadcast_in_dim3A_163 : vector<16xi1>, vector<16xi32>
        %add3A_165 = arith.addi %while3A_146, %select_n3A_164 : vector<16xi32>
        %get3A_166 = arith.index_cast %while3A_144 : i32 to index
        %get3A_167 = arith.constant 16 : index
        %get3A_168 = tpu.vector_load %arg7[%get3A_166, %get3A_167] {strides = array<i32>} : memref<224x128xf32, #tpu.memory_space<vmem>>, vector<16xf32>,
        %bitcast3A_169 = vector.bitcast %get3A_168 : vector<16xf32> to vector<16xi32>
        %lt3A_170 = vector.broadcast %while3A_144 : i32 to vector<16xi32>
        %lt3A_171 = arith.cmpi slt, %lt3A_170, %scan3A_59#1 : vector<16xi32>
        %gt3A_172 = vector.broadcast %xor3A_123 : i32 to vector<16xi32>
        %gt3A_173 = arith.cmpi sgt, %bitcast3A_169, %gt3A_172 : vector<16xi32>
        %and3A_174 = arith.andi %lt3A_171, %gt3A_173 : vector<16xi1>
        %jit3A_175 = arith.constant 1 : i32
        %jit3A_176 = arith.constant 0 : i32
        %broadcast_in_dim3A_177 = vector.broadcast %jit3A_175 : i32 to vector<16xi32>
        %broadcast_in_dim3A_178 = vector.broadcast %jit3A_176 : i32 to vector<16xi32>
        %select_n3A_179 = arith.select %and3A_174, %broadcast_in_dim3A_177, %broadcast_in_dim3A_178 : vector<16xi1>, vector<16xi32>
        %add3A_180 = arith.addi %add3A_156, %select_n3A_179 : vector<16xi32>
        %ge3A_181 = vector.broadcast %xor3A_123 : i32 to vector<16xi32>
        %ge3A_182 = arith.cmpi sge, %bitcast3A_169, %ge3A_181 : vector<16xi32>
        %and3A_183 = arith.andi %lt3A_171, %ge3A_182 : vector<16xi1>
        %jit3A_184 = arith.constant 1 : i32
        %jit3A_185 = arith.constant 0 : i32
        %broadcast_in_dim3A_186 = vector.broadcast %jit3A_184 : i32 to vector<16xi32>
        %broadcast_in_dim3A_187 = vector.broadcast %jit3A_185 : i32 to vector<16xi32>
        %select_n3A_188 = arith.select %and3A_183, %broadcast_in_dim3A_186, %broadcast_in_dim3A_187 : vector<16xi1>, vector<16xi32>
        %add3A_189 = arith.addi %add3A_165, %select_n3A_188 : vector<16xi32>
        %get3A_190 = arith.index_cast %while3A_144 : i32 to index
        %get3A_191 = arith.constant 32 : index
        %get3A_192 = tpu.vector_load %arg7[%get3A_190, %get3A_191] {strides = array<i32>} : memref<224x128xf32, #tpu.memory_space<vmem>>, vector<16xf32>,
        %bitcast3A_193 = vector.bitcast %get3A_192 : vector<16xf32> to vector<16xi32>
        %lt3A_194 = vector.broadcast %while3A_144 : i32 to vector<16xi32>
        %lt3A_195 = arith.cmpi slt, %lt3A_194, %scan3A_59#2 : vector<16xi32>
        %gt3A_196 = vector.broadcast %xor3A_123 : i32 to vector<16xi32>
        %gt3A_197 = arith.cmpi sgt, %bitcast3A_193, %gt3A_196 : vector<16xi32>
        %and3A_198 = arith.andi %lt3A_195, %gt3A_197 : vector<16xi1>
        %jit3A_199 = arith.constant 1 : i32
        %jit3A_200 = arith.constant 0 : i32
        %broadcast_in_dim3A_201 = vector.broadcast %jit3A_199 : i32 to vector<16xi32>
        %broadcast_in_dim3A_202 = vector.broadcast %jit3A_200 : i32 to vector<16xi32>
        %select_n3A_203 = arith.select %and3A_198, %broadcast_in_dim3A_201, %broadcast_in_dim3A_202 : vector<16xi1>, vector<16xi32>
        %add3A_204 = arith.addi %add3A_180, %select_n3A_203 : vector<16xi32>
        %ge3A_205 = vector.broadcast %xor3A_123 : i32 to vector<16xi32>
        %ge3A_206 = arith.cmpi sge, %bitcast3A_193, %ge3A_205 : vector<16xi32>
        %and3A_207 = arith.andi %lt3A_195, %ge3A_206 : vector<16xi1>
        %jit3A_208 = arith.constant 1 : i32
        %jit3A_209 = arith.constant 0 : i32
        %broadcast_in_dim3A_210 = vector.broadcast %jit3A_208 : i32 to vector<16xi32>
        %broadcast_in_dim3A_211 = vector.broadcast %jit3A_209 : i32 to vector<16xi32>
        %select_n3A_212 = arith.select %and3A_207, %broadcast_in_dim3A_210, %broadcast_in_dim3A_211 : vector<16xi1>, vector<16xi32>
        %add3A_213 = arith.addi %add3A_189, %select_n3A_212 : vector<16xi32>
        %get3A_214 = arith.index_cast %while3A_144 : i32 to index
        %get3A_215 = arith.constant 48 : index
        %get3A_216 = tpu.vector_load %arg7[%get3A_214, %get3A_215] {strides = array<i32>} : memref<224x128xf32, #tpu.memory_space<vmem>>, vector<16xf32>,
        %bitcast3A_217 = vector.bitcast %get3A_216 : vector<16xf32> to vector<16xi32>
        %lt3A_218 = vector.broadcast %while3A_144 : i32 to vector<16xi32>
        %lt3A_219 = arith.cmpi slt, %lt3A_218, %scan3A_59#3 : vector<16xi32>
        %gt3A_220 = vector.broadcast %xor3A_123 : i32 to vector<16xi32>
        %gt3A_221 = arith.cmpi sgt, %bitcast3A_217, %gt3A_220 : vector<16xi32>
        %and3A_222 = arith.andi %lt3A_219, %gt3A_221 : vector<16xi1>
        %jit3A_223 = arith.constant 1 : i32
        %jit3A_224 = arith.constant 0 : i32
        %broadcast_in_dim3A_225 = vector.broadcast %jit3A_223 : i32 to vector<16xi32>
        %broadcast_in_dim3A_226 = vector.broadcast %jit3A_224 : i32 to vector<16xi32>
        %select_n3A_227 = arith.select %and3A_222, %broadcast_in_dim3A_225, %broadcast_in_dim3A_226 : vector<16xi1>, vector<16xi32>
        %add3A_228 = arith.addi %add3A_204, %select_n3A_227 : vector<16xi32>
        %ge3A_229 = vector.broadcast %xor3A_123 : i32 to vector<16xi32>
        %ge3A_230 = arith.cmpi sge, %bitcast3A_217, %ge3A_229 : vector<16xi32>
        %and3A_231 = arith.andi %lt3A_219, %ge3A_230 : vector<16xi1>
        %jit3A_232 = arith.constant 1 : i32
        %jit3A_233 = arith.constant 0 : i32
        %broadcast_in_dim3A_234 = vector.broadcast %jit3A_232 : i32 to vector<16xi32>
        %broadcast_in_dim3A_235 = vector.broadcast %jit3A_233 : i32 to vector<16xi32>
        %select_n3A_236 = arith.select %and3A_231, %broadcast_in_dim3A_234, %broadcast_in_dim3A_235 : vector<16xi1>, vector<16xi32>
        %add3A_237 = arith.addi %add3A_213, %select_n3A_236 : vector<16xi32>
        %get3A_238 = arith.index_cast %while3A_144 : i32 to index
        %get3A_239 = arith.constant 64 : index
        %get3A_240 = tpu.vector_load %arg7[%get3A_238, %get3A_239] {strides = array<i32>} : memref<224x128xf32, #tpu.memory_space<vmem>>, vector<16xf32>,
        %bitcast3A_241 = vector.bitcast %get3A_240 : vector<16xf32> to vector<16xi32>
        %lt3A_242 = vector.broadcast %while3A_144 : i32 to vector<16xi32>
        %lt3A_243 = arith.cmpi slt, %lt3A_242, %scan3A_59#4 : vector<16xi32>
        %gt3A_244 = vector.broadcast %xor3A_123 : i32 to vector<16xi32>
        %gt3A_245 = arith.cmpi sgt, %bitcast3A_241, %gt3A_244 : vector<16xi32>
        %and3A_246 = arith.andi %lt3A_243, %gt3A_245 : vector<16xi1>
        %jit3A_247 = arith.constant 1 : i32
        %jit3A_248 = arith.constant 0 : i32
        %broadcast_in_dim3A_249 = vector.broadcast %jit3A_247 : i32 to vector<16xi32>
        %broadcast_in_dim3A_250 = vector.broadcast %jit3A_248 : i32 to vector<16xi32>
        %select_n3A_251 = arith.select %and3A_246, %broadcast_in_dim3A_249, %broadcast_in_dim3A_250 : vector<16xi1>, vector<16xi32>
        %add3A_252 = arith.addi %add3A_228, %select_n3A_251 : vector<16xi32>
        %ge3A_253 = vector.broadcast %xor3A_123 : i32 to vector<16xi32>
        %ge3A_254 = arith.cmpi sge, %bitcast3A_241, %ge3A_253 : vector<16xi32>
        %and3A_255 = arith.andi %lt3A_243, %ge3A_254 : vector<16xi1>
        %jit3A_256 = arith.constant 1 : i32
        %jit3A_257 = arith.constant 0 : i32
        %broadcast_in_dim3A_258 = vector.broadcast %jit3A_256 : i32 to vector<16xi32>
        %broadcast_in_dim3A_259 = vector.broadcast %jit3A_257 : i32 to vector<16xi32>
        %select_n3A_260 = arith.select %and3A_255, %broadcast_in_dim3A_258, %broadcast_in_dim3A_259 : vector<16xi1>, vector<16xi32>
        %add3A_261 = arith.addi %add3A_237, %select_n3A_260 : vector<16xi32>
        %get3A_262 = arith.index_cast %while3A_144 : i32 to index
        %get3A_263 = arith.constant 80 : index
        %get3A_264 = tpu.vector_load %arg7[%get3A_262, %get3A_263] {strides = array<i32>} : memref<224x128xf32, #tpu.memory_space<vmem>>, vector<16xf32>,
        %bitcast3A_265 = vector.bitcast %get3A_264 : vector<16xf32> to vector<16xi32>
        %lt3A_266 = vector.broadcast %while3A_144 : i32 to vector<16xi32>
        %lt3A_267 = arith.cmpi slt, %lt3A_266, %scan3A_59#5 : vector<16xi32>
        %gt3A_268 = vector.broadcast %xor3A_123 : i32 to vector<16xi32>
        %gt3A_269 = arith.cmpi sgt, %bitcast3A_265, %gt3A_268 : vector<16xi32>
        %and3A_270 = arith.andi %lt3A_267, %gt3A_269 : vector<16xi1>
        %jit3A_271 = arith.constant 1 : i32
        %jit3A_272 = arith.constant 0 : i32
        %broadcast_in_dim3A_273 = vector.broadcast %jit3A_271 : i32 to vector<16xi32>
        %broadcast_in_dim3A_274 = vector.broadcast %jit3A_272 : i32 to vector<16xi32>
        %select_n3A_275 = arith.select %and3A_270, %broadcast_in_dim3A_273, %broadcast_in_dim3A_274 : vector<16xi1>, vector<16xi32>
        %add3A_276 = arith.addi %add3A_252, %select_n3A_275 : vector<16xi32>
        %ge3A_277 = vector.broadcast %xor3A_123 : i32 to vector<16xi32>
        %ge3A_278 = arith.cmpi sge, %bitcast3A_265, %ge3A_277 : vector<16xi32>
        %and3A_279 = arith.andi %lt3A_267, %ge3A_278 : vector<16xi1>
        %jit3A_280 = arith.constant 1 : i32
        %jit3A_281 = arith.constant 0 : i32
        %broadcast_in_dim3A_282 = vector.broadcast %jit3A_280 : i32 to vector<16xi32>
        %broadcast_in_dim3A_283 = vector.broadcast %jit3A_281 : i32 to vector<16xi32>
        %select_n3A_284 = arith.select %and3A_279, %broadcast_in_dim3A_282, %broadcast_in_dim3A_283 : vector<16xi1>, vector<16xi32>
        %add3A_285 = arith.addi %add3A_261, %select_n3A_284 : vector<16xi32>
        %get3A_286 = arith.index_cast %while3A_144 : i32 to index
        %get3A_287 = arith.constant 96 : index
        %get3A_288 = tpu.vector_load %arg7[%get3A_286, %get3A_287] {strides = array<i32>} : memref<224x128xf32, #tpu.memory_space<vmem>>, vector<16xf32>,
        %bitcast3A_289 = vector.bitcast %get3A_288 : vector<16xf32> to vector<16xi32>
        %lt3A_290 = vector.broadcast %while3A_144 : i32 to vector<16xi32>
        %lt3A_291 = arith.cmpi slt, %lt3A_290, %scan3A_59#6 : vector<16xi32>
        %gt3A_292 = vector.broadcast %xor3A_123 : i32 to vector<16xi32>
        %gt3A_293 = arith.cmpi sgt, %bitcast3A_289, %gt3A_292 : vector<16xi32>
        %and3A_294 = arith.andi %lt3A_291, %gt3A_293 : vector<16xi1>
        %jit3A_295 = arith.constant 1 : i32
        %jit3A_296 = arith.constant 0 : i32
        %broadcast_in_dim3A_297 = vector.broadcast %jit3A_295 : i32 to vector<16xi32>
        %broadcast_in_dim3A_298 = vector.broadcast %jit3A_296 : i32 to vector<16xi32>
        %select_n3A_299 = arith.select %and3A_294, %broadcast_in_dim3A_297, %broadcast_in_dim3A_298 : vector<16xi1>, vector<16xi32>
        %add3A_300 = arith.addi %add3A_276, %select_n3A_299 : vector<16xi32>
        %ge3A_301 = vector.broadcast %xor3A_123 : i32 to vector<16xi32>
        %ge3A_302 = arith.cmpi sge, %bitcast3A_289, %ge3A_301 : vector<16xi32>
        %and3A_303 = arith.andi %lt3A_291, %ge3A_302 : vector<16xi1>
        %jit3A_304 = arith.constant 1 : i32
        %jit3A_305 = arith.constant 0 : i32
        %broadcast_in_dim3A_306 = vector.broadcast %jit3A_304 : i32 to vector<16xi32>
        %broadcast_in_dim3A_307 = vector.broadcast %jit3A_305 : i32 to vector<16xi32>
        %select_n3A_308 = arith.select %and3A_303, %broadcast_in_dim3A_306, %broadcast_in_dim3A_307 : vector<16xi1>, vector<16xi32>
        %add3A_309 = arith.addi %add3A_285, %select_n3A_308 : vector<16xi32>
        %get3A_310 = arith.index_cast %while3A_144 : i32 to index
        %get3A_311 = arith.constant 112 : index
        %get3A_312 = tpu.vector_load %arg7[%get3A_310, %get3A_311] {strides = array<i32>} : memref<224x128xf32, #tpu.memory_space<vmem>>, vector<16xf32>,
        %bitcast3A_313 = vector.bitcast %get3A_312 : vector<16xf32> to vector<16xi32>
        %lt3A_314 = vector.broadcast %while3A_144 : i32 to vector<16xi32>
        %lt3A_315 = arith.cmpi slt, %lt3A_314, %scan3A_59#7 : vector<16xi32>
        %gt3A_316 = vector.broadcast %xor3A_123 : i32 to vector<16xi32>
        %gt3A_317 = arith.cmpi sgt, %bitcast3A_313, %gt3A_316 : vector<16xi32>
        %and3A_318 = arith.andi %lt3A_315, %gt3A_317 : vector<16xi1>
        %jit3A_319 = arith.constant 1 : i32
        %jit3A_320 = arith.constant 0 : i32
        %broadcast_in_dim3A_321 = vector.broadcast %jit3A_319 : i32 to vector<16xi32>
        %broadcast_in_dim3A_322 = vector.broadcast %jit3A_320 : i32 to vector<16xi32>
        %select_n3A_323 = arith.select %and3A_318, %broadcast_in_dim3A_321, %broadcast_in_dim3A_322 : vector<16xi1>, vector<16xi32>
        %add3A_324 = arith.addi %add3A_300, %select_n3A_323 : vector<16xi32>
        %ge3A_325 = vector.broadcast %xor3A_123 : i32 to vector<16xi32>
        %ge3A_326 = arith.cmpi sge, %bitcast3A_313, %ge3A_325 : vector<16xi32>
        %and3A_327 = arith.andi %lt3A_315, %ge3A_326 : vector<16xi1>
        %jit3A_328 = arith.constant 1 : i32
        %jit3A_329 = arith.constant 0 : i32
        %broadcast_in_dim3A_330 = vector.broadcast %jit3A_328 : i32 to vector<16xi32>
        %broadcast_in_dim3A_331 = vector.broadcast %jit3A_329 : i32 to vector<16xi32>
        %select_n3A_332 = arith.select %and3A_327, %broadcast_in_dim3A_330, %broadcast_in_dim3A_331 : vector<16xi1>, vector<16xi32>
        %add3A_333 = arith.addi %add3A_309, %select_n3A_332 : vector<16xi32>
        scf.yield %add3A_324, %add3A_333 : vector<16xi32>, vector<16xi32>
      }
      %while3A_132 = arith.constant 1 : i32
      %while3A_133:2 = scf.for %while3A_144 = %while3A_129 to %while3A_125 step %while3A_132 iter_args(%while3A_145 = %while3A_131#0, %while3A_146 = %while3A_131#1) -> (vector<16xi32>, vector<16xi32>)  : i32 {
        %get3A = arith.index_cast %while3A_144 : i32 to index
        %get3A_147 = arith.constant 0 : index
        %get3A_148 = tpu.vector_load %arg7[%get3A, %get3A_147] {strides = array<i32>} : memref<224x128xf32, #tpu.memory_space<vmem>>, vector<16xf32>,
        %bitcast3A = vector.bitcast %get3A_148 : vector<16xf32> to vector<16xi32>
        %lt3A = vector.broadcast %while3A_144 : i32 to vector<16xi32>
        %lt3A_149 = arith.cmpi slt, %lt3A, %scan3A_59#0 : vector<16xi32>
        %gt3A = vector.broadcast %xor3A_123 : i32 to vector<16xi32>
        %gt3A_150 = arith.cmpi sgt, %bitcast3A, %gt3A : vector<16xi32>
        %and3A = arith.andi %lt3A_149, %gt3A_150 : vector<16xi1>
        %jit3A_151 = arith.constant 1 : i32
        %jit3A_152 = arith.constant 0 : i32
        %broadcast_in_dim3A_153 = vector.broadcast %jit3A_151 : i32 to vector<16xi32>
        %broadcast_in_dim3A_154 = vector.broadcast %jit3A_152 : i32 to vector<16xi32>
        %select_n3A_155 = arith.select %and3A, %broadcast_in_dim3A_153, %broadcast_in_dim3A_154 : vector<16xi1>, vector<16xi32>
        %add3A_156 = arith.addi %while3A_145, %select_n3A_155 : vector<16xi32>
        %ge3A_157 = vector.broadcast %xor3A_123 : i32 to vector<16xi32>
        %ge3A_158 = arith.cmpi sge, %bitcast3A, %ge3A_157 : vector<16xi32>
        %and3A_159 = arith.andi %lt3A_149, %ge3A_158 : vector<16xi1>
        %jit3A_160 = arith.constant 1 : i32
        %jit3A_161 = arith.constant 0 : i32
        %broadcast_in_dim3A_162 = vector.broadcast %jit3A_160 : i32 to vector<16xi32>
        %broadcast_in_dim3A_163 = vector.broadcast %jit3A_161 : i32 to vector<16xi32>
        %select_n3A_164 = arith.select %and3A_159, %broadcast_in_dim3A_162, %broadcast_in_dim3A_163 : vector<16xi1>, vector<16xi32>
        %add3A_165 = arith.addi %while3A_146, %select_n3A_164 : vector<16xi32>
        %get3A_166 = arith.index_cast %while3A_144 : i32 to index
        %get3A_167 = arith.constant 16 : index
        %get3A_168 = tpu.vector_load %arg7[%get3A_166, %get3A_167] {strides = array<i32>} : memref<224x128xf32, #tpu.memory_space<vmem>>, vector<16xf32>,
        %bitcast3A_169 = vector.bitcast %get3A_168 : vector<16xf32> to vector<16xi32>
        %lt3A_170 = vector.broadcast %while3A_144 : i32 to vector<16xi32>
        %lt3A_171 = arith.cmpi slt, %lt3A_170, %scan3A_59#1 : vector<16xi32>
        %gt3A_172 = vector.broadcast %xor3A_123 : i32 to vector<16xi32>
        %gt3A_173 = arith.cmpi sgt, %bitcast3A_169, %gt3A_172 : vector<16xi32>
        %and3A_174 = arith.andi %lt3A_171, %gt3A_173 : vector<16xi1>
        %jit3A_175 = arith.constant 1 : i32
        %jit3A_176 = arith.constant 0 : i32
        %broadcast_in_dim3A_177 = vector.broadcast %jit3A_175 : i32 to vector<16xi32>
        %broadcast_in_dim3A_178 = vector.broadcast %jit3A_176 : i32 to vector<16xi32>
        %select_n3A_179 = arith.select %and3A_174, %broadcast_in_dim3A_177, %broadcast_in_dim3A_178 : vector<16xi1>, vector<16xi32>
        %add3A_180 = arith.addi %add3A_156, %select_n3A_179 : vector<16xi32>
        %ge3A_181 = vector.broadcast %xor3A_123 : i32 to vector<16xi32>
        %ge3A_182 = arith.cmpi sge, %bitcast3A_169, %ge3A_181 : vector<16xi32>
        %and3A_183 = arith.andi %lt3A_171, %ge3A_182 : vector<16xi1>
        %jit3A_184 = arith.constant 1 : i32
        %jit3A_185 = arith.constant 0 : i32
        %broadcast_in_dim3A_186 = vector.broadcast %jit3A_184 : i32 to vector<16xi32>
        %broadcast_in_dim3A_187 = vector.broadcast %jit3A_185 : i32 to vector<16xi32>
        %select_n3A_188 = arith.select %and3A_183, %broadcast_in_dim3A_186, %broadcast_in_dim3A_187 : vector<16xi1>, vector<16xi32>
        %add3A_189 = arith.addi %add3A_165, %select_n3A_188 : vector<16xi32>
        %get3A_190 = arith.index_cast %while3A_144 : i32 to index
        %get3A_191 = arith.constant 32 : index
        %get3A_192 = tpu.vector_load %arg7[%get3A_190, %get3A_191] {strides = array<i32>} : memref<224x128xf32, #tpu.memory_space<vmem>>, vector<16xf32>,
        %bitcast3A_193 = vector.bitcast %get3A_192 : vector<16xf32> to vector<16xi32>
        %lt3A_194 = vector.broadcast %while3A_144 : i32 to vector<16xi32>
        %lt3A_195 = arith.cmpi slt, %lt3A_194, %scan3A_59#2 : vector<16xi32>
        %gt3A_196 = vector.broadcast %xor3A_123 : i32 to vector<16xi32>
        %gt3A_197 = arith.cmpi sgt, %bitcast3A_193, %gt3A_196 : vector<16xi32>
        %and3A_198 = arith.andi %lt3A_195, %gt3A_197 : vector<16xi1>
        %jit3A_199 = arith.constant 1 : i32
        %jit3A_200 = arith.constant 0 : i32
        %broadcast_in_dim3A_201 = vector.broadcast %jit3A_199 : i32 to vector<16xi32>
        %broadcast_in_dim3A_202 = vector.broadcast %jit3A_200 : i32 to vector<16xi32>
        %select_n3A_203 = arith.select %and3A_198, %broadcast_in_dim3A_201, %broadcast_in_dim3A_202 : vector<16xi1>, vector<16xi32>
        %add3A_204 = arith.addi %add3A_180, %select_n3A_203 : vector<16xi32>
        %ge3A_205 = vector.broadcast %xor3A_123 : i32 to vector<16xi32>
        %ge3A_206 = arith.cmpi sge, %bitcast3A_193, %ge3A_205 : vector<16xi32>
        %and3A_207 = arith.andi %lt3A_195, %ge3A_206 : vector<16xi1>
        %jit3A_208 = arith.constant 1 : i32
        %jit3A_209 = arith.constant 0 : i32
        %broadcast_in_dim3A_210 = vector.broadcast %jit3A_208 : i32 to vector<16xi32>
        %broadcast_in_dim3A_211 = vector.broadcast %jit3A_209 : i32 to vector<16xi32>
        %select_n3A_212 = arith.select %and3A_207, %broadcast_in_dim3A_210, %broadcast_in_dim3A_211 : vector<16xi1>, vector<16xi32>
        %add3A_213 = arith.addi %add3A_189, %select_n3A_212 : vector<16xi32>
        %get3A_214 = arith.index_cast %while3A_144 : i32 to index
        %get3A_215 = arith.constant 48 : index
        %get3A_216 = tpu.vector_load %arg7[%get3A_214, %get3A_215] {strides = array<i32>} : memref<224x128xf32, #tpu.memory_space<vmem>>, vector<16xf32>,
        %bitcast3A_217 = vector.bitcast %get3A_216 : vector<16xf32> to vector<16xi32>
        %lt3A_218 = vector.broadcast %while3A_144 : i32 to vector<16xi32>
        %lt3A_219 = arith.cmpi slt, %lt3A_218, %scan3A_59#3 : vector<16xi32>
        %gt3A_220 = vector.broadcast %xor3A_123 : i32 to vector<16xi32>
        %gt3A_221 = arith.cmpi sgt, %bitcast3A_217, %gt3A_220 : vector<16xi32>
        %and3A_222 = arith.andi %lt3A_219, %gt3A_221 : vector<16xi1>
        %jit3A_223 = arith.constant 1 : i32
        %jit3A_224 = arith.constant 0 : i32
        %broadcast_in_dim3A_225 = vector.broadcast %jit3A_223 : i32 to vector<16xi32>
        %broadcast_in_dim3A_226 = vector.broadcast %jit3A_224 : i32 to vector<16xi32>
        %select_n3A_227 = arith.select %and3A_222, %broadcast_in_dim3A_225, %broadcast_in_dim3A_226 : vector<16xi1>, vector<16xi32>
        %add3A_228 = arith.addi %add3A_204, %select_n3A_227 : vector<16xi32>
        %ge3A_229 = vector.broadcast %xor3A_123 : i32 to vector<16xi32>
        %ge3A_230 = arith.cmpi sge, %bitcast3A_217, %ge3A_229 : vector<16xi32>
        %and3A_231 = arith.andi %lt3A_219, %ge3A_230 : vector<16xi1>
        %jit3A_232 = arith.constant 1 : i32
        %jit3A_233 = arith.constant 0 : i32
        %broadcast_in_dim3A_234 = vector.broadcast %jit3A_232 : i32 to vector<16xi32>
        %broadcast_in_dim3A_235 = vector.broadcast %jit3A_233 : i32 to vector<16xi32>
        %select_n3A_236 = arith.select %and3A_231, %broadcast_in_dim3A_234, %broadcast_in_dim3A_235 : vector<16xi1>, vector<16xi32>
        %add3A_237 = arith.addi %add3A_213, %select_n3A_236 : vector<16xi32>
        %get3A_238 = arith.index_cast %while3A_144 : i32 to index
        %get3A_239 = arith.constant 64 : index
        %get3A_240 = tpu.vector_load %arg7[%get3A_238, %get3A_239] {strides = array<i32>} : memref<224x128xf32, #tpu.memory_space<vmem>>, vector<16xf32>,
        %bitcast3A_241 = vector.bitcast %get3A_240 : vector<16xf32> to vector<16xi32>
        %lt3A_242 = vector.broadcast %while3A_144 : i32 to vector<16xi32>
        %lt3A_243 = arith.cmpi slt, %lt3A_242, %scan3A_59#4 : vector<16xi32>
        %gt3A_244 = vector.broadcast %xor3A_123 : i32 to vector<16xi32>
        %gt3A_245 = arith.cmpi sgt, %bitcast3A_241, %gt3A_244 : vector<16xi32>
        %and3A_246 = arith.andi %lt3A_243, %gt3A_245 : vector<16xi1>
        %jit3A_247 = arith.constant 1 : i32
        %jit3A_248 = arith.constant 0 : i32
        %broadcast_in_dim3A_249 = vector.broadcast %jit3A_247 : i32 to vector<16xi32>
        %broadcast_in_dim3A_250 = vector.broadcast %jit3A_248 : i32 to vector<16xi32>
        %select_n3A_251 = arith.select %and3A_246, %broadcast_in_dim3A_249, %broadcast_in_dim3A_250 : vector<16xi1>, vector<16xi32>
        %add3A_252 = arith.addi %add3A_228, %select_n3A_251 : vector<16xi32>
        %ge3A_253 = vector.broadcast %xor3A_123 : i32 to vector<16xi32>
        %ge3A_254 = arith.cmpi sge, %bitcast3A_241, %ge3A_253 : vector<16xi32>
        %and3A_255 = arith.andi %lt3A_243, %ge3A_254 : vector<16xi1>
        %jit3A_256 = arith.constant 1 : i32
        %jit3A_257 = arith.constant 0 : i32
        %broadcast_in_dim3A_258 = vector.broadcast %jit3A_256 : i32 to vector<16xi32>
        %broadcast_in_dim3A_259 = vector.broadcast %jit3A_257 : i32 to vector<16xi32>
        %select_n3A_260 = arith.select %and3A_255, %broadcast_in_dim3A_258, %broadcast_in_dim3A_259 : vector<16xi1>, vector<16xi32>
        %add3A_261 = arith.addi %add3A_237, %select_n3A_260 : vector<16xi32>
        %get3A_262 = arith.index_cast %while3A_144 : i32 to index
        %get3A_263 = arith.constant 80 : index
        %get3A_264 = tpu.vector_load %arg7[%get3A_262, %get3A_263] {strides = array<i32>} : memref<224x128xf32, #tpu.memory_space<vmem>>, vector<16xf32>,
        %bitcast3A_265 = vector.bitcast %get3A_264 : vector<16xf32> to vector<16xi32>
        %lt3A_266 = vector.broadcast %while3A_144 : i32 to vector<16xi32>
        %lt3A_267 = arith.cmpi slt, %lt3A_266, %scan3A_59#5 : vector<16xi32>
        %gt3A_268 = vector.broadcast %xor3A_123 : i32 to vector<16xi32>
        %gt3A_269 = arith.cmpi sgt, %bitcast3A_265, %gt3A_268 : vector<16xi32>
        %and3A_270 = arith.andi %lt3A_267, %gt3A_269 : vector<16xi1>
        %jit3A_271 = arith.constant 1 : i32
        %jit3A_272 = arith.constant 0 : i32
        %broadcast_in_dim3A_273 = vector.broadcast %jit3A_271 : i32 to vector<16xi32>
        %broadcast_in_dim3A_274 = vector.broadcast %jit3A_272 : i32 to vector<16xi32>
        %select_n3A_275 = arith.select %and3A_270, %broadcast_in_dim3A_273, %broadcast_in_dim3A_274 : vector<16xi1>, vector<16xi32>
        %add3A_276 = arith.addi %add3A_252, %select_n3A_275 : vector<16xi32>
        %ge3A_277 = vector.broadcast %xor3A_123 : i32 to vector<16xi32>
        %ge3A_278 = arith.cmpi sge, %bitcast3A_265, %ge3A_277 : vector<16xi32>
        %and3A_279 = arith.andi %lt3A_267, %ge3A_278 : vector<16xi1>
        %jit3A_280 = arith.constant 1 : i32
        %jit3A_281 = arith.constant 0 : i32
        %broadcast_in_dim3A_282 = vector.broadcast %jit3A_280 : i32 to vector<16xi32>
        %broadcast_in_dim3A_283 = vector.broadcast %jit3A_281 : i32 to vector<16xi32>
        %select_n3A_284 = arith.select %and3A_279, %broadcast_in_dim3A_282, %broadcast_in_dim3A_283 : vector<16xi1>, vector<16xi32>
        %add3A_285 = arith.addi %add3A_261, %select_n3A_284 : vector<16xi32>
        %get3A_286 = arith.index_cast %while3A_144 : i32 to index
        %get3A_287 = arith.constant 96 : index
        %get3A_288 = tpu.vector_load %arg7[%get3A_286, %get3A_287] {strides = array<i32>} : memref<224x128xf32, #tpu.memory_space<vmem>>, vector<16xf32>,
        %bitcast3A_289 = vector.bitcast %get3A_288 : vector<16xf32> to vector<16xi32>
        %lt3A_290 = vector.broadcast %while3A_144 : i32 to vector<16xi32>
        %lt3A_291 = arith.cmpi slt, %lt3A_290, %scan3A_59#6 : vector<16xi32>
        %gt3A_292 = vector.broadcast %xor3A_123 : i32 to vector<16xi32>
        %gt3A_293 = arith.cmpi sgt, %bitcast3A_289, %gt3A_292 : vector<16xi32>
        %and3A_294 = arith.andi %lt3A_291, %gt3A_293 : vector<16xi1>
        %jit3A_295 = arith.constant 1 : i32
        %jit3A_296 = arith.constant 0 : i32
        %broadcast_in_dim3A_297 = vector.broadcast %jit3A_295 : i32 to vector<16xi32>
        %broadcast_in_dim3A_298 = vector.broadcast %jit3A_296 : i32 to vector<16xi32>
        %select_n3A_299 = arith.select %and3A_294, %broadcast_in_dim3A_297, %broadcast_in_dim3A_298 : vector<16xi1>, vector<16xi32>
        %add3A_300 = arith.addi %add3A_276, %select_n3A_299 : vector<16xi32>
        %ge3A_301 = vector.broadcast %xor3A_123 : i32 to vector<16xi32>
        %ge3A_302 = arith.cmpi sge, %bitcast3A_289, %ge3A_301 : vector<16xi32>
        %and3A_303 = arith.andi %lt3A_291, %ge3A_302 : vector<16xi1>
        %jit3A_304 = arith.constant 1 : i32
        %jit3A_305 = arith.constant 0 : i32
        %broadcast_in_dim3A_306 = vector.broadcast %jit3A_304 : i32 to vector<16xi32>
        %broadcast_in_dim3A_307 = vector.broadcast %jit3A_305 : i32 to vector<16xi32>
        %select_n3A_308 = arith.select %and3A_303, %broadcast_in_dim3A_306, %broadcast_in_dim3A_307 : vector<16xi1>, vector<16xi32>
        %add3A_309 = arith.addi %add3A_285, %select_n3A_308 : vector<16xi32>
        %get3A_310 = arith.index_cast %while3A_144 : i32 to index
        %get3A_311 = arith.constant 112 : index
        %get3A_312 = tpu.vector_load %arg7[%get3A_310, %get3A_311] {strides = array<i32>} : memref<224x128xf32, #tpu.memory_space<vmem>>, vector<16xf32>,
        %bitcast3A_313 = vector.bitcast %get3A_312 : vector<16xf32> to vector<16xi32>
        %lt3A_314 = vector.broadcast %while3A_144 : i32 to vector<16xi32>
        %lt3A_315 = arith.cmpi slt, %lt3A_314, %scan3A_59#7 : vector<16xi32>
        %gt3A_316 = vector.broadcast %xor3A_123 : i32 to vector<16xi32>
        %gt3A_317 = arith.cmpi sgt, %bitcast3A_313, %gt3A_316 : vector<16xi32>
        %and3A_318 = arith.andi %lt3A_315, %gt3A_317 : vector<16xi1>
        %jit3A_319 = arith.constant 1 : i32
        %jit3A_320 = arith.constant 0 : i32
        %broadcast_in_dim3A_321 = vector.broadcast %jit3A_319 : i32 to vector<16xi32>
        %broadcast_in_dim3A_322 = vector.broadcast %jit3A_320 : i32 to vector<16xi32>
        %select_n3A_323 = arith.select %and3A_318, %broadcast_in_dim3A_321, %broadcast_in_dim3A_322 : vector<16xi1>, vector<16xi32>
        %add3A_324 = arith.addi %add3A_300, %select_n3A_323 : vector<16xi32>
        %ge3A_325 = vector.broadcast %xor3A_123 : i32 to vector<16xi32>
        %ge3A_326 = arith.cmpi sge, %bitcast3A_313, %ge3A_325 : vector<16xi32>
        %and3A_327 = arith.andi %lt3A_315, %ge3A_326 : vector<16xi1>
        %jit3A_328 = arith.constant 1 : i32
        %jit3A_329 = arith.constant 0 : i32
        %broadcast_in_dim3A_330 = vector.broadcast %jit3A_328 : i32 to vector<16xi32>
        %broadcast_in_dim3A_331 = vector.broadcast %jit3A_329 : i32 to vector<16xi32>
        %select_n3A_332 = arith.select %and3A_327, %broadcast_in_dim3A_330, %broadcast_in_dim3A_331 : vector<16xi1>, vector<16xi32>
        %add3A_333 = arith.addi %add3A_309, %select_n3A_332 : vector<16xi32>
        scf.yield %add3A_324, %add3A_333 : vector<16xi32>, vector<16xi32>
      }
      %reduce_sum3A_134 = arith.constant true
      %reduce_sum3A_135 = vector.broadcast %reduce_sum3A_134 : i1 to vector<16xi1>
      %reduce_sum3A_136 = tpu.scan <sum>, %while3A_133#0 masked %reduce_sum3A_135 : vector<16xi32>, vector<16xi1> -> vector<16xi32>
      %reduce_sum3A_137 = vector.extract %reduce_sum3A_136[15] : i32 from vector<16xi32>
      %add3A_138 = arith.addi %reduce_sum3A_64, %reduce_sum3A_137 : i32
      %reduce_sum3A_139 = arith.constant true
      %reduce_sum3A_140 = vector.broadcast %reduce_sum3A_139 : i1 to vector<16xi1>
      %reduce_sum3A_141 = tpu.scan <sum>, %while3A_133#1 masked %reduce_sum3A_140 : vector<16xi32>, vector<16xi1> -> vector<16xi32>
      %reduce_sum3A_142 = vector.extract %reduce_sum3A_141[15] : i32 from vector<16xi32>
      %add3A_143 = arith.addi %reduce_sum3A_64, %reduce_sum3A_142 : i32
      scf.yield %xor3A_123, %add3A_138, %add3A_143 : i32, i32, i32
    } else {
      %scan3A_117 = arith.constant 0 : i32
      %scan3A_118 = arith.constant 24 : i32
      %scan3A_119 = arith.addi %scan3A_117, %scan3A_118 : i32
      %scan3A_120 = arith.constant 1 : i32
      %scan3A_121 = scf.for %scan3A_138 = %scan3A_117 to %scan3A_119 step %scan3A_120 iter_args(%scan3A_139 = %scan3A_52) -> (i32)  : i32 {
        %sub3A_140 = arith.constant 23 : i32
        %sub3A_141 = arith.subi %sub3A_140, %scan3A_138 : i32
        %shift_left3A = arith.constant 1 : i32
        %shift_left3A_142 = arith.shli %shift_left3A, %sub3A_141 : i32
        %or3A = arith.ori %scan3A_139, %shift_left3A_142 : i32
        %xor3A_143 = arith.constant -2147483648 : i32
        %xor3A_144 = arith.xori %or3A, %xor3A_143 : i32
        %scan3A_145 = arith.constant 0 : i32
        %scan3A_146 = arith.constant 392 : i32
        %scan3A_147 = arith.addi %scan3A_145, %scan3A_146 : i32
        %scan3A_148 = arith.constant 1 : i32
        %scan3A_149 = scf.for %scan3A_157 = %scan3A_145 to %scan3A_147 step %scan3A_148 iter_args(%scan3A_158 = %broadcast_in_dim3A_31) -> (vector<16xi32>)  : i32 {
          %get3A = arith.index_cast %scan3A_157 : i32 to index
          %get3A_159 = arith.constant 0 : index
          %get3A_160 = tpu.vector_load %arg5[%get3A, %get3A_159] {strides = array<i32>} : memref<392x128xf32, #tpu.memory_space<vmem>>, vector<16xf32>,
          %bitcast3A = vector.bitcast %get3A_160 : vector<16xf32> to vector<16xi32>
          %ge3A_161 = vector.broadcast %xor3A_144 : i32 to vector<16xi32>
          %ge3A_162 = arith.cmpi sge, %bitcast3A, %ge3A_161 : vector<16xi32>
          %jit3A_163 = arith.constant 1 : i32
          %jit3A_164 = arith.constant 0 : i32
          %broadcast_in_dim3A_165 = vector.broadcast %jit3A_163 : i32 to vector<16xi32>
          %broadcast_in_dim3A_166 = vector.broadcast %jit3A_164 : i32 to vector<16xi32>
          %select_n3A_167 = arith.select %ge3A_162, %broadcast_in_dim3A_165, %broadcast_in_dim3A_166 : vector<16xi1>, vector<16xi32>
          %add3A_168 = arith.addi %scan3A_158, %select_n3A_167 : vector<16xi32>
          %get3A_169 = arith.index_cast %scan3A_157 : i32 to index
          %get3A_170 = arith.constant 16 : index
          %get3A_171 = tpu.vector_load %arg5[%get3A_169, %get3A_170] {strides = array<i32>} : memref<392x128xf32, #tpu.memory_space<vmem>>, vector<16xf32>,
          %bitcast3A_172 = vector.bitcast %get3A_171 : vector<16xf32> to vector<16xi32>
          %ge3A_173 = vector.broadcast %xor3A_144 : i32 to vector<16xi32>
          %ge3A_174 = arith.cmpi sge, %bitcast3A_172, %ge3A_173 : vector<16xi32>
          %jit3A_175 = arith.constant 1 : i32
          %jit3A_176 = arith.constant 0 : i32
          %broadcast_in_dim3A_177 = vector.broadcast %jit3A_175 : i32 to vector<16xi32>
          %broadcast_in_dim3A_178 = vector.broadcast %jit3A_176 : i32 to vector<16xi32>
          %select_n3A_179 = arith.select %ge3A_174, %broadcast_in_dim3A_177, %broadcast_in_dim3A_178 : vector<16xi1>, vector<16xi32>
          %add3A_180 = arith.addi %add3A_168, %select_n3A_179 : vector<16xi32>
          %get3A_181 = arith.index_cast %scan3A_157 : i32 to index
          %get3A_182 = arith.constant 32 : index
          %get3A_183 = tpu.vector_load %arg5[%get3A_181, %get3A_182] {strides = array<i32>} : memref<392x128xf32, #tpu.memory_space<vmem>>, vector<16xf32>,
          %bitcast3A_184 = vector.bitcast %get3A_183 : vector<16xf32> to vector<16xi32>
          %ge3A_185 = vector.broadcast %xor3A_144 : i32 to vector<16xi32>
          %ge3A_186 = arith.cmpi sge, %bitcast3A_184, %ge3A_185 : vector<16xi32>
          %jit3A_187 = arith.constant 1 : i32
          %jit3A_188 = arith.constant 0 : i32
          %broadcast_in_dim3A_189 = vector.broadcast %jit3A_187 : i32 to vector<16xi32>
          %broadcast_in_dim3A_190 = vector.broadcast %jit3A_188 : i32 to vector<16xi32>
          %select_n3A_191 = arith.select %ge3A_186, %broadcast_in_dim3A_189, %broadcast_in_dim3A_190 : vector<16xi1>, vector<16xi32>
          %add3A_192 = arith.addi %add3A_180, %select_n3A_191 : vector<16xi32>
          %get3A_193 = arith.index_cast %scan3A_157 : i32 to index
          %get3A_194 = arith.constant 48 : index
          %get3A_195 = tpu.vector_load %arg5[%get3A_193, %get3A_194] {strides = array<i32>} : memref<392x128xf32, #tpu.memory_space<vmem>>, vector<16xf32>,
          %bitcast3A_196 = vector.bitcast %get3A_195 : vector<16xf32> to vector<16xi32>
          %ge3A_197 = vector.broadcast %xor3A_144 : i32 to vector<16xi32>
          %ge3A_198 = arith.cmpi sge, %bitcast3A_196, %ge3A_197 : vector<16xi32>
          %jit3A_199 = arith.constant 1 : i32
          %jit3A_200 = arith.constant 0 : i32
          %broadcast_in_dim3A_201 = vector.broadcast %jit3A_199 : i32 to vector<16xi32>
          %broadcast_in_dim3A_202 = vector.broadcast %jit3A_200 : i32 to vector<16xi32>
          %select_n3A_203 = arith.select %ge3A_198, %broadcast_in_dim3A_201, %broadcast_in_dim3A_202 : vector<16xi1>, vector<16xi32>
          %add3A_204 = arith.addi %add3A_192, %select_n3A_203 : vector<16xi32>
          %get3A_205 = arith.index_cast %scan3A_157 : i32 to index
          %get3A_206 = arith.constant 64 : index
          %get3A_207 = tpu.vector_load %arg5[%get3A_205, %get3A_206] {strides = array<i32>} : memref<392x128xf32, #tpu.memory_space<vmem>>, vector<16xf32>,
          %bitcast3A_208 = vector.bitcast %get3A_207 : vector<16xf32> to vector<16xi32>
          %ge3A_209 = vector.broadcast %xor3A_144 : i32 to vector<16xi32>
          %ge3A_210 = arith.cmpi sge, %bitcast3A_208, %ge3A_209 : vector<16xi32>
          %jit3A_211 = arith.constant 1 : i32
          %jit3A_212 = arith.constant 0 : i32
          %broadcast_in_dim3A_213 = vector.broadcast %jit3A_211 : i32 to vector<16xi32>
          %broadcast_in_dim3A_214 = vector.broadcast %jit3A_212 : i32 to vector<16xi32>
          %select_n3A_215 = arith.select %ge3A_210, %broadcast_in_dim3A_213, %broadcast_in_dim3A_214 : vector<16xi1>, vector<16xi32>
          %add3A_216 = arith.addi %add3A_204, %select_n3A_215 : vector<16xi32>
          %get3A_217 = arith.index_cast %scan3A_157 : i32 to index
          %get3A_218 = arith.constant 80 : index
          %get3A_219 = tpu.vector_load %arg5[%get3A_217, %get3A_218] {strides = array<i32>} : memref<392x128xf32, #tpu.memory_space<vmem>>, vector<16xf32>,
          %bitcast3A_220 = vector.bitcast %get3A_219 : vector<16xf32> to vector<16xi32>
          %ge3A_221 = vector.broadcast %xor3A_144 : i32 to vector<16xi32>
          %ge3A_222 = arith.cmpi sge, %bitcast3A_220, %ge3A_221 : vector<16xi32>
          %jit3A_223 = arith.constant 1 : i32
          %jit3A_224 = arith.constant 0 : i32
          %broadcast_in_dim3A_225 = vector.broadcast %jit3A_223 : i32 to vector<16xi32>
          %broadcast_in_dim3A_226 = vector.broadcast %jit3A_224 : i32 to vector<16xi32>
          %select_n3A_227 = arith.select %ge3A_222, %broadcast_in_dim3A_225, %broadcast_in_dim3A_226 : vector<16xi1>, vector<16xi32>
          %add3A_228 = arith.addi %add3A_216, %select_n3A_227 : vector<16xi32>
          %get3A_229 = arith.index_cast %scan3A_157 : i32 to index
          %get3A_230 = arith.constant 96 : index
          %get3A_231 = tpu.vector_load %arg5[%get3A_229, %get3A_230] {strides = array<i32>} : memref<392x128xf32, #tpu.memory_space<vmem>>, vector<16xf32>,
          %bitcast3A_232 = vector.bitcast %get3A_231 : vector<16xf32> to vector<16xi32>
          %ge3A_233 = vector.broadcast %xor3A_144 : i32 to vector<16xi32>
          %ge3A_234 = arith.cmpi sge, %bitcast3A_232, %ge3A_233 : vector<16xi32>
          %jit3A_235 = arith.constant 1 : i32
          %jit3A_236 = arith.constant 0 : i32
          %broadcast_in_dim3A_237 = vector.broadcast %jit3A_235 : i32 to vector<16xi32>
          %broadcast_in_dim3A_238 = vector.broadcast %jit3A_236 : i32 to vector<16xi32>
          %select_n3A_239 = arith.select %ge3A_234, %broadcast_in_dim3A_237, %broadcast_in_dim3A_238 : vector<16xi1>, vector<16xi32>
          %add3A_240 = arith.addi %add3A_228, %select_n3A_239 : vector<16xi32>
          %get3A_241 = arith.index_cast %scan3A_157 : i32 to index
          %get3A_242 = arith.constant 112 : index
          %get3A_243 = tpu.vector_load %arg5[%get3A_241, %get3A_242] {strides = array<i32>} : memref<392x128xf32, #tpu.memory_space<vmem>>, vector<16xf32>,
          %bitcast3A_244 = vector.bitcast %get3A_243 : vector<16xf32> to vector<16xi32>
          %ge3A_245 = vector.broadcast %xor3A_144 : i32 to vector<16xi32>
          %ge3A_246 = arith.cmpi sge, %bitcast3A_244, %ge3A_245 : vector<16xi32>
          %jit3A_247 = arith.constant 1 : i32
          %jit3A_248 = arith.constant 0 : i32
          %broadcast_in_dim3A_249 = vector.broadcast %jit3A_247 : i32 to vector<16xi32>
          %broadcast_in_dim3A_250 = vector.broadcast %jit3A_248 : i32 to vector<16xi32>
          %select_n3A_251 = arith.select %ge3A_246, %broadcast_in_dim3A_249, %broadcast_in_dim3A_250 : vector<16xi1>, vector<16xi32>
          %add3A_252 = arith.addi %add3A_240, %select_n3A_251 : vector<16xi32>
          scf.yield %add3A_252 : vector<16xi32>
        }
        %scan3A_150 = arith.constant 392 : i32
        %reduce_sum3A_151 = arith.constant true
        %reduce_sum3A_152 = vector.broadcast %reduce_sum3A_151 : i1 to vector<16xi1>
        %reduce_sum3A_153 = tpu.scan <sum>, %scan3A_149 masked %reduce_sum3A_152 : vector<16xi32>, vector<16xi1> -> vector<16xi32>
        %reduce_sum3A_154 = vector.extract %reduce_sum3A_153[15] : i32 from vector<16xi32>
        %ge3A_155 = arith.cmpi sge, %reduce_sum3A_154, %min3A_42 : i32
        %select_n3A_156 = arith.select %ge3A_155, %or3A, %scan3A_139 : i32
        scf.yield %select_n3A_156 : i32
      }
      %scan3A_122 = arith.constant 24 : i32
      %xor3A = arith.constant -2147483648 : i32
      %xor3A_123 = arith.xori %scan3A_121, %xor3A : i32
      %scan3A_124 = arith.constant 0 : i32
      %scan3A_125 = arith.constant 392 : i32
      %scan3A_126 = arith.addi %scan3A_124, %scan3A_125 : i32
      %scan3A_127 = arith.constant 1 : i32
      %scan3A_128:2 = scf.for %scan3A_138 = %scan3A_124 to %scan3A_126 step %scan3A_127 iter_args(%scan3A_139 = %broadcast_in_dim3A_31, %scan3A_140 = %broadcast_in_dim3A_31) -> (vector<16xi32>, vector<16xi32>)  : i32 {
        %get3A = arith.index_cast %scan3A_138 : i32 to index
        %get3A_141 = arith.constant 0 : index
        %get3A_142 = tpu.vector_load %arg5[%get3A, %get3A_141] {strides = array<i32>} : memref<392x128xf32, #tpu.memory_space<vmem>>, vector<16xf32>,
        %bitcast3A = vector.bitcast %get3A_142 : vector<16xf32> to vector<16xi32>
        %gt3A = vector.broadcast %xor3A_123 : i32 to vector<16xi32>
        %gt3A_143 = arith.cmpi sgt, %bitcast3A, %gt3A : vector<16xi32>
        %jit3A_144 = arith.constant 1 : i32
        %jit3A_145 = arith.constant 0 : i32
        %broadcast_in_dim3A_146 = vector.broadcast %jit3A_144 : i32 to vector<16xi32>
        %broadcast_in_dim3A_147 = vector.broadcast %jit3A_145 : i32 to vector<16xi32>
        %select_n3A_148 = arith.select %gt3A_143, %broadcast_in_dim3A_146, %broadcast_in_dim3A_147 : vector<16xi1>, vector<16xi32>
        %add3A_149 = arith.addi %scan3A_139, %select_n3A_148 : vector<16xi32>
        %ge3A_150 = vector.broadcast %xor3A_123 : i32 to vector<16xi32>
        %ge3A_151 = arith.cmpi sge, %bitcast3A, %ge3A_150 : vector<16xi32>
        %jit3A_152 = arith.constant 1 : i32
        %jit3A_153 = arith.constant 0 : i32
        %broadcast_in_dim3A_154 = vector.broadcast %jit3A_152 : i32 to vector<16xi32>
        %broadcast_in_dim3A_155 = vector.broadcast %jit3A_153 : i32 to vector<16xi32>
        %select_n3A_156 = arith.select %ge3A_151, %broadcast_in_dim3A_154, %broadcast_in_dim3A_155 : vector<16xi1>, vector<16xi32>
        %add3A_157 = arith.addi %scan3A_140, %select_n3A_156 : vector<16xi32>
        %get3A_158 = arith.index_cast %scan3A_138 : i32 to index
        %get3A_159 = arith.constant 16 : index
        %get3A_160 = tpu.vector_load %arg5[%get3A_158, %get3A_159] {strides = array<i32>} : memref<392x128xf32, #tpu.memory_space<vmem>>, vector<16xf32>,
        %bitcast3A_161 = vector.bitcast %get3A_160 : vector<16xf32> to vector<16xi32>
        %gt3A_162 = vector.broadcast %xor3A_123 : i32 to vector<16xi32>
        %gt3A_163 = arith.cmpi sgt, %bitcast3A_161, %gt3A_162 : vector<16xi32>
        %jit3A_164 = arith.constant 1 : i32
        %jit3A_165 = arith.constant 0 : i32
        %broadcast_in_dim3A_166 = vector.broadcast %jit3A_164 : i32 to vector<16xi32>
        %broadcast_in_dim3A_167 = vector.broadcast %jit3A_165 : i32 to vector<16xi32>
        %select_n3A_168 = arith.select %gt3A_163, %broadcast_in_dim3A_166, %broadcast_in_dim3A_167 : vector<16xi1>, vector<16xi32>
        %add3A_169 = arith.addi %add3A_149, %select_n3A_168 : vector<16xi32>
        %ge3A_170 = vector.broadcast %xor3A_123 : i32 to vector<16xi32>
        %ge3A_171 = arith.cmpi sge, %bitcast3A_161, %ge3A_170 : vector<16xi32>
        %jit3A_172 = arith.constant 1 : i32
        %jit3A_173 = arith.constant 0 : i32
        %broadcast_in_dim3A_174 = vector.broadcast %jit3A_172 : i32 to vector<16xi32>
        %broadcast_in_dim3A_175 = vector.broadcast %jit3A_173 : i32 to vector<16xi32>
        %select_n3A_176 = arith.select %ge3A_171, %broadcast_in_dim3A_174, %broadcast_in_dim3A_175 : vector<16xi1>, vector<16xi32>
        %add3A_177 = arith.addi %add3A_157, %select_n3A_176 : vector<16xi32>
        %get3A_178 = arith.index_cast %scan3A_138 : i32 to index
        %get3A_179 = arith.constant 32 : index
        %get3A_180 = tpu.vector_load %arg5[%get3A_178, %get3A_179] {strides = array<i32>} : memref<392x128xf32, #tpu.memory_space<vmem>>, vector<16xf32>,
        %bitcast3A_181 = vector.bitcast %get3A_180 : vector<16xf32> to vector<16xi32>
        %gt3A_182 = vector.broadcast %xor3A_123 : i32 to vector<16xi32>
        %gt3A_183 = arith.cmpi sgt, %bitcast3A_181, %gt3A_182 : vector<16xi32>
        %jit3A_184 = arith.constant 1 : i32
        %jit3A_185 = arith.constant 0 : i32
        %broadcast_in_dim3A_186 = vector.broadcast %jit3A_184 : i32 to vector<16xi32>
        %broadcast_in_dim3A_187 = vector.broadcast %jit3A_185 : i32 to vector<16xi32>
        %select_n3A_188 = arith.select %gt3A_183, %broadcast_in_dim3A_186, %broadcast_in_dim3A_187 : vector<16xi1>, vector<16xi32>
        %add3A_189 = arith.addi %add3A_169, %select_n3A_188 : vector<16xi32>
        %ge3A_190 = vector.broadcast %xor3A_123 : i32 to vector<16xi32>
        %ge3A_191 = arith.cmpi sge, %bitcast3A_181, %ge3A_190 : vector<16xi32>
        %jit3A_192 = arith.constant 1 : i32
        %jit3A_193 = arith.constant 0 : i32
        %broadcast_in_dim3A_194 = vector.broadcast %jit3A_192 : i32 to vector<16xi32>
        %broadcast_in_dim3A_195 = vector.broadcast %jit3A_193 : i32 to vector<16xi32>
        %select_n3A_196 = arith.select %ge3A_191, %broadcast_in_dim3A_194, %broadcast_in_dim3A_195 : vector<16xi1>, vector<16xi32>
        %add3A_197 = arith.addi %add3A_177, %select_n3A_196 : vector<16xi32>
        %get3A_198 = arith.index_cast %scan3A_138 : i32 to index
        %get3A_199 = arith.constant 48 : index
        %get3A_200 = tpu.vector_load %arg5[%get3A_198, %get3A_199] {strides = array<i32>} : memref<392x128xf32, #tpu.memory_space<vmem>>, vector<16xf32>,
        %bitcast3A_201 = vector.bitcast %get3A_200 : vector<16xf32> to vector<16xi32>
        %gt3A_202 = vector.broadcast %xor3A_123 : i32 to vector<16xi32>
        %gt3A_203 = arith.cmpi sgt, %bitcast3A_201, %gt3A_202 : vector<16xi32>
        %jit3A_204 = arith.constant 1 : i32
        %jit3A_205 = arith.constant 0 : i32
        %broadcast_in_dim3A_206 = vector.broadcast %jit3A_204 : i32 to vector<16xi32>
        %broadcast_in_dim3A_207 = vector.broadcast %jit3A_205 : i32 to vector<16xi32>
        %select_n3A_208 = arith.select %gt3A_203, %broadcast_in_dim3A_206, %broadcast_in_dim3A_207 : vector<16xi1>, vector<16xi32>
        %add3A_209 = arith.addi %add3A_189, %select_n3A_208 : vector<16xi32>
        %ge3A_210 = vector.broadcast %xor3A_123 : i32 to vector<16xi32>
        %ge3A_211 = arith.cmpi sge, %bitcast3A_201, %ge3A_210 : vector<16xi32>
        %jit3A_212 = arith.constant 1 : i32
        %jit3A_213 = arith.constant 0 : i32
        %broadcast_in_dim3A_214 = vector.broadcast %jit3A_212 : i32 to vector<16xi32>
        %broadcast_in_dim3A_215 = vector.broadcast %jit3A_213 : i32 to vector<16xi32>
        %select_n3A_216 = arith.select %ge3A_211, %broadcast_in_dim3A_214, %broadcast_in_dim3A_215 : vector<16xi1>, vector<16xi32>
        %add3A_217 = arith.addi %add3A_197, %select_n3A_216 : vector<16xi32>
        %get3A_218 = arith.index_cast %scan3A_138 : i32 to index
        %get3A_219 = arith.constant 64 : index
        %get3A_220 = tpu.vector_load %arg5[%get3A_218, %get3A_219] {strides = array<i32>} : memref<392x128xf32, #tpu.memory_space<vmem>>, vector<16xf32>,
        %bitcast3A_221 = vector.bitcast %get3A_220 : vector<16xf32> to vector<16xi32>
        %gt3A_222 = vector.broadcast %xor3A_123 : i32 to vector<16xi32>
        %gt3A_223 = arith.cmpi sgt, %bitcast3A_221, %gt3A_222 : vector<16xi32>
        %jit3A_224 = arith.constant 1 : i32
        %jit3A_225 = arith.constant 0 : i32
        %broadcast_in_dim3A_226 = vector.broadcast %jit3A_224 : i32 to vector<16xi32>
        %broadcast_in_dim3A_227 = vector.broadcast %jit3A_225 : i32 to vector<16xi32>
        %select_n3A_228 = arith.select %gt3A_223, %broadcast_in_dim3A_226, %broadcast_in_dim3A_227 : vector<16xi1>, vector<16xi32>
        %add3A_229 = arith.addi %add3A_209, %select_n3A_228 : vector<16xi32>
        %ge3A_230 = vector.broadcast %xor3A_123 : i32 to vector<16xi32>
        %ge3A_231 = arith.cmpi sge, %bitcast3A_221, %ge3A_230 : vector<16xi32>
        %jit3A_232 = arith.constant 1 : i32
        %jit3A_233 = arith.constant 0 : i32
        %broadcast_in_dim3A_234 = vector.broadcast %jit3A_232 : i32 to vector<16xi32>
        %broadcast_in_dim3A_235 = vector.broadcast %jit3A_233 : i32 to vector<16xi32>
        %select_n3A_236 = arith.select %ge3A_231, %broadcast_in_dim3A_234, %broadcast_in_dim3A_235 : vector<16xi1>, vector<16xi32>
        %add3A_237 = arith.addi %add3A_217, %select_n3A_236 : vector<16xi32>
        %get3A_238 = arith.index_cast %scan3A_138 : i32 to index
        %get3A_239 = arith.constant 80 : index
        %get3A_240 = tpu.vector_load %arg5[%get3A_238, %get3A_239] {strides = array<i32>} : memref<392x128xf32, #tpu.memory_space<vmem>>, vector<16xf32>,
        %bitcast3A_241 = vector.bitcast %get3A_240 : vector<16xf32> to vector<16xi32>
        %gt3A_242 = vector.broadcast %xor3A_123 : i32 to vector<16xi32>
        %gt3A_243 = arith.cmpi sgt, %bitcast3A_241, %gt3A_242 : vector<16xi32>
        %jit3A_244 = arith.constant 1 : i32
        %jit3A_245 = arith.constant 0 : i32
        %broadcast_in_dim3A_246 = vector.broadcast %jit3A_244 : i32 to vector<16xi32>
        %broadcast_in_dim3A_247 = vector.broadcast %jit3A_245 : i32 to vector<16xi32>
        %select_n3A_248 = arith.select %gt3A_243, %broadcast_in_dim3A_246, %broadcast_in_dim3A_247 : vector<16xi1>, vector<16xi32>
        %add3A_249 = arith.addi %add3A_229, %select_n3A_248 : vector<16xi32>
        %ge3A_250 = vector.broadcast %xor3A_123 : i32 to vector<16xi32>
        %ge3A_251 = arith.cmpi sge, %bitcast3A_241, %ge3A_250 : vector<16xi32>
        %jit3A_252 = arith.constant 1 : i32
        %jit3A_253 = arith.constant 0 : i32
        %broadcast_in_dim3A_254 = vector.broadcast %jit3A_252 : i32 to vector<16xi32>
        %broadcast_in_dim3A_255 = vector.broadcast %jit3A_253 : i32 to vector<16xi32>
        %select_n3A_256 = arith.select %ge3A_251, %broadcast_in_dim3A_254, %broadcast_in_dim3A_255 : vector<16xi1>, vector<16xi32>
        %add3A_257 = arith.addi %add3A_237, %select_n3A_256 : vector<16xi32>
        %get3A_258 = arith.index_cast %scan3A_138 : i32 to index
        %get3A_259 = arith.constant 96 : index
        %get3A_260 = tpu.vector_load %arg5[%get3A_258, %get3A_259] {strides = array<i32>} : memref<392x128xf32, #tpu.memory_space<vmem>>, vector<16xf32>,
        %bitcast3A_261 = vector.bitcast %get3A_260 : vector<16xf32> to vector<16xi32>
        %gt3A_262 = vector.broadcast %xor3A_123 : i32 to vector<16xi32>
        %gt3A_263 = arith.cmpi sgt, %bitcast3A_261, %gt3A_262 : vector<16xi32>
        %jit3A_264 = arith.constant 1 : i32
        %jit3A_265 = arith.constant 0 : i32
        %broadcast_in_dim3A_266 = vector.broadcast %jit3A_264 : i32 to vector<16xi32>
        %broadcast_in_dim3A_267 = vector.broadcast %jit3A_265 : i32 to vector<16xi32>
        %select_n3A_268 = arith.select %gt3A_263, %broadcast_in_dim3A_266, %broadcast_in_dim3A_267 : vector<16xi1>, vector<16xi32>
        %add3A_269 = arith.addi %add3A_249, %select_n3A_268 : vector<16xi32>
        %ge3A_270 = vector.broadcast %xor3A_123 : i32 to vector<16xi32>
        %ge3A_271 = arith.cmpi sge, %bitcast3A_261, %ge3A_270 : vector<16xi32>
        %jit3A_272 = arith.constant 1 : i32
        %jit3A_273 = arith.constant 0 : i32
        %broadcast_in_dim3A_274 = vector.broadcast %jit3A_272 : i32 to vector<16xi32>
        %broadcast_in_dim3A_275 = vector.broadcast %jit3A_273 : i32 to vector<16xi32>
        %select_n3A_276 = arith.select %ge3A_271, %broadcast_in_dim3A_274, %broadcast_in_dim3A_275 : vector<16xi1>, vector<16xi32>
        %add3A_277 = arith.addi %add3A_257, %select_n3A_276 : vector<16xi32>
        %get3A_278 = arith.index_cast %scan3A_138 : i32 to index
        %get3A_279 = arith.constant 112 : index
        %get3A_280 = tpu.vector_load %arg5[%get3A_278, %get3A_279] {strides = array<i32>} : memref<392x128xf32, #tpu.memory_space<vmem>>, vector<16xf32>,
        %bitcast3A_281 = vector.bitcast %get3A_280 : vector<16xf32> to vector<16xi32>
        %gt3A_282 = vector.broadcast %xor3A_123 : i32 to vector<16xi32>
        %gt3A_283 = arith.cmpi sgt, %bitcast3A_281, %gt3A_282 : vector<16xi32>
        %jit3A_284 = arith.constant 1 : i32
        %jit3A_285 = arith.constant 0 : i32
        %broadcast_in_dim3A_286 = vector.broadcast %jit3A_284 : i32 to vector<16xi32>
        %broadcast_in_dim3A_287 = vector.broadcast %jit3A_285 : i32 to vector<16xi32>
        %select_n3A_288 = arith.select %gt3A_283, %broadcast_in_dim3A_286, %broadcast_in_dim3A_287 : vector<16xi1>, vector<16xi32>
        %add3A_289 = arith.addi %add3A_269, %select_n3A_288 : vector<16xi32>
        %ge3A_290 = vector.broadcast %xor3A_123 : i32 to vector<16xi32>
        %ge3A_291 = arith.cmpi sge, %bitcast3A_281, %ge3A_290 : vector<16xi32>
        %jit3A_292 = arith.constant 1 : i32
        %jit3A_293 = arith.constant 0 : i32
        %broadcast_in_dim3A_294 = vector.broadcast %jit3A_292 : i32 to vector<16xi32>
        %broadcast_in_dim3A_295 = vector.broadcast %jit3A_293 : i32 to vector<16xi32>
        %select_n3A_296 = arith.select %ge3A_291, %broadcast_in_dim3A_294, %broadcast_in_dim3A_295 : vector<16xi1>, vector<16xi32>
        %add3A_297 = arith.addi %add3A_277, %select_n3A_296 : vector<16xi32>
        scf.yield %add3A_289, %add3A_297 : vector<16xi32>, vector<16xi32>
      }
      %scan3A_129 = arith.constant 392 : i32
      %reduce_sum3A_130 = arith.constant true
      %reduce_sum3A_131 = vector.broadcast %reduce_sum3A_130 : i1 to vector<16xi1>
      %reduce_sum3A_132 = tpu.scan <sum>, %scan3A_128#0 masked %reduce_sum3A_131 : vector<16xi32>, vector<16xi1> -> vector<16xi32>
      %reduce_sum3A_133 = vector.extract %reduce_sum3A_132[15] : i32 from vector<16xi32>
      %reduce_sum3A_134 = arith.constant true
      %reduce_sum3A_135 = vector.broadcast %reduce_sum3A_134 : i1 to vector<16xi1>
      %reduce_sum3A_136 = tpu.scan <sum>, %scan3A_128#1 masked %reduce_sum3A_135 : vector<16xi32>, vector<16xi1> -> vector<16xi32>
      %reduce_sum3A_137 = vector.extract %reduce_sum3A_136[15] : i32 from vector<16xi32>
      scf.yield %xor3A_123, %reduce_sum3A_133, %reduce_sum3A_137 : i32, i32, i32
    }
    %sub3A = arith.subi %min3A_42, %cond3A_81#1 : i32
    %sub3A_82 = arith.subi %cond3A_81#2, %cond3A_81#1 : i32
    %eq3A = arith.cmpi eq, %sub3A_82, %sub3A : i32
    %convert_element_type3A_83 = arith.extui %eq3A : i1 to i32
    %cond3A_84 = arith.constant 0 : i32
    %cond3A_85 = arith.constant 0 : i32
    %cond3A_86 = arith.cmpi ne, %convert_element_type3A_83, %cond3A_85 : i32
    %cond3A_87 = scf.if %cond3A_86 -> (i32) {
      %cond3A_117 = arith.constant 131072 : i32
      scf.yield %cond3A_117 : i32
    } else {
      %scan3A_117 = arith.constant 0 : i32
      %scan3A_118 = arith.constant 0 : i32
      %scan3A_119 = arith.constant 17 : i32
      %scan3A_120 = arith.addi %scan3A_118, %scan3A_119 : i32
      %scan3A_121 = arith.constant 1 : i32
      %scan3A_122 = scf.for %scan3A_124 = %scan3A_118 to %scan3A_120 step %scan3A_121 iter_args(%scan3A_125 = %scan3A_117) -> (i32)  : i32 {
        %sub3A_126 = arith.constant 16 : i32
        %sub3A_127 = arith.subi %sub3A_126, %scan3A_124 : i32
        %shift_left3A = arith.constant 1 : i32
        %shift_left3A_128 = arith.shli %shift_left3A, %sub3A_127 : i32
        %or3A = arith.ori %scan3A_125, %shift_left3A_128 : i32
        %scan3A_129 = arith.constant 0 : i32
        %scan3A_130 = arith.constant 392 : i32
        %scan3A_131 = arith.addi %scan3A_129, %scan3A_130 : i32
        %scan3A_132 = arith.constant 1 : i32
        %scan3A_133 = scf.for %scan3A_141 = %scan3A_129 to %scan3A_131 step %scan3A_132 iter_args(%scan3A_142 = %broadcast_in_dim3A_31) -> (vector<16xi32>)  : i32 {
          %get3A = arith.index_cast %scan3A_141 : i32 to index
          %get3A_143 = arith.constant 0 : index
          %get3A_144 = tpu.vector_load %arg5[%get3A, %get3A_143] {strides = array<i32>} : memref<392x128xf32, #tpu.memory_space<vmem>>, vector<16xf32>,
          %bitcast3A = vector.bitcast %get3A_144 : vector<16xf32> to vector<16xi32>
          %mul3A_145 = arith.constant 128 : i32
          %mul3A_146 = arith.muli %scan3A_141, %mul3A_145 : i32
          %add3A_147 = arith.constant 0 : i32
          %add3A_148 = arith.addi %mul3A_146, %add3A_147 : i32
          %add3A_149 = vector.broadcast %add3A_148 : i32 to vector<16xi32>
          %add3A_150 = arith.addi %add3A_149, %iota3A : vector<16xi32>
          %eq3A_151 = vector.broadcast %cond3A_81#0 : i32 to vector<16xi32>
          %eq3A_152 = arith.cmpi eq, %bitcast3A, %eq3A_151 : vector<16xi32>
          %lt3A = vector.broadcast %or3A : i32 to vector<16xi32>
          %lt3A_153 = arith.cmpi slt, %add3A_150, %lt3A : vector<16xi32>
          %and3A = arith.andi %eq3A_152, %lt3A_153 : vector<16xi1>
          %jit3A_154 = arith.constant 1 : i32
          %jit3A_155 = arith.constant 0 : i32
          %broadcast_in_dim3A_156 = vector.broadcast %jit3A_154 : i32 to vector<16xi32>
          %broadcast_in_dim3A_157 = vector.broadcast %jit3A_155 : i32 to vector<16xi32>
          %select_n3A_158 = arith.select %and3A, %broadcast_in_dim3A_156, %broadcast_in_dim3A_157 : vector<16xi1>, vector<16xi32>
          %add3A_159 = arith.addi %scan3A_142, %select_n3A_158 : vector<16xi32>
          %get3A_160 = arith.index_cast %scan3A_141 : i32 to index
          %get3A_161 = arith.constant 16 : index
          %get3A_162 = tpu.vector_load %arg5[%get3A_160, %get3A_161] {strides = array<i32>} : memref<392x128xf32, #tpu.memory_space<vmem>>, vector<16xf32>,
          %bitcast3A_163 = vector.bitcast %get3A_162 : vector<16xf32> to vector<16xi32>
          %mul3A_164 = arith.constant 128 : i32
          %mul3A_165 = arith.muli %scan3A_141, %mul3A_164 : i32
          %add3A_166 = arith.constant 16 : i32
          %add3A_167 = arith.addi %mul3A_165, %add3A_166 : i32
          %add3A_168 = vector.broadcast %add3A_167 : i32 to vector<16xi32>
          %add3A_169 = arith.addi %add3A_168, %iota3A : vector<16xi32>
          %eq3A_170 = vector.broadcast %cond3A_81#0 : i32 to vector<16xi32>
          %eq3A_171 = arith.cmpi eq, %bitcast3A_163, %eq3A_170 : vector<16xi32>
          %lt3A_172 = vector.broadcast %or3A : i32 to vector<16xi32>
          %lt3A_173 = arith.cmpi slt, %add3A_169, %lt3A_172 : vector<16xi32>
          %and3A_174 = arith.andi %eq3A_171, %lt3A_173 : vector<16xi1>
          %jit3A_175 = arith.constant 1 : i32
          %jit3A_176 = arith.constant 0 : i32
          %broadcast_in_dim3A_177 = vector.broadcast %jit3A_175 : i32 to vector<16xi32>
          %broadcast_in_dim3A_178 = vector.broadcast %jit3A_176 : i32 to vector<16xi32>
          %select_n3A_179 = arith.select %and3A_174, %broadcast_in_dim3A_177, %broadcast_in_dim3A_178 : vector<16xi1>, vector<16xi32>
          %add3A_180 = arith.addi %add3A_159, %select_n3A_179 : vector<16xi32>
          %get3A_181 = arith.index_cast %scan3A_141 : i32 to index
          %get3A_182 = arith.constant 32 : index
          %get3A_183 = tpu.vector_load %arg5[%get3A_181, %get3A_182] {strides = array<i32>} : memref<392x128xf32, #tpu.memory_space<vmem>>, vector<16xf32>,
          %bitcast3A_184 = vector.bitcast %get3A_183 : vector<16xf32> to vector<16xi32>
          %mul3A_185 = arith.constant 128 : i32
          %mul3A_186 = arith.muli %scan3A_141, %mul3A_185 : i32
          %add3A_187 = arith.constant 32 : i32
          %add3A_188 = arith.addi %mul3A_186, %add3A_187 : i32
          %add3A_189 = vector.broadcast %add3A_188 : i32 to vector<16xi32>
          %add3A_190 = arith.addi %add3A_189, %iota3A : vector<16xi32>
          %eq3A_191 = vector.broadcast %cond3A_81#0 : i32 to vector<16xi32>
          %eq3A_192 = arith.cmpi eq, %bitcast3A_184, %eq3A_191 : vector<16xi32>
          %lt3A_193 = vector.broadcast %or3A : i32 to vector<16xi32>
          %lt3A_194 = arith.cmpi slt, %add3A_190, %lt3A_193 : vector<16xi32>
          %and3A_195 = arith.andi %eq3A_192, %lt3A_194 : vector<16xi1>
          %jit3A_196 = arith.constant 1 : i32
          %jit3A_197 = arith.constant 0 : i32
          %broadcast_in_dim3A_198 = vector.broadcast %jit3A_196 : i32 to vector<16xi32>
          %broadcast_in_dim3A_199 = vector.broadcast %jit3A_197 : i32 to vector<16xi32>
          %select_n3A_200 = arith.select %and3A_195, %broadcast_in_dim3A_198, %broadcast_in_dim3A_199 : vector<16xi1>, vector<16xi32>
          %add3A_201 = arith.addi %add3A_180, %select_n3A_200 : vector<16xi32>
          %get3A_202 = arith.index_cast %scan3A_141 : i32 to index
          %get3A_203 = arith.constant 48 : index
          %get3A_204 = tpu.vector_load %arg5[%get3A_202, %get3A_203] {strides = array<i32>} : memref<392x128xf32, #tpu.memory_space<vmem>>, vector<16xf32>,
          %bitcast3A_205 = vector.bitcast %get3A_204 : vector<16xf32> to vector<16xi32>
          %mul3A_206 = arith.constant 128 : i32
          %mul3A_207 = arith.muli %scan3A_141, %mul3A_206 : i32
          %add3A_208 = arith.constant 48 : i32
          %add3A_209 = arith.addi %mul3A_207, %add3A_208 : i32
          %add3A_210 = vector.broadcast %add3A_209 : i32 to vector<16xi32>
          %add3A_211 = arith.addi %add3A_210, %iota3A : vector<16xi32>
          %eq3A_212 = vector.broadcast %cond3A_81#0 : i32 to vector<16xi32>
          %eq3A_213 = arith.cmpi eq, %bitcast3A_205, %eq3A_212 : vector<16xi32>
          %lt3A_214 = vector.broadcast %or3A : i32 to vector<16xi32>
          %lt3A_215 = arith.cmpi slt, %add3A_211, %lt3A_214 : vector<16xi32>
          %and3A_216 = arith.andi %eq3A_213, %lt3A_215 : vector<16xi1>
          %jit3A_217 = arith.constant 1 : i32
          %jit3A_218 = arith.constant 0 : i32
          %broadcast_in_dim3A_219 = vector.broadcast %jit3A_217 : i32 to vector<16xi32>
          %broadcast_in_dim3A_220 = vector.broadcast %jit3A_218 : i32 to vector<16xi32>
          %select_n3A_221 = arith.select %and3A_216, %broadcast_in_dim3A_219, %broadcast_in_dim3A_220 : vector<16xi1>, vector<16xi32>
          %add3A_222 = arith.addi %add3A_201, %select_n3A_221 : vector<16xi32>
          %get3A_223 = arith.index_cast %scan3A_141 : i32 to index
          %get3A_224 = arith.constant 64 : index
          %get3A_225 = tpu.vector_load %arg5[%get3A_223, %get3A_224] {strides = array<i32>} : memref<392x128xf32, #tpu.memory_space<vmem>>, vector<16xf32>,
          %bitcast3A_226 = vector.bitcast %get3A_225 : vector<16xf32> to vector<16xi32>
          %mul3A_227 = arith.constant 128 : i32
          %mul3A_228 = arith.muli %scan3A_141, %mul3A_227 : i32
          %add3A_229 = arith.constant 64 : i32
          %add3A_230 = arith.addi %mul3A_228, %add3A_229 : i32
          %add3A_231 = vector.broadcast %add3A_230 : i32 to vector<16xi32>
          %add3A_232 = arith.addi %add3A_231, %iota3A : vector<16xi32>
          %eq3A_233 = vector.broadcast %cond3A_81#0 : i32 to vector<16xi32>
          %eq3A_234 = arith.cmpi eq, %bitcast3A_226, %eq3A_233 : vector<16xi32>
          %lt3A_235 = vector.broadcast %or3A : i32 to vector<16xi32>
          %lt3A_236 = arith.cmpi slt, %add3A_232, %lt3A_235 : vector<16xi32>
          %and3A_237 = arith.andi %eq3A_234, %lt3A_236 : vector<16xi1>
          %jit3A_238 = arith.constant 1 : i32
          %jit3A_239 = arith.constant 0 : i32
          %broadcast_in_dim3A_240 = vector.broadcast %jit3A_238 : i32 to vector<16xi32>
          %broadcast_in_dim3A_241 = vector.broadcast %jit3A_239 : i32 to vector<16xi32>
          %select_n3A_242 = arith.select %and3A_237, %broadcast_in_dim3A_240, %broadcast_in_dim3A_241 : vector<16xi1>, vector<16xi32>
          %add3A_243 = arith.addi %add3A_222, %select_n3A_242 : vector<16xi32>
          %get3A_244 = arith.index_cast %scan3A_141 : i32 to index
          %get3A_245 = arith.constant 80 : index
          %get3A_246 = tpu.vector_load %arg5[%get3A_244, %get3A_245] {strides = array<i32>} : memref<392x128xf32, #tpu.memory_space<vmem>>, vector<16xf32>,
          %bitcast3A_247 = vector.bitcast %get3A_246 : vector<16xf32> to vector<16xi32>
          %mul3A_248 = arith.constant 128 : i32
          %mul3A_249 = arith.muli %scan3A_141, %mul3A_248 : i32
          %add3A_250 = arith.constant 80 : i32
          %add3A_251 = arith.addi %mul3A_249, %add3A_250 : i32
          %add3A_252 = vector.broadcast %add3A_251 : i32 to vector<16xi32>
          %add3A_253 = arith.addi %add3A_252, %iota3A : vector<16xi32>
          %eq3A_254 = vector.broadcast %cond3A_81#0 : i32 to vector<16xi32>
          %eq3A_255 = arith.cmpi eq, %bitcast3A_247, %eq3A_254 : vector<16xi32>
          %lt3A_256 = vector.broadcast %or3A : i32 to vector<16xi32>
          %lt3A_257 = arith.cmpi slt, %add3A_253, %lt3A_256 : vector<16xi32>
          %and3A_258 = arith.andi %eq3A_255, %lt3A_257 : vector<16xi1>
          %jit3A_259 = arith.constant 1 : i32
          %jit3A_260 = arith.constant 0 : i32
          %broadcast_in_dim3A_261 = vector.broadcast %jit3A_259 : i32 to vector<16xi32>
          %broadcast_in_dim3A_262 = vector.broadcast %jit3A_260 : i32 to vector<16xi32>
          %select_n3A_263 = arith.select %and3A_258, %broadcast_in_dim3A_261, %broadcast_in_dim3A_262 : vector<16xi1>, vector<16xi32>
          %add3A_264 = arith.addi %add3A_243, %select_n3A_263 : vector<16xi32>
          %get3A_265 = arith.index_cast %scan3A_141 : i32 to index
          %get3A_266 = arith.constant 96 : index
          %get3A_267 = tpu.vector_load %arg5[%get3A_265, %get3A_266] {strides = array<i32>} : memref<392x128xf32, #tpu.memory_space<vmem>>, vector<16xf32>,
          %bitcast3A_268 = vector.bitcast %get3A_267 : vector<16xf32> to vector<16xi32>
          %mul3A_269 = arith.constant 128 : i32
          %mul3A_270 = arith.muli %scan3A_141, %mul3A_269 : i32
          %add3A_271 = arith.constant 96 : i32
          %add3A_272 = arith.addi %mul3A_270, %add3A_271 : i32
          %add3A_273 = vector.broadcast %add3A_272 : i32 to vector<16xi32>
          %add3A_274 = arith.addi %add3A_273, %iota3A : vector<16xi32>
          %eq3A_275 = vector.broadcast %cond3A_81#0 : i32 to vector<16xi32>
          %eq3A_276 = arith.cmpi eq, %bitcast3A_268, %eq3A_275 : vector<16xi32>
          %lt3A_277 = vector.broadcast %or3A : i32 to vector<16xi32>
          %lt3A_278 = arith.cmpi slt, %add3A_274, %lt3A_277 : vector<16xi32>
          %and3A_279 = arith.andi %eq3A_276, %lt3A_278 : vector<16xi1>
          %jit3A_280 = arith.constant 1 : i32
          %jit3A_281 = arith.constant 0 : i32
          %broadcast_in_dim3A_282 = vector.broadcast %jit3A_280 : i32 to vector<16xi32>
          %broadcast_in_dim3A_283 = vector.broadcast %jit3A_281 : i32 to vector<16xi32>
          %select_n3A_284 = arith.select %and3A_279, %broadcast_in_dim3A_282, %broadcast_in_dim3A_283 : vector<16xi1>, vector<16xi32>
          %add3A_285 = arith.addi %add3A_264, %select_n3A_284 : vector<16xi32>
          %get3A_286 = arith.index_cast %scan3A_141 : i32 to index
          %get3A_287 = arith.constant 112 : index
          %get3A_288 = tpu.vector_load %arg5[%get3A_286, %get3A_287] {strides = array<i32>} : memref<392x128xf32, #tpu.memory_space<vmem>>, vector<16xf32>,
          %bitcast3A_289 = vector.bitcast %get3A_288 : vector<16xf32> to vector<16xi32>
          %mul3A_290 = arith.constant 128 : i32
          %mul3A_291 = arith.muli %scan3A_141, %mul3A_290 : i32
          %add3A_292 = arith.constant 112 : i32
          %add3A_293 = arith.addi %mul3A_291, %add3A_292 : i32
          %add3A_294 = vector.broadcast %add3A_293 : i32 to vector<16xi32>
          %add3A_295 = arith.addi %add3A_294, %iota3A : vector<16xi32>
          %eq3A_296 = vector.broadcast %cond3A_81#0 : i32 to vector<16xi32>
          %eq3A_297 = arith.cmpi eq, %bitcast3A_289, %eq3A_296 : vector<16xi32>
          %lt3A_298 = vector.broadcast %or3A : i32 to vector<16xi32>
          %lt3A_299 = arith.cmpi slt, %add3A_295, %lt3A_298 : vector<16xi32>
          %and3A_300 = arith.andi %eq3A_297, %lt3A_299 : vector<16xi1>
          %jit3A_301 = arith.constant 1 : i32
          %jit3A_302 = arith.constant 0 : i32
          %broadcast_in_dim3A_303 = vector.broadcast %jit3A_301 : i32 to vector<16xi32>
          %broadcast_in_dim3A_304 = vector.broadcast %jit3A_302 : i32 to vector<16xi32>
          %select_n3A_305 = arith.select %and3A_300, %broadcast_in_dim3A_303, %broadcast_in_dim3A_304 : vector<16xi1>, vector<16xi32>
          %add3A_306 = arith.addi %add3A_285, %select_n3A_305 : vector<16xi32>
          scf.yield %add3A_306 : vector<16xi32>
        }
        %scan3A_134 = arith.constant 392 : i32
        %reduce_sum3A_135 = arith.constant true
        %reduce_sum3A_136 = vector.broadcast %reduce_sum3A_135 : i1 to vector<16xi1>
        %reduce_sum3A_137 = tpu.scan <sum>, %scan3A_133 masked %reduce_sum3A_136 : vector<16xi32>, vector<16xi1> -> vector<16xi32>
        %reduce_sum3A_138 = vector.extract %reduce_sum3A_137[15] : i32 from vector<16xi32>
        %le3A_139 = arith.cmpi sle, %reduce_sum3A_138, %sub3A : i32
        %select_n3A_140 = arith.select %le3A_139, %or3A, %scan3A_125 : i32
        scf.yield %select_n3A_140 : i32
      }
      %scan3A_123 = arith.constant 17 : i32
      scf.yield %scan3A_122 : i32
    }
    %eq3A_88 = arith.constant 131072 : i32
    %eq3A_89 = arith.cmpi eq, %cond3A_87, %eq3A_88 : i32
    %convert_element_type3A_90 = arith.extui %eq3A_89 : i1 to i32
    %cond3A_91 = arith.constant 0 : i32
    %cond3A_92 = arith.constant 0 : i32
    %cond3A_93 = arith.cmpi ne, %convert_element_type3A_90, %cond3A_92 : i32
    %cond3A_94:2 = scf.if %cond3A_93 -> (vector<16xf32>, vector<16xi32>) {
      %broadcast_in_dim3A_117 = arith.constant 0.000000e+00 : f32
      %broadcast_in_dim3A_118 = vector.broadcast %broadcast_in_dim3A_117 : f32 to vector<16xf32>
      %scan3A_119 = arith.constant 0 : i32
      %scan3A_120 = arith.constant 392 : i32
      %scan3A_121 = arith.addi %scan3A_119, %scan3A_120 : i32
      %scan3A_122 = arith.constant 1 : i32
      %scan3A_123:2 = scf.for %scan3A_125 = %scan3A_119 to %scan3A_121 step %scan3A_122 iter_args(%scan3A_126 = %broadcast_in_dim3A_118, %scan3A_127 = %broadcast_in_dim3A_31) -> (vector<16xf32>, vector<16xi32>)  : i32 {
        %get3A = arith.index_cast %scan3A_125 : i32 to index
        %get3A_128 = arith.constant 0 : index
        %get3A_129 = tpu.vector_load %arg5[%get3A, %get3A_128] {strides = array<i32>} : memref<392x128xf32, #tpu.memory_space<vmem>>, vector<16xf32>,
        %bitcast3A = vector.bitcast %get3A_129 : vector<16xf32> to vector<16xi32>
        %shift_right_arithmetic3A = arith.constant 31 : i32
        %shift_right_arithmetic3A_130 = vector.broadcast %shift_right_arithmetic3A : i32 to vector<16xi32>
        %shift_right_arithmetic3A_131 = arith.shrsi %bitcast3A, %shift_right_arithmetic3A_130 : vector<16xi32>
        %and3A = arith.constant 2147483647 : i32
        %and3A_132 = vector.broadcast %and3A : i32 to vector<16xi32>
        %and3A_133 = arith.andi %shift_right_arithmetic3A_131, %and3A_132 : vector<16xi32>
        %xor3A = arith.xori %bitcast3A, %and3A_133 : vector<16xi32>
        %bitcast3A_134 = vector.bitcast %xor3A : vector<16xi32> to vector<16xf32>
        %get3A_135 = arith.index_cast %scan3A_125 : i32 to index
        %get3A_136 = arith.constant 0 : index
        %get3A_137 = tpu.vector_load %arg6[%get3A_135, %get3A_136] {strides = array<i32>} : memref<392x128xf32, #tpu.memory_space<vmem>>, vector<16xf32>,
        %gt3A = arith.constant 1.000000e-01 : f32
        %gt3A_138 = vector.broadcast %gt3A : f32 to vector<16xf32>
        %gt3A_139 = arith.cmpf ogt, %get3A_137, %gt3A_138 : vector<16xf32>
        %ge3A_140 = vector.broadcast %cond3A_81#0 : i32 to vector<16xi32>
        %ge3A_141 = arith.cmpi sge, %bitcast3A, %ge3A_140 : vector<16xi32>
        %or3A = arith.ori %gt3A_139, %ge3A_141 : vector<16xi1>
        %sub3A_142 = arith.subf %bitcast3A_134, %get3A_137 : vector<16xf32>
        %mul3A_143 = arith.mulf %sub3A_142, %sub3A_142 : vector<16xf32>
        %jit3A_144 = arith.constant 0.000000e+00 : f32
        %broadcast_in_dim3A_145 = vector.broadcast %jit3A_144 : f32 to vector<16xf32>
        %select_n3A_146 = arith.select %or3A, %mul3A_143, %broadcast_in_dim3A_145 : vector<16xi1>, vector<16xf32>
        %add3A_147 = arith.addf %scan3A_126, %select_n3A_146 : vector<16xf32>
        %jit3A_148 = arith.constant 1 : i32
        %jit3A_149 = arith.constant 0 : i32
        %broadcast_in_dim3A_150 = vector.broadcast %jit3A_148 : i32 to vector<16xi32>
        %broadcast_in_dim3A_151 = vector.broadcast %jit3A_149 : i32 to vector<16xi32>
        %select_n3A_152 = arith.select %or3A, %broadcast_in_dim3A_150, %broadcast_in_dim3A_151 : vector<16xi1>, vector<16xi32>
        %add3A_153 = arith.addi %scan3A_127, %select_n3A_152 : vector<16xi32>
        %get3A_154 = arith.index_cast %scan3A_125 : i32 to index
        %get3A_155 = arith.constant 16 : index
        %get3A_156 = tpu.vector_load %arg5[%get3A_154, %get3A_155] {strides = array<i32>} : memref<392x128xf32, #tpu.memory_space<vmem>>, vector<16xf32>,
        %bitcast3A_157 = vector.bitcast %get3A_156 : vector<16xf32> to vector<16xi32>
        %shift_right_arithmetic3A_158 = arith.constant 31 : i32
        %shift_right_arithmetic3A_159 = vector.broadcast %shift_right_arithmetic3A_158 : i32 to vector<16xi32>
        %shift_right_arithmetic3A_160 = arith.shrsi %bitcast3A_157, %shift_right_arithmetic3A_159 : vector<16xi32>
        %and3A_161 = arith.constant 2147483647 : i32
        %and3A_162 = vector.broadcast %and3A_161 : i32 to vector<16xi32>
        %and3A_163 = arith.andi %shift_right_arithmetic3A_160, %and3A_162 : vector<16xi32>
        %xor3A_164 = arith.xori %bitcast3A_157, %and3A_163 : vector<16xi32>
        %bitcast3A_165 = vector.bitcast %xor3A_164 : vector<16xi32> to vector<16xf32>
        %get3A_166 = arith.index_cast %scan3A_125 : i32 to index
        %get3A_167 = arith.constant 16 : index
        %get3A_168 = tpu.vector_load %arg6[%get3A_166, %get3A_167] {strides = array<i32>} : memref<392x128xf32, #tpu.memory_space<vmem>>, vector<16xf32>,
        %gt3A_169 = arith.constant 1.000000e-01 : f32
        %gt3A_170 = vector.broadcast %gt3A_169 : f32 to vector<16xf32>
        %gt3A_171 = arith.cmpf ogt, %get3A_168, %gt3A_170 : vector<16xf32>
        %ge3A_172 = vector.broadcast %cond3A_81#0 : i32 to vector<16xi32>
        %ge3A_173 = arith.cmpi sge, %bitcast3A_157, %ge3A_172 : vector<16xi32>
        %or3A_174 = arith.ori %gt3A_171, %ge3A_173 : vector<16xi1>
        %sub3A_175 = arith.subf %bitcast3A_165, %get3A_168 : vector<16xf32>
        %mul3A_176 = arith.mulf %sub3A_175, %sub3A_175 : vector<16xf32>
        %jit3A_177 = arith.constant 0.000000e+00 : f32
        %broadcast_in_dim3A_178 = vector.broadcast %jit3A_177 : f32 to vector<16xf32>
        %select_n3A_179 = arith.select %or3A_174, %mul3A_176, %broadcast_in_dim3A_178 : vector<16xi1>, vector<16xf32>
        %add3A_180 = arith.addf %add3A_147, %select_n3A_179 : vector<16xf32>
        %jit3A_181 = arith.constant 1 : i32
        %jit3A_182 = arith.constant 0 : i32
        %broadcast_in_dim3A_183 = vector.broadcast %jit3A_181 : i32 to vector<16xi32>
        %broadcast_in_dim3A_184 = vector.broadcast %jit3A_182 : i32 to vector<16xi32>
        %select_n3A_185 = arith.select %or3A_174, %broadcast_in_dim3A_183, %broadcast_in_dim3A_184 : vector<16xi1>, vector<16xi32>
        %add3A_186 = arith.addi %add3A_153, %select_n3A_185 : vector<16xi32>
        %get3A_187 = arith.index_cast %scan3A_125 : i32 to index
        %get3A_188 = arith.constant 32 : index
        %get3A_189 = tpu.vector_load %arg5[%get3A_187, %get3A_188] {strides = array<i32>} : memref<392x128xf32, #tpu.memory_space<vmem>>, vector<16xf32>,
        %bitcast3A_190 = vector.bitcast %get3A_189 : vector<16xf32> to vector<16xi32>
        %shift_right_arithmetic3A_191 = arith.constant 31 : i32
        %shift_right_arithmetic3A_192 = vector.broadcast %shift_right_arithmetic3A_191 : i32 to vector<16xi32>
        %shift_right_arithmetic3A_193 = arith.shrsi %bitcast3A_190, %shift_right_arithmetic3A_192 : vector<16xi32>
        %and3A_194 = arith.constant 2147483647 : i32
        %and3A_195 = vector.broadcast %and3A_194 : i32 to vector<16xi32>
        %and3A_196 = arith.andi %shift_right_arithmetic3A_193, %and3A_195 : vector<16xi32>
        %xor3A_197 = arith.xori %bitcast3A_190, %and3A_196 : vector<16xi32>
        %bitcast3A_198 = vector.bitcast %xor3A_197 : vector<16xi32> to vector<16xf32>
        %get3A_199 = arith.index_cast %scan3A_125 : i32 to index
        %get3A_200 = arith.constant 32 : index
        %get3A_201 = tpu.vector_load %arg6[%get3A_199, %get3A_200] {strides = array<i32>} : memref<392x128xf32, #tpu.memory_space<vmem>>, vector<16xf32>,
        %gt3A_202 = arith.constant 1.000000e-01 : f32
        %gt3A_203 = vector.broadcast %gt3A_202 : f32 to vector<16xf32>
        %gt3A_204 = arith.cmpf ogt, %get3A_201, %gt3A_203 : vector<16xf32>
        %ge3A_205 = vector.broadcast %cond3A_81#0 : i32 to vector<16xi32>
        %ge3A_206 = arith.cmpi sge, %bitcast3A_190, %ge3A_205 : vector<16xi32>
        %or3A_207 = arith.ori %gt3A_204, %ge3A_206 : vector<16xi1>
        %sub3A_208 = arith.subf %bitcast3A_198, %get3A_201 : vector<16xf32>
        %mul3A_209 = arith.mulf %sub3A_208, %sub3A_208 : vector<16xf32>
        %jit3A_210 = arith.constant 0.000000e+00 : f32
        %broadcast_in_dim3A_211 = vector.broadcast %jit3A_210 : f32 to vector<16xf32>
        %select_n3A_212 = arith.select %or3A_207, %mul3A_209, %broadcast_in_dim3A_211 : vector<16xi1>, vector<16xf32>
        %add3A_213 = arith.addf %add3A_180, %select_n3A_212 : vector<16xf32>
        %jit3A_214 = arith.constant 1 : i32
        %jit3A_215 = arith.constant 0 : i32
        %broadcast_in_dim3A_216 = vector.broadcast %jit3A_214 : i32 to vector<16xi32>
        %broadcast_in_dim3A_217 = vector.broadcast %jit3A_215 : i32 to vector<16xi32>
        %select_n3A_218 = arith.select %or3A_207, %broadcast_in_dim3A_216, %broadcast_in_dim3A_217 : vector<16xi1>, vector<16xi32>
        %add3A_219 = arith.addi %add3A_186, %select_n3A_218 : vector<16xi32>
        %get3A_220 = arith.index_cast %scan3A_125 : i32 to index
        %get3A_221 = arith.constant 48 : index
        %get3A_222 = tpu.vector_load %arg5[%get3A_220, %get3A_221] {strides = array<i32>} : memref<392x128xf32, #tpu.memory_space<vmem>>, vector<16xf32>,
        %bitcast3A_223 = vector.bitcast %get3A_222 : vector<16xf32> to vector<16xi32>
        %shift_right_arithmetic3A_224 = arith.constant 31 : i32
        %shift_right_arithmetic3A_225 = vector.broadcast %shift_right_arithmetic3A_224 : i32 to vector<16xi32>
        %shift_right_arithmetic3A_226 = arith.shrsi %bitcast3A_223, %shift_right_arithmetic3A_225 : vector<16xi32>
        %and3A_227 = arith.constant 2147483647 : i32
        %and3A_228 = vector.broadcast %and3A_227 : i32 to vector<16xi32>
        %and3A_229 = arith.andi %shift_right_arithmetic3A_226, %and3A_228 : vector<16xi32>
        %xor3A_230 = arith.xori %bitcast3A_223, %and3A_229 : vector<16xi32>
        %bitcast3A_231 = vector.bitcast %xor3A_230 : vector<16xi32> to vector<16xf32>
        %get3A_232 = arith.index_cast %scan3A_125 : i32 to index
        %get3A_233 = arith.constant 48 : index
        %get3A_234 = tpu.vector_load %arg6[%get3A_232, %get3A_233] {strides = array<i32>} : memref<392x128xf32, #tpu.memory_space<vmem>>, vector<16xf32>,
        %gt3A_235 = arith.constant 1.000000e-01 : f32
        %gt3A_236 = vector.broadcast %gt3A_235 : f32 to vector<16xf32>
        %gt3A_237 = arith.cmpf ogt, %get3A_234, %gt3A_236 : vector<16xf32>
        %ge3A_238 = vector.broadcast %cond3A_81#0 : i32 to vector<16xi32>
        %ge3A_239 = arith.cmpi sge, %bitcast3A_223, %ge3A_238 : vector<16xi32>
        %or3A_240 = arith.ori %gt3A_237, %ge3A_239 : vector<16xi1>
        %sub3A_241 = arith.subf %bitcast3A_231, %get3A_234 : vector<16xf32>
        %mul3A_242 = arith.mulf %sub3A_241, %sub3A_241 : vector<16xf32>
        %jit3A_243 = arith.constant 0.000000e+00 : f32
        %broadcast_in_dim3A_244 = vector.broadcast %jit3A_243 : f32 to vector<16xf32>
        %select_n3A_245 = arith.select %or3A_240, %mul3A_242, %broadcast_in_dim3A_244 : vector<16xi1>, vector<16xf32>
        %add3A_246 = arith.addf %add3A_213, %select_n3A_245 : vector<16xf32>
        %jit3A_247 = arith.constant 1 : i32
        %jit3A_248 = arith.constant 0 : i32
        %broadcast_in_dim3A_249 = vector.broadcast %jit3A_247 : i32 to vector<16xi32>
        %broadcast_in_dim3A_250 = vector.broadcast %jit3A_248 : i32 to vector<16xi32>
        %select_n3A_251 = arith.select %or3A_240, %broadcast_in_dim3A_249, %broadcast_in_dim3A_250 : vector<16xi1>, vector<16xi32>
        %add3A_252 = arith.addi %add3A_219, %select_n3A_251 : vector<16xi32>
        %get3A_253 = arith.index_cast %scan3A_125 : i32 to index
        %get3A_254 = arith.constant 64 : index
        %get3A_255 = tpu.vector_load %arg5[%get3A_253, %get3A_254] {strides = array<i32>} : memref<392x128xf32, #tpu.memory_space<vmem>>, vector<16xf32>,
        %bitcast3A_256 = vector.bitcast %get3A_255 : vector<16xf32> to vector<16xi32>
        %shift_right_arithmetic3A_257 = arith.constant 31 : i32
        %shift_right_arithmetic3A_258 = vector.broadcast %shift_right_arithmetic3A_257 : i32 to vector<16xi32>
        %shift_right_arithmetic3A_259 = arith.shrsi %bitcast3A_256, %shift_right_arithmetic3A_258 : vector<16xi32>
        %and3A_260 = arith.constant 2147483647 : i32
        %and3A_261 = vector.broadcast %and3A_260 : i32 to vector<16xi32>
        %and3A_262 = arith.andi %shift_right_arithmetic3A_259, %and3A_261 : vector<16xi32>
        %xor3A_263 = arith.xori %bitcast3A_256, %and3A_262 : vector<16xi32>
        %bitcast3A_264 = vector.bitcast %xor3A_263 : vector<16xi32> to vector<16xf32>
        %get3A_265 = arith.index_cast %scan3A_125 : i32 to index
        %get3A_266 = arith.constant 64 : index
        %get3A_267 = tpu.vector_load %arg6[%get3A_265, %get3A_266] {strides = array<i32>} : memref<392x128xf32, #tpu.memory_space<vmem>>, vector<16xf32>,
        %gt3A_268 = arith.constant 1.000000e-01 : f32
        %gt3A_269 = vector.broadcast %gt3A_268 : f32 to vector<16xf32>
        %gt3A_270 = arith.cmpf ogt, %get3A_267, %gt3A_269 : vector<16xf32>
        %ge3A_271 = vector.broadcast %cond3A_81#0 : i32 to vector<16xi32>
        %ge3A_272 = arith.cmpi sge, %bitcast3A_256, %ge3A_271 : vector<16xi32>
        %or3A_273 = arith.ori %gt3A_270, %ge3A_272 : vector<16xi1>
        %sub3A_274 = arith.subf %bitcast3A_264, %get3A_267 : vector<16xf32>
        %mul3A_275 = arith.mulf %sub3A_274, %sub3A_274 : vector<16xf32>
        %jit3A_276 = arith.constant 0.000000e+00 : f32
        %broadcast_in_dim3A_277 = vector.broadcast %jit3A_276 : f32 to vector<16xf32>
        %select_n3A_278 = arith.select %or3A_273, %mul3A_275, %broadcast_in_dim3A_277 : vector<16xi1>, vector<16xf32>
        %add3A_279 = arith.addf %add3A_246, %select_n3A_278 : vector<16xf32>
        %jit3A_280 = arith.constant 1 : i32
        %jit3A_281 = arith.constant 0 : i32
        %broadcast_in_dim3A_282 = vector.broadcast %jit3A_280 : i32 to vector<16xi32>
        %broadcast_in_dim3A_283 = vector.broadcast %jit3A_281 : i32 to vector<16xi32>
        %select_n3A_284 = arith.select %or3A_273, %broadcast_in_dim3A_282, %broadcast_in_dim3A_283 : vector<16xi1>, vector<16xi32>
        %add3A_285 = arith.addi %add3A_252, %select_n3A_284 : vector<16xi32>
        %get3A_286 = arith.index_cast %scan3A_125 : i32 to index
        %get3A_287 = arith.constant 80 : index
        %get3A_288 = tpu.vector_load %arg5[%get3A_286, %get3A_287] {strides = array<i32>} : memref<392x128xf32, #tpu.memory_space<vmem>>, vector<16xf32>,
        %bitcast3A_289 = vector.bitcast %get3A_288 : vector<16xf32> to vector<16xi32>
        %shift_right_arithmetic3A_290 = arith.constant 31 : i32
        %shift_right_arithmetic3A_291 = vector.broadcast %shift_right_arithmetic3A_290 : i32 to vector<16xi32>
        %shift_right_arithmetic3A_292 = arith.shrsi %bitcast3A_289, %shift_right_arithmetic3A_291 : vector<16xi32>
        %and3A_293 = arith.constant 2147483647 : i32
        %and3A_294 = vector.broadcast %and3A_293 : i32 to vector<16xi32>
        %and3A_295 = arith.andi %shift_right_arithmetic3A_292, %and3A_294 : vector<16xi32>
        %xor3A_296 = arith.xori %bitcast3A_289, %and3A_295 : vector<16xi32>
        %bitcast3A_297 = vector.bitcast %xor3A_296 : vector<16xi32> to vector<16xf32>
        %get3A_298 = arith.index_cast %scan3A_125 : i32 to index
        %get3A_299 = arith.constant 80 : index
        %get3A_300 = tpu.vector_load %arg6[%get3A_298, %get3A_299] {strides = array<i32>} : memref<392x128xf32, #tpu.memory_space<vmem>>, vector<16xf32>,
        %gt3A_301 = arith.constant 1.000000e-01 : f32
        %gt3A_302 = vector.broadcast %gt3A_301 : f32 to vector<16xf32>
        %gt3A_303 = arith.cmpf ogt, %get3A_300, %gt3A_302 : vector<16xf32>
        %ge3A_304 = vector.broadcast %cond3A_81#0 : i32 to vector<16xi32>
        %ge3A_305 = arith.cmpi sge, %bitcast3A_289, %ge3A_304 : vector<16xi32>
        %or3A_306 = arith.ori %gt3A_303, %ge3A_305 : vector<16xi1>
        %sub3A_307 = arith.subf %bitcast3A_297, %get3A_300 : vector<16xf32>
        %mul3A_308 = arith.mulf %sub3A_307, %sub3A_307 : vector<16xf32>
        %jit3A_309 = arith.constant 0.000000e+00 : f32
        %broadcast_in_dim3A_310 = vector.broadcast %jit3A_309 : f32 to vector<16xf32>
        %select_n3A_311 = arith.select %or3A_306, %mul3A_308, %broadcast_in_dim3A_310 : vector<16xi1>, vector<16xf32>
        %add3A_312 = arith.addf %add3A_279, %select_n3A_311 : vector<16xf32>
        %jit3A_313 = arith.constant 1 : i32
        %jit3A_314 = arith.constant 0 : i32
        %broadcast_in_dim3A_315 = vector.broadcast %jit3A_313 : i32 to vector<16xi32>
        %broadcast_in_dim3A_316 = vector.broadcast %jit3A_314 : i32 to vector<16xi32>
        %select_n3A_317 = arith.select %or3A_306, %broadcast_in_dim3A_315, %broadcast_in_dim3A_316 : vector<16xi1>, vector<16xi32>
        %add3A_318 = arith.addi %add3A_285, %select_n3A_317 : vector<16xi32>
        %get3A_319 = arith.index_cast %scan3A_125 : i32 to index
        %get3A_320 = arith.constant 96 : index
        %get3A_321 = tpu.vector_load %arg5[%get3A_319, %get3A_320] {strides = array<i32>} : memref<392x128xf32, #tpu.memory_space<vmem>>, vector<16xf32>,
        %bitcast3A_322 = vector.bitcast %get3A_321 : vector<16xf32> to vector<16xi32>
        %shift_right_arithmetic3A_323 = arith.constant 31 : i32
        %shift_right_arithmetic3A_324 = vector.broadcast %shift_right_arithmetic3A_323 : i32 to vector<16xi32>
        %shift_right_arithmetic3A_325 = arith.shrsi %bitcast3A_322, %shift_right_arithmetic3A_324 : vector<16xi32>
        %and3A_326 = arith.constant 2147483647 : i32
        %and3A_327 = vector.broadcast %and3A_326 : i32 to vector<16xi32>
        %and3A_328 = arith.andi %shift_right_arithmetic3A_325, %and3A_327 : vector<16xi32>
        %xor3A_329 = arith.xori %bitcast3A_322, %and3A_328 : vector<16xi32>
        %bitcast3A_330 = vector.bitcast %xor3A_329 : vector<16xi32> to vector<16xf32>
        %get3A_331 = arith.index_cast %scan3A_125 : i32 to index
        %get3A_332 = arith.constant 96 : index
        %get3A_333 = tpu.vector_load %arg6[%get3A_331, %get3A_332] {strides = array<i32>} : memref<392x128xf32, #tpu.memory_space<vmem>>, vector<16xf32>,
        %gt3A_334 = arith.constant 1.000000e-01 : f32
        %gt3A_335 = vector.broadcast %gt3A_334 : f32 to vector<16xf32>
        %gt3A_336 = arith.cmpf ogt, %get3A_333, %gt3A_335 : vector<16xf32>
        %ge3A_337 = vector.broadcast %cond3A_81#0 : i32 to vector<16xi32>
        %ge3A_338 = arith.cmpi sge, %bitcast3A_322, %ge3A_337 : vector<16xi32>
        %or3A_339 = arith.ori %gt3A_336, %ge3A_338 : vector<16xi1>
        %sub3A_340 = arith.subf %bitcast3A_330, %get3A_333 : vector<16xf32>
        %mul3A_341 = arith.mulf %sub3A_340, %sub3A_340 : vector<16xf32>
        %jit3A_342 = arith.constant 0.000000e+00 : f32
        %broadcast_in_dim3A_343 = vector.broadcast %jit3A_342 : f32 to vector<16xf32>
        %select_n3A_344 = arith.select %or3A_339, %mul3A_341, %broadcast_in_dim3A_343 : vector<16xi1>, vector<16xf32>
        %add3A_345 = arith.addf %add3A_312, %select_n3A_344 : vector<16xf32>
        %jit3A_346 = arith.constant 1 : i32
        %jit3A_347 = arith.constant 0 : i32
        %broadcast_in_dim3A_348 = vector.broadcast %jit3A_346 : i32 to vector<16xi32>
        %broadcast_in_dim3A_349 = vector.broadcast %jit3A_347 : i32 to vector<16xi32>
        %select_n3A_350 = arith.select %or3A_339, %broadcast_in_dim3A_348, %broadcast_in_dim3A_349 : vector<16xi1>, vector<16xi32>
        %add3A_351 = arith.addi %add3A_318, %select_n3A_350 : vector<16xi32>
        %get3A_352 = arith.index_cast %scan3A_125 : i32 to index
        %get3A_353 = arith.constant 112 : index
        %get3A_354 = tpu.vector_load %arg5[%get3A_352, %get3A_353] {strides = array<i32>} : memref<392x128xf32, #tpu.memory_space<vmem>>, vector<16xf32>,
        %bitcast3A_355 = vector.bitcast %get3A_354 : vector<16xf32> to vector<16xi32>
        %shift_right_arithmetic3A_356 = arith.constant 31 : i32
        %shift_right_arithmetic3A_357 = vector.broadcast %shift_right_arithmetic3A_356 : i32 to vector<16xi32>
        %shift_right_arithmetic3A_358 = arith.shrsi %bitcast3A_355, %shift_right_arithmetic3A_357 : vector<16xi32>
        %and3A_359 = arith.constant 2147483647 : i32
        %and3A_360 = vector.broadcast %and3A_359 : i32 to vector<16xi32>
        %and3A_361 = arith.andi %shift_right_arithmetic3A_358, %and3A_360 : vector<16xi32>
        %xor3A_362 = arith.xori %bitcast3A_355, %and3A_361 : vector<16xi32>
        %bitcast3A_363 = vector.bitcast %xor3A_362 : vector<16xi32> to vector<16xf32>
        %get3A_364 = arith.index_cast %scan3A_125 : i32 to index
        %get3A_365 = arith.constant 112 : index
        %get3A_366 = tpu.vector_load %arg6[%get3A_364, %get3A_365] {strides = array<i32>} : memref<392x128xf32, #tpu.memory_space<vmem>>, vector<16xf32>,
        %gt3A_367 = arith.constant 1.000000e-01 : f32
        %gt3A_368 = vector.broadcast %gt3A_367 : f32 to vector<16xf32>
        %gt3A_369 = arith.cmpf ogt, %get3A_366, %gt3A_368 : vector<16xf32>
        %ge3A_370 = vector.broadcast %cond3A_81#0 : i32 to vector<16xi32>
        %ge3A_371 = arith.cmpi sge, %bitcast3A_355, %ge3A_370 : vector<16xi32>
        %or3A_372 = arith.ori %gt3A_369, %ge3A_371 : vector<16xi1>
        %sub3A_373 = arith.subf %bitcast3A_363, %get3A_366 : vector<16xf32>
        %mul3A_374 = arith.mulf %sub3A_373, %sub3A_373 : vector<16xf32>
        %jit3A_375 = arith.constant 0.000000e+00 : f32
        %broadcast_in_dim3A_376 = vector.broadcast %jit3A_375 : f32 to vector<16xf32>
        %select_n3A_377 = arith.select %or3A_372, %mul3A_374, %broadcast_in_dim3A_376 : vector<16xi1>, vector<16xf32>
        %add3A_378 = arith.addf %add3A_345, %select_n3A_377 : vector<16xf32>
        %jit3A_379 = arith.constant 1 : i32
        %jit3A_380 = arith.constant 0 : i32
        %broadcast_in_dim3A_381 = vector.broadcast %jit3A_379 : i32 to vector<16xi32>
        %broadcast_in_dim3A_382 = vector.broadcast %jit3A_380 : i32 to vector<16xi32>
        %select_n3A_383 = arith.select %or3A_372, %broadcast_in_dim3A_381, %broadcast_in_dim3A_382 : vector<16xi1>, vector<16xi32>
        %add3A_384 = arith.addi %add3A_351, %select_n3A_383 : vector<16xi32>
        scf.yield %add3A_378, %add3A_384 : vector<16xf32>, vector<16xi32>
      }
      %scan3A_124 = arith.constant 392 : i32
      scf.yield %scan3A_123#0, %scan3A_123#1 : vector<16xf32>, vector<16xi32>
    } else {
      %broadcast_in_dim3A_117 = arith.constant 0.000000e+00 : f32
      %broadcast_in_dim3A_118 = vector.broadcast %broadcast_in_dim3A_117 : f32 to vector<16xf32>
      %scan3A_119 = arith.constant 0 : i32
      %scan3A_120 = arith.constant 392 : i32
      %scan3A_121 = arith.addi %scan3A_119, %scan3A_120 : i32
      %scan3A_122 = arith.constant 1 : i32
      %scan3A_123:2 = scf.for %scan3A_125 = %scan3A_119 to %scan3A_121 step %scan3A_122 iter_args(%scan3A_126 = %broadcast_in_dim3A_118, %scan3A_127 = %broadcast_in_dim3A_31) -> (vector<16xf32>, vector<16xi32>)  : i32 {
        %get3A = arith.index_cast %scan3A_125 : i32 to index
        %get3A_128 = arith.constant 0 : index
        %get3A_129 = tpu.vector_load %arg5[%get3A, %get3A_128] {strides = array<i32>} : memref<392x128xf32, #tpu.memory_space<vmem>>, vector<16xf32>,
        %bitcast3A = vector.bitcast %get3A_129 : vector<16xf32> to vector<16xi32>
        %shift_right_arithmetic3A = arith.constant 31 : i32
        %shift_right_arithmetic3A_130 = vector.broadcast %shift_right_arithmetic3A : i32 to vector<16xi32>
        %shift_right_arithmetic3A_131 = arith.shrsi %bitcast3A, %shift_right_arithmetic3A_130 : vector<16xi32>
        %and3A = arith.constant 2147483647 : i32
        %and3A_132 = vector.broadcast %and3A : i32 to vector<16xi32>
        %and3A_133 = arith.andi %shift_right_arithmetic3A_131, %and3A_132 : vector<16xi32>
        %xor3A = arith.xori %bitcast3A, %and3A_133 : vector<16xi32>
        %bitcast3A_134 = vector.bitcast %xor3A : vector<16xi32> to vector<16xf32>
        %get3A_135 = arith.index_cast %scan3A_125 : i32 to index
        %get3A_136 = arith.constant 0 : index
        %get3A_137 = tpu.vector_load %arg6[%get3A_135, %get3A_136] {strides = array<i32>} : memref<392x128xf32, #tpu.memory_space<vmem>>, vector<16xf32>,
        %mul3A_138 = arith.constant 128 : i32
        %mul3A_139 = arith.muli %scan3A_125, %mul3A_138 : i32
        %add3A_140 = arith.constant 0 : i32
        %add3A_141 = arith.addi %mul3A_139, %add3A_140 : i32
        %add3A_142 = vector.broadcast %add3A_141 : i32 to vector<16xi32>
        %add3A_143 = arith.addi %add3A_142, %iota3A : vector<16xi32>
        %gt3A = arith.constant 1.000000e-01 : f32
        %gt3A_144 = vector.broadcast %gt3A : f32 to vector<16xf32>
        %gt3A_145 = arith.cmpf ogt, %get3A_137, %gt3A_144 : vector<16xf32>
        %gt3A_146 = vector.broadcast %cond3A_81#0 : i32 to vector<16xi32>
        %gt3A_147 = arith.cmpi sgt, %bitcast3A, %gt3A_146 : vector<16xi32>
        %or3A = arith.ori %gt3A_145, %gt3A_147 : vector<16xi1>
        %eq3A_148 = vector.broadcast %cond3A_81#0 : i32 to vector<16xi32>
        %eq3A_149 = arith.cmpi eq, %bitcast3A, %eq3A_148 : vector<16xi32>
        %lt3A = vector.broadcast %cond3A_87 : i32 to vector<16xi32>
        %lt3A_150 = arith.cmpi slt, %add3A_143, %lt3A : vector<16xi32>
        %and3A_151 = arith.andi %eq3A_149, %lt3A_150 : vector<16xi1>
        %or3A_152 = arith.ori %or3A, %and3A_151 : vector<16xi1>
        %sub3A_153 = arith.subf %bitcast3A_134, %get3A_137 : vector<16xf32>
        %mul3A_154 = arith.mulf %sub3A_153, %sub3A_153 : vector<16xf32>
        %jit3A_155 = arith.constant 0.000000e+00 : f32
        %broadcast_in_dim3A_156 = vector.broadcast %jit3A_155 : f32 to vector<16xf32>
        %select_n3A_157 = arith.select %or3A_152, %mul3A_154, %broadcast_in_dim3A_156 : vector<16xi1>, vector<16xf32>
        %add3A_158 = arith.addf %scan3A_126, %select_n3A_157 : vector<16xf32>
        %jit3A_159 = arith.constant 1 : i32
        %jit3A_160 = arith.constant 0 : i32
        %broadcast_in_dim3A_161 = vector.broadcast %jit3A_159 : i32 to vector<16xi32>
        %broadcast_in_dim3A_162 = vector.broadcast %jit3A_160 : i32 to vector<16xi32>
        %select_n3A_163 = arith.select %or3A_152, %broadcast_in_dim3A_161, %broadcast_in_dim3A_162 : vector<16xi1>, vector<16xi32>
        %add3A_164 = arith.addi %scan3A_127, %select_n3A_163 : vector<16xi32>
        %get3A_165 = arith.index_cast %scan3A_125 : i32 to index
        %get3A_166 = arith.constant 16 : index
        %get3A_167 = tpu.vector_load %arg5[%get3A_165, %get3A_166] {strides = array<i32>} : memref<392x128xf32, #tpu.memory_space<vmem>>, vector<16xf32>,
        %bitcast3A_168 = vector.bitcast %get3A_167 : vector<16xf32> to vector<16xi32>
        %shift_right_arithmetic3A_169 = arith.constant 31 : i32
        %shift_right_arithmetic3A_170 = vector.broadcast %shift_right_arithmetic3A_169 : i32 to vector<16xi32>
        %shift_right_arithmetic3A_171 = arith.shrsi %bitcast3A_168, %shift_right_arithmetic3A_170 : vector<16xi32>
        %and3A_172 = arith.constant 2147483647 : i32
        %and3A_173 = vector.broadcast %and3A_172 : i32 to vector<16xi32>
        %and3A_174 = arith.andi %shift_right_arithmetic3A_171, %and3A_173 : vector<16xi32>
        %xor3A_175 = arith.xori %bitcast3A_168, %and3A_174 : vector<16xi32>
        %bitcast3A_176 = vector.bitcast %xor3A_175 : vector<16xi32> to vector<16xf32>
        %get3A_177 = arith.index_cast %scan3A_125 : i32 to index
        %get3A_178 = arith.constant 16 : index
        %get3A_179 = tpu.vector_load %arg6[%get3A_177, %get3A_178] {strides = array<i32>} : memref<392x128xf32, #tpu.memory_space<vmem>>, vector<16xf32>,
        %mul3A_180 = arith.constant 128 : i32
        %mul3A_181 = arith.muli %scan3A_125, %mul3A_180 : i32
        %add3A_182 = arith.constant 16 : i32
        %add3A_183 = arith.addi %mul3A_181, %add3A_182 : i32
        %add3A_184 = vector.broadcast %add3A_183 : i32 to vector<16xi32>
        %add3A_185 = arith.addi %add3A_184, %iota3A : vector<16xi32>
        %gt3A_186 = arith.constant 1.000000e-01 : f32
        %gt3A_187 = vector.broadcast %gt3A_186 : f32 to vector<16xf32>
        %gt3A_188 = arith.cmpf ogt, %get3A_179, %gt3A_187 : vector<16xf32>
        %gt3A_189 = vector.broadcast %cond3A_81#0 : i32 to vector<16xi32>
        %gt3A_190 = arith.cmpi sgt, %bitcast3A_168, %gt3A_189 : vector<16xi32>
        %or3A_191 = arith.ori %gt3A_188, %gt3A_190 : vector<16xi1>
        %eq3A_192 = vector.broadcast %cond3A_81#0 : i32 to vector<16xi32>
        %eq3A_193 = arith.cmpi eq, %bitcast3A_168, %eq3A_192 : vector<16xi32>
        %lt3A_194 = vector.broadcast %cond3A_87 : i32 to vector<16xi32>
        %lt3A_195 = arith.cmpi slt, %add3A_185, %lt3A_194 : vector<16xi32>
        %and3A_196 = arith.andi %eq3A_193, %lt3A_195 : vector<16xi1>
        %or3A_197 = arith.ori %or3A_191, %and3A_196 : vector<16xi1>
        %sub3A_198 = arith.subf %bitcast3A_176, %get3A_179 : vector<16xf32>
        %mul3A_199 = arith.mulf %sub3A_198, %sub3A_198 : vector<16xf32>
        %jit3A_200 = arith.constant 0.000000e+00 : f32
        %broadcast_in_dim3A_201 = vector.broadcast %jit3A_200 : f32 to vector<16xf32>
        %select_n3A_202 = arith.select %or3A_197, %mul3A_199, %broadcast_in_dim3A_201 : vector<16xi1>, vector<16xf32>
        %add3A_203 = arith.addf %add3A_158, %select_n3A_202 : vector<16xf32>
        %jit3A_204 = arith.constant 1 : i32
        %jit3A_205 = arith.constant 0 : i32
        %broadcast_in_dim3A_206 = vector.broadcast %jit3A_204 : i32 to vector<16xi32>
        %broadcast_in_dim3A_207 = vector.broadcast %jit3A_205 : i32 to vector<16xi32>
        %select_n3A_208 = arith.select %or3A_197, %broadcast_in_dim3A_206, %broadcast_in_dim3A_207 : vector<16xi1>, vector<16xi32>
        %add3A_209 = arith.addi %add3A_164, %select_n3A_208 : vector<16xi32>
        %get3A_210 = arith.index_cast %scan3A_125 : i32 to index
        %get3A_211 = arith.constant 32 : index
        %get3A_212 = tpu.vector_load %arg5[%get3A_210, %get3A_211] {strides = array<i32>} : memref<392x128xf32, #tpu.memory_space<vmem>>, vector<16xf32>,
        %bitcast3A_213 = vector.bitcast %get3A_212 : vector<16xf32> to vector<16xi32>
        %shift_right_arithmetic3A_214 = arith.constant 31 : i32
        %shift_right_arithmetic3A_215 = vector.broadcast %shift_right_arithmetic3A_214 : i32 to vector<16xi32>
        %shift_right_arithmetic3A_216 = arith.shrsi %bitcast3A_213, %shift_right_arithmetic3A_215 : vector<16xi32>
        %and3A_217 = arith.constant 2147483647 : i32
        %and3A_218 = vector.broadcast %and3A_217 : i32 to vector<16xi32>
        %and3A_219 = arith.andi %shift_right_arithmetic3A_216, %and3A_218 : vector<16xi32>
        %xor3A_220 = arith.xori %bitcast3A_213, %and3A_219 : vector<16xi32>
        %bitcast3A_221 = vector.bitcast %xor3A_220 : vector<16xi32> to vector<16xf32>
        %get3A_222 = arith.index_cast %scan3A_125 : i32 to index
        %get3A_223 = arith.constant 32 : index
        %get3A_224 = tpu.vector_load %arg6[%get3A_222, %get3A_223] {strides = array<i32>} : memref<392x128xf32, #tpu.memory_space<vmem>>, vector<16xf32>,
        %mul3A_225 = arith.constant 128 : i32
        %mul3A_226 = arith.muli %scan3A_125, %mul3A_225 : i32
        %add3A_227 = arith.constant 32 : i32
        %add3A_228 = arith.addi %mul3A_226, %add3A_227 : i32
        %add3A_229 = vector.broadcast %add3A_228 : i32 to vector<16xi32>
        %add3A_230 = arith.addi %add3A_229, %iota3A : vector<16xi32>
        %gt3A_231 = arith.constant 1.000000e-01 : f32
        %gt3A_232 = vector.broadcast %gt3A_231 : f32 to vector<16xf32>
        %gt3A_233 = arith.cmpf ogt, %get3A_224, %gt3A_232 : vector<16xf32>
        %gt3A_234 = vector.broadcast %cond3A_81#0 : i32 to vector<16xi32>
        %gt3A_235 = arith.cmpi sgt, %bitcast3A_213, %gt3A_234 : vector<16xi32>
        %or3A_236 = arith.ori %gt3A_233, %gt3A_235 : vector<16xi1>
        %eq3A_237 = vector.broadcast %cond3A_81#0 : i32 to vector<16xi32>
        %eq3A_238 = arith.cmpi eq, %bitcast3A_213, %eq3A_237 : vector<16xi32>
        %lt3A_239 = vector.broadcast %cond3A_87 : i32 to vector<16xi32>
        %lt3A_240 = arith.cmpi slt, %add3A_230, %lt3A_239 : vector<16xi32>
        %and3A_241 = arith.andi %eq3A_238, %lt3A_240 : vector<16xi1>
        %or3A_242 = arith.ori %or3A_236, %and3A_241 : vector<16xi1>
        %sub3A_243 = arith.subf %bitcast3A_221, %get3A_224 : vector<16xf32>
        %mul3A_244 = arith.mulf %sub3A_243, %sub3A_243 : vector<16xf32>
        %jit3A_245 = arith.constant 0.000000e+00 : f32
        %broadcast_in_dim3A_246 = vector.broadcast %jit3A_245 : f32 to vector<16xf32>
        %select_n3A_247 = arith.select %or3A_242, %mul3A_244, %broadcast_in_dim3A_246 : vector<16xi1>, vector<16xf32>
        %add3A_248 = arith.addf %add3A_203, %select_n3A_247 : vector<16xf32>
        %jit3A_249 = arith.constant 1 : i32
        %jit3A_250 = arith.constant 0 : i32
        %broadcast_in_dim3A_251 = vector.broadcast %jit3A_249 : i32 to vector<16xi32>
        %broadcast_in_dim3A_252 = vector.broadcast %jit3A_250 : i32 to vector<16xi32>
        %select_n3A_253 = arith.select %or3A_242, %broadcast_in_dim3A_251, %broadcast_in_dim3A_252 : vector<16xi1>, vector<16xi32>
        %add3A_254 = arith.addi %add3A_209, %select_n3A_253 : vector<16xi32>
        %get3A_255 = arith.index_cast %scan3A_125 : i32 to index
        %get3A_256 = arith.constant 48 : index
        %get3A_257 = tpu.vector_load %arg5[%get3A_255, %get3A_256] {strides = array<i32>} : memref<392x128xf32, #tpu.memory_space<vmem>>, vector<16xf32>,
        %bitcast3A_258 = vector.bitcast %get3A_257 : vector<16xf32> to vector<16xi32>
        %shift_right_arithmetic3A_259 = arith.constant 31 : i32
        %shift_right_arithmetic3A_260 = vector.broadcast %shift_right_arithmetic3A_259 : i32 to vector<16xi32>
        %shift_right_arithmetic3A_261 = arith.shrsi %bitcast3A_258, %shift_right_arithmetic3A_260 : vector<16xi32>
        %and3A_262 = arith.constant 2147483647 : i32
        %and3A_263 = vector.broadcast %and3A_262 : i32 to vector<16xi32>
        %and3A_264 = arith.andi %shift_right_arithmetic3A_261, %and3A_263 : vector<16xi32>
        %xor3A_265 = arith.xori %bitcast3A_258, %and3A_264 : vector<16xi32>
        %bitcast3A_266 = vector.bitcast %xor3A_265 : vector<16xi32> to vector<16xf32>
        %get3A_267 = arith.index_cast %scan3A_125 : i32 to index
        %get3A_268 = arith.constant 48 : index
        %get3A_269 = tpu.vector_load %arg6[%get3A_267, %get3A_268] {strides = array<i32>} : memref<392x128xf32, #tpu.memory_space<vmem>>, vector<16xf32>,
        %mul3A_270 = arith.constant 128 : i32
        %mul3A_271 = arith.muli %scan3A_125, %mul3A_270 : i32
        %add3A_272 = arith.constant 48 : i32
        %add3A_273 = arith.addi %mul3A_271, %add3A_272 : i32
        %add3A_274 = vector.broadcast %add3A_273 : i32 to vector<16xi32>
        %add3A_275 = arith.addi %add3A_274, %iota3A : vector<16xi32>
        %gt3A_276 = arith.constant 1.000000e-01 : f32
        %gt3A_277 = vector.broadcast %gt3A_276 : f32 to vector<16xf32>
        %gt3A_278 = arith.cmpf ogt, %get3A_269, %gt3A_277 : vector<16xf32>
        %gt3A_279 = vector.broadcast %cond3A_81#0 : i32 to vector<16xi32>
        %gt3A_280 = arith.cmpi sgt, %bitcast3A_258, %gt3A_279 : vector<16xi32>
        %or3A_281 = arith.ori %gt3A_278, %gt3A_280 : vector<16xi1>
        %eq3A_282 = vector.broadcast %cond3A_81#0 : i32 to vector<16xi32>
        %eq3A_283 = arith.cmpi eq, %bitcast3A_258, %eq3A_282 : vector<16xi32>
        %lt3A_284 = vector.broadcast %cond3A_87 : i32 to vector<16xi32>
        %lt3A_285 = arith.cmpi slt, %add3A_275, %lt3A_284 : vector<16xi32>
        %and3A_286 = arith.andi %eq3A_283, %lt3A_285 : vector<16xi1>
        %or3A_287 = arith.ori %or3A_281, %and3A_286 : vector<16xi1>
        %sub3A_288 = arith.subf %bitcast3A_266, %get3A_269 : vector<16xf32>
        %mul3A_289 = arith.mulf %sub3A_288, %sub3A_288 : vector<16xf32>
        %jit3A_290 = arith.constant 0.000000e+00 : f32
        %broadcast_in_dim3A_291 = vector.broadcast %jit3A_290 : f32 to vector<16xf32>
        %select_n3A_292 = arith.select %or3A_287, %mul3A_289, %broadcast_in_dim3A_291 : vector<16xi1>, vector<16xf32>
        %add3A_293 = arith.addf %add3A_248, %select_n3A_292 : vector<16xf32>
        %jit3A_294 = arith.constant 1 : i32
        %jit3A_295 = arith.constant 0 : i32
        %broadcast_in_dim3A_296 = vector.broadcast %jit3A_294 : i32 to vector<16xi32>
        %broadcast_in_dim3A_297 = vector.broadcast %jit3A_295 : i32 to vector<16xi32>
        %select_n3A_298 = arith.select %or3A_287, %broadcast_in_dim3A_296, %broadcast_in_dim3A_297 : vector<16xi1>, vector<16xi32>
        %add3A_299 = arith.addi %add3A_254, %select_n3A_298 : vector<16xi32>
        %get3A_300 = arith.index_cast %scan3A_125 : i32 to index
        %get3A_301 = arith.constant 64 : index
        %get3A_302 = tpu.vector_load %arg5[%get3A_300, %get3A_301] {strides = array<i32>} : memref<392x128xf32, #tpu.memory_space<vmem>>, vector<16xf32>,
        %bitcast3A_303 = vector.bitcast %get3A_302 : vector<16xf32> to vector<16xi32>
        %shift_right_arithmetic3A_304 = arith.constant 31 : i32
        %shift_right_arithmetic3A_305 = vector.broadcast %shift_right_arithmetic3A_304 : i32 to vector<16xi32>
        %shift_right_arithmetic3A_306 = arith.shrsi %bitcast3A_303, %shift_right_arithmetic3A_305 : vector<16xi32>
        %and3A_307 = arith.constant 2147483647 : i32
        %and3A_308 = vector.broadcast %and3A_307 : i32 to vector<16xi32>
        %and3A_309 = arith.andi %shift_right_arithmetic3A_306, %and3A_308 : vector<16xi32>
        %xor3A_310 = arith.xori %bitcast3A_303, %and3A_309 : vector<16xi32>
        %bitcast3A_311 = vector.bitcast %xor3A_310 : vector<16xi32> to vector<16xf32>
        %get3A_312 = arith.index_cast %scan3A_125 : i32 to index
        %get3A_313 = arith.constant 64 : index
        %get3A_314 = tpu.vector_load %arg6[%get3A_312, %get3A_313] {strides = array<i32>} : memref<392x128xf32, #tpu.memory_space<vmem>>, vector<16xf32>,
        %mul3A_315 = arith.constant 128 : i32
        %mul3A_316 = arith.muli %scan3A_125, %mul3A_315 : i32
        %add3A_317 = arith.constant 64 : i32
        %add3A_318 = arith.addi %mul3A_316, %add3A_317 : i32
        %add3A_319 = vector.broadcast %add3A_318 : i32 to vector<16xi32>
        %add3A_320 = arith.addi %add3A_319, %iota3A : vector<16xi32>
        %gt3A_321 = arith.constant 1.000000e-01 : f32
        %gt3A_322 = vector.broadcast %gt3A_321 : f32 to vector<16xf32>
        %gt3A_323 = arith.cmpf ogt, %get3A_314, %gt3A_322 : vector<16xf32>
        %gt3A_324 = vector.broadcast %cond3A_81#0 : i32 to vector<16xi32>
        %gt3A_325 = arith.cmpi sgt, %bitcast3A_303, %gt3A_324 : vector<16xi32>
        %or3A_326 = arith.ori %gt3A_323, %gt3A_325 : vector<16xi1>
        %eq3A_327 = vector.broadcast %cond3A_81#0 : i32 to vector<16xi32>
        %eq3A_328 = arith.cmpi eq, %bitcast3A_303, %eq3A_327 : vector<16xi32>
        %lt3A_329 = vector.broadcast %cond3A_87 : i32 to vector<16xi32>
        %lt3A_330 = arith.cmpi slt, %add3A_320, %lt3A_329 : vector<16xi32>
        %and3A_331 = arith.andi %eq3A_328, %lt3A_330 : vector<16xi1>
        %or3A_332 = arith.ori %or3A_326, %and3A_331 : vector<16xi1>
        %sub3A_333 = arith.subf %bitcast3A_311, %get3A_314 : vector<16xf32>
        %mul3A_334 = arith.mulf %sub3A_333, %sub3A_333 : vector<16xf32>
        %jit3A_335 = arith.constant 0.000000e+00 : f32
        %broadcast_in_dim3A_336 = vector.broadcast %jit3A_335 : f32 to vector<16xf32>
        %select_n3A_337 = arith.select %or3A_332, %mul3A_334, %broadcast_in_dim3A_336 : vector<16xi1>, vector<16xf32>
        %add3A_338 = arith.addf %add3A_293, %select_n3A_337 : vector<16xf32>
        %jit3A_339 = arith.constant 1 : i32
        %jit3A_340 = arith.constant 0 : i32
        %broadcast_in_dim3A_341 = vector.broadcast %jit3A_339 : i32 to vector<16xi32>
        %broadcast_in_dim3A_342 = vector.broadcast %jit3A_340 : i32 to vector<16xi32>
        %select_n3A_343 = arith.select %or3A_332, %broadcast_in_dim3A_341, %broadcast_in_dim3A_342 : vector<16xi1>, vector<16xi32>
        %add3A_344 = arith.addi %add3A_299, %select_n3A_343 : vector<16xi32>
        %get3A_345 = arith.index_cast %scan3A_125 : i32 to index
        %get3A_346 = arith.constant 80 : index
        %get3A_347 = tpu.vector_load %arg5[%get3A_345, %get3A_346] {strides = array<i32>} : memref<392x128xf32, #tpu.memory_space<vmem>>, vector<16xf32>,
        %bitcast3A_348 = vector.bitcast %get3A_347 : vector<16xf32> to vector<16xi32>
        %shift_right_arithmetic3A_349 = arith.constant 31 : i32
        %shift_right_arithmetic3A_350 = vector.broadcast %shift_right_arithmetic3A_349 : i32 to vector<16xi32>
        %shift_right_arithmetic3A_351 = arith.shrsi %bitcast3A_348, %shift_right_arithmetic3A_350 : vector<16xi32>
        %and3A_352 = arith.constant 2147483647 : i32
        %and3A_353 = vector.broadcast %and3A_352 : i32 to vector<16xi32>
        %and3A_354 = arith.andi %shift_right_arithmetic3A_351, %and3A_353 : vector<16xi32>
        %xor3A_355 = arith.xori %bitcast3A_348, %and3A_354 : vector<16xi32>
        %bitcast3A_356 = vector.bitcast %xor3A_355 : vector<16xi32> to vector<16xf32>
        %get3A_357 = arith.index_cast %scan3A_125 : i32 to index
        %get3A_358 = arith.constant 80 : index
        %get3A_359 = tpu.vector_load %arg6[%get3A_357, %get3A_358] {strides = array<i32>} : memref<392x128xf32, #tpu.memory_space<vmem>>, vector<16xf32>,
        %mul3A_360 = arith.constant 128 : i32
        %mul3A_361 = arith.muli %scan3A_125, %mul3A_360 : i32
        %add3A_362 = arith.constant 80 : i32
        %add3A_363 = arith.addi %mul3A_361, %add3A_362 : i32
        %add3A_364 = vector.broadcast %add3A_363 : i32 to vector<16xi32>
        %add3A_365 = arith.addi %add3A_364, %iota3A : vector<16xi32>
        %gt3A_366 = arith.constant 1.000000e-01 : f32
        %gt3A_367 = vector.broadcast %gt3A_366 : f32 to vector<16xf32>
        %gt3A_368 = arith.cmpf ogt, %get3A_359, %gt3A_367 : vector<16xf32>
        %gt3A_369 = vector.broadcast %cond3A_81#0 : i32 to vector<16xi32>
        %gt3A_370 = arith.cmpi sgt, %bitcast3A_348, %gt3A_369 : vector<16xi32>
        %or3A_371 = arith.ori %gt3A_368, %gt3A_370 : vector<16xi1>
        %eq3A_372 = vector.broadcast %cond3A_81#0 : i32 to vector<16xi32>
        %eq3A_373 = arith.cmpi eq, %bitcast3A_348, %eq3A_372 : vector<16xi32>
        %lt3A_374 = vector.broadcast %cond3A_87 : i32 to vector<16xi32>
        %lt3A_375 = arith.cmpi slt, %add3A_365, %lt3A_374 : vector<16xi32>
        %and3A_376 = arith.andi %eq3A_373, %lt3A_375 : vector<16xi1>
        %or3A_377 = arith.ori %or3A_371, %and3A_376 : vector<16xi1>
        %sub3A_378 = arith.subf %bitcast3A_356, %get3A_359 : vector<16xf32>
        %mul3A_379 = arith.mulf %sub3A_378, %sub3A_378 : vector<16xf32>
        %jit3A_380 = arith.constant 0.000000e+00 : f32
        %broadcast_in_dim3A_381 = vector.broadcast %jit3A_380 : f32 to vector<16xf32>
        %select_n3A_382 = arith.select %or3A_377, %mul3A_379, %broadcast_in_dim3A_381 : vector<16xi1>, vector<16xf32>
        %add3A_383 = arith.addf %add3A_338, %select_n3A_382 : vector<16xf32>
        %jit3A_384 = arith.constant 1 : i32
        %jit3A_385 = arith.constant 0 : i32
        %broadcast_in_dim3A_386 = vector.broadcast %jit3A_384 : i32 to vector<16xi32>
        %broadcast_in_dim3A_387 = vector.broadcast %jit3A_385 : i32 to vector<16xi32>
        %select_n3A_388 = arith.select %or3A_377, %broadcast_in_dim3A_386, %broadcast_in_dim3A_387 : vector<16xi1>, vector<16xi32>
        %add3A_389 = arith.addi %add3A_344, %select_n3A_388 : vector<16xi32>
        %get3A_390 = arith.index_cast %scan3A_125 : i32 to index
        %get3A_391 = arith.constant 96 : index
        %get3A_392 = tpu.vector_load %arg5[%get3A_390, %get3A_391] {strides = array<i32>} : memref<392x128xf32, #tpu.memory_space<vmem>>, vector<16xf32>,
        %bitcast3A_393 = vector.bitcast %get3A_392 : vector<16xf32> to vector<16xi32>
        %shift_right_arithmetic3A_394 = arith.constant 31 : i32
        %shift_right_arithmetic3A_395 = vector.broadcast %shift_right_arithmetic3A_394 : i32 to vector<16xi32>
        %shift_right_arithmetic3A_396 = arith.shrsi %bitcast3A_393, %shift_right_arithmetic3A_395 : vector<16xi32>
        %and3A_397 = arith.constant 2147483647 : i32
        %and3A_398 = vector.broadcast %and3A_397 : i32 to vector<16xi32>
        %and3A_399 = arith.andi %shift_right_arithmetic3A_396, %and3A_398 : vector<16xi32>
        %xor3A_400 = arith.xori %bitcast3A_393, %and3A_399 : vector<16xi32>
        %bitcast3A_401 = vector.bitcast %xor3A_400 : vector<16xi32> to vector<16xf32>
        %get3A_402 = arith.index_cast %scan3A_125 : i32 to index
        %get3A_403 = arith.constant 96 : index
        %get3A_404 = tpu.vector_load %arg6[%get3A_402, %get3A_403] {strides = array<i32>} : memref<392x128xf32, #tpu.memory_space<vmem>>, vector<16xf32>,
        %mul3A_405 = arith.constant 128 : i32
        %mul3A_406 = arith.muli %scan3A_125, %mul3A_405 : i32
        %add3A_407 = arith.constant 96 : i32
        %add3A_408 = arith.addi %mul3A_406, %add3A_407 : i32
        %add3A_409 = vector.broadcast %add3A_408 : i32 to vector<16xi32>
        %add3A_410 = arith.addi %add3A_409, %iota3A : vector<16xi32>
        %gt3A_411 = arith.constant 1.000000e-01 : f32
        %gt3A_412 = vector.broadcast %gt3A_411 : f32 to vector<16xf32>
        %gt3A_413 = arith.cmpf ogt, %get3A_404, %gt3A_412 : vector<16xf32>
        %gt3A_414 = vector.broadcast %cond3A_81#0 : i32 to vector<16xi32>
        %gt3A_415 = arith.cmpi sgt, %bitcast3A_393, %gt3A_414 : vector<16xi32>
        %or3A_416 = arith.ori %gt3A_413, %gt3A_415 : vector<16xi1>
        %eq3A_417 = vector.broadcast %cond3A_81#0 : i32 to vector<16xi32>
        %eq3A_418 = arith.cmpi eq, %bitcast3A_393, %eq3A_417 : vector<16xi32>
        %lt3A_419 = vector.broadcast %cond3A_87 : i32 to vector<16xi32>
        %lt3A_420 = arith.cmpi slt, %add3A_410, %lt3A_419 : vector<16xi32>
        %and3A_421 = arith.andi %eq3A_418, %lt3A_420 : vector<16xi1>
        %or3A_422 = arith.ori %or3A_416, %and3A_421 : vector<16xi1>
        %sub3A_423 = arith.subf %bitcast3A_401, %get3A_404 : vector<16xf32>
        %mul3A_424 = arith.mulf %sub3A_423, %sub3A_423 : vector<16xf32>
        %jit3A_425 = arith.constant 0.000000e+00 : f32
        %broadcast_in_dim3A_426 = vector.broadcast %jit3A_425 : f32 to vector<16xf32>
        %select_n3A_427 = arith.select %or3A_422, %mul3A_424, %broadcast_in_dim3A_426 : vector<16xi1>, vector<16xf32>
        %add3A_428 = arith.addf %add3A_383, %select_n3A_427 : vector<16xf32>
        %jit3A_429 = arith.constant 1 : i32
        %jit3A_430 = arith.constant 0 : i32
        %broadcast_in_dim3A_431 = vector.broadcast %jit3A_429 : i32 to vector<16xi32>
        %broadcast_in_dim3A_432 = vector.broadcast %jit3A_430 : i32 to vector<16xi32>
        %select_n3A_433 = arith.select %or3A_422, %broadcast_in_dim3A_431, %broadcast_in_dim3A_432 : vector<16xi1>, vector<16xi32>
        %add3A_434 = arith.addi %add3A_389, %select_n3A_433 : vector<16xi32>
        %get3A_435 = arith.index_cast %scan3A_125 : i32 to index
        %get3A_436 = arith.constant 112 : index
        %get3A_437 = tpu.vector_load %arg5[%get3A_435, %get3A_436] {strides = array<i32>} : memref<392x128xf32, #tpu.memory_space<vmem>>, vector<16xf32>,
        %bitcast3A_438 = vector.bitcast %get3A_437 : vector<16xf32> to vector<16xi32>
        %shift_right_arithmetic3A_439 = arith.constant 31 : i32
        %shift_right_arithmetic3A_440 = vector.broadcast %shift_right_arithmetic3A_439 : i32 to vector<16xi32>
        %shift_right_arithmetic3A_441 = arith.shrsi %bitcast3A_438, %shift_right_arithmetic3A_440 : vector<16xi32>
        %and3A_442 = arith.constant 2147483647 : i32
        %and3A_443 = vector.broadcast %and3A_442 : i32 to vector<16xi32>
        %and3A_444 = arith.andi %shift_right_arithmetic3A_441, %and3A_443 : vector<16xi32>
        %xor3A_445 = arith.xori %bitcast3A_438, %and3A_444 : vector<16xi32>
        %bitcast3A_446 = vector.bitcast %xor3A_445 : vector<16xi32> to vector<16xf32>
        %get3A_447 = arith.index_cast %scan3A_125 : i32 to index
        %get3A_448 = arith.constant 112 : index
        %get3A_449 = tpu.vector_load %arg6[%get3A_447, %get3A_448] {strides = array<i32>} : memref<392x128xf32, #tpu.memory_space<vmem>>, vector<16xf32>,
        %mul3A_450 = arith.constant 128 : i32
        %mul3A_451 = arith.muli %scan3A_125, %mul3A_450 : i32
        %add3A_452 = arith.constant 112 : i32
        %add3A_453 = arith.addi %mul3A_451, %add3A_452 : i32
        %add3A_454 = vector.broadcast %add3A_453 : i32 to vector<16xi32>
        %add3A_455 = arith.addi %add3A_454, %iota3A : vector<16xi32>
        %gt3A_456 = arith.constant 1.000000e-01 : f32
        %gt3A_457 = vector.broadcast %gt3A_456 : f32 to vector<16xf32>
        %gt3A_458 = arith.cmpf ogt, %get3A_449, %gt3A_457 : vector<16xf32>
        %gt3A_459 = vector.broadcast %cond3A_81#0 : i32 to vector<16xi32>
        %gt3A_460 = arith.cmpi sgt, %bitcast3A_438, %gt3A_459 : vector<16xi32>
        %or3A_461 = arith.ori %gt3A_458, %gt3A_460 : vector<16xi1>
        %eq3A_462 = vector.broadcast %cond3A_81#0 : i32 to vector<16xi32>
        %eq3A_463 = arith.cmpi eq, %bitcast3A_438, %eq3A_462 : vector<16xi32>
        %lt3A_464 = vector.broadcast %cond3A_87 : i32 to vector<16xi32>
        %lt3A_465 = arith.cmpi slt, %add3A_455, %lt3A_464 : vector<16xi32>
        %and3A_466 = arith.andi %eq3A_463, %lt3A_465 : vector<16xi1>
        %or3A_467 = arith.ori %or3A_461, %and3A_466 : vector<16xi1>
        %sub3A_468 = arith.subf %bitcast3A_446, %get3A_449 : vector<16xf32>
        %mul3A_469 = arith.mulf %sub3A_468, %sub3A_468 : vector<16xf32>
        %jit3A_470 = arith.constant 0.000000e+00 : f32
        %broadcast_in_dim3A_471 = vector.broadcast %jit3A_470 : f32 to vector<16xf32>
        %select_n3A_472 = arith.select %or3A_467, %mul3A_469, %broadcast_in_dim3A_471 : vector<16xi1>, vector<16xf32>
        %add3A_473 = arith.addf %add3A_428, %select_n3A_472 : vector<16xf32>
        %jit3A_474 = arith.constant 1 : i32
        %jit3A_475 = arith.constant 0 : i32
        %broadcast_in_dim3A_476 = vector.broadcast %jit3A_474 : i32 to vector<16xi32>
        %broadcast_in_dim3A_477 = vector.broadcast %jit3A_475 : i32 to vector<16xi32>
        %select_n3A_478 = arith.select %or3A_467, %broadcast_in_dim3A_476, %broadcast_in_dim3A_477 : vector<16xi1>, vector<16xi32>
        %add3A_479 = arith.addi %add3A_434, %select_n3A_478 : vector<16xi32>
        scf.yield %add3A_473, %add3A_479 : vector<16xf32>, vector<16xi32>
      }
      %scan3A_124 = arith.constant 392 : i32
      scf.yield %scan3A_123#0, %scan3A_123#1 : vector<16xf32>, vector<16xi32>
    }
    %reduce_sum3A_95 = arith.constant true
    %reduce_sum3A_96 = vector.broadcast %reduce_sum3A_95 : i1 to vector<16xi1>
    %reduce_sum3A_97 = tpu.scan <sum>, %cond3A_94#0 masked %reduce_sum3A_96 : vector<16xf32>, vector<16xi1> -> vector<16xf32>
    %reduce_sum3A_98 = vector.extract %reduce_sum3A_97[15] : f32 from vector<16xf32>
    %reduce_sum3A_99 = arith.constant true
    %reduce_sum3A_100 = vector.broadcast %reduce_sum3A_99 : i1 to vector<16xi1>
    %reduce_sum3A_101 = tpu.scan <sum>, %cond3A_94#1 masked %reduce_sum3A_100 : vector<16xi32>, vector<16xi1> -> vector<16xi32>
    %reduce_sum3A_102 = vector.extract %reduce_sum3A_101[15] : i32 from vector<16xi32>
    %convert_element_type3A_103 = arith.sitofp %reduce_sum3A_102 : i32 to f32
    %eq3A_104 = arith.constant 0 : i32
    %eq3A_105 = vector.broadcast %eq3A_104 : i32 to vector<16xi32>
    %eq3A_106 = arith.cmpi eq, %iota3A, %eq3A_105 : vector<16xi32>
    %eq3A_107 = arith.constant 1 : i32
    %eq3A_108 = vector.broadcast %eq3A_107 : i32 to vector<16xi32>
    %eq3A_109 = arith.cmpi eq, %iota3A, %eq3A_108 : vector<16xi32>
    %jit3A_110 = arith.constant 0.000000e+00 : f32
    %broadcast_in_dim3A_111 = vector.broadcast %convert_element_type3A_103 : f32 to vector<16xf32>
    %broadcast_in_dim3A_112 = vector.broadcast %jit3A_110 : f32 to vector<16xf32>
    %select_n3A_113 = arith.select %eq3A_109, %broadcast_in_dim3A_111, %broadcast_in_dim3A_112 : vector<16xi1>, vector<16xf32>
    %broadcast_in_dim3A_114 = vector.broadcast %reduce_sum3A_98 : f32 to vector<16xf32>
    %select_n3A_115 = arith.select %eq3A_106, %broadcast_in_dim3A_114, %select_n3A_113 : vector<16xi1>, vector<16xf32>
    %swap3A = arith.constant 0 : index
    %swap3A_116 = tpu.vector_load %arg8[%swap3A] {strides = array<i32>} : memref<16xf32, #tpu.memory_space<vmem>>, vector<16xf32>,
    tpu.vector_store %arg8[%swap3A], %select_n3A_115 {strides = array<i32>} : memref<16xf32, #tpu.memory_space<vmem>>, vector<16xf32>,
    "tpu.region"() ({
      %run_scoped3A = tpu.sem_alloc : memref<!tpu.dma_semaphore, #tpu.memory_space<semaphore_mem>>
      %dma_start3A_117 = arith.constant 0 : i32
      %dma_start3A_118 = tpu.memref_slice %arg4[%add3A, %dma_start3A_117] : memref<32x16xf32, #tpu.memory_space<hbm>> -> memref<1x16xf32, #tpu.memory_space<hbm>>
      %dma_start3A_119 = tpu.memref_squeeze %dma_start3A_118 : memref<1x16xf32, #tpu.memory_space<hbm>> -> memref<16xf32, #tpu.memory_space<hbm>>
      %dma_start3A_120 = arith.constant 0 : i32
      %dma_start3A_121 = tpu.memref_slice %arg4[%add3A, %dma_start3A_120] : memref<32x16xf32, #tpu.memory_space<hbm>> -> memref<1x16xf32, #tpu.memory_space<hbm>>
      %dma_start3A_122 = tpu.memref_squeeze %dma_start3A_121 : memref<1x16xf32, #tpu.memory_space<hbm>> -> memref<16xf32, #tpu.memory_space<hbm>>
      tpu.enqueue_dma source(%arg8 : memref<16xf32, #tpu.memory_space<vmem>>) target(%dma_start3A_122 : memref<16xf32, #tpu.memory_space<hbm>>) target_semaphore(%run_scoped3A : memref<!tpu.dma_semaphore, #tpu.memory_space<semaphore_mem>>)
      %dma_wait3A_123 = arith.constant 0 : i32
      %dma_wait3A_124 = tpu.memref_slice %arg4[%add3A, %dma_wait3A_123] : memref<32x16xf32, #tpu.memory_space<hbm>> -> memref<1x16xf32, #tpu.memory_space<hbm>>
      %dma_wait3A_125 = tpu.memref_squeeze %dma_wait3A_124 : memref<1x16xf32, #tpu.memory_space<hbm>> -> memref<16xf32, #tpu.memory_space<hbm>>
      %dma_wait3A_126 = arith.constant 0 : i32
      %dma_wait3A_127 = tpu.memref_slice %arg4[%add3A, %dma_wait3A_126] : memref<32x16xf32, #tpu.memory_space<hbm>> -> memref<1x16xf32, #tpu.memory_space<hbm>>
      %dma_wait3A_128 = tpu.memref_squeeze %dma_wait3A_127 : memref<1x16xf32, #tpu.memory_space<hbm>> -> memref<16xf32, #tpu.memory_space<hbm>>
      tpu.wait_dma2 semaphore(%run_scoped3A : memref<!tpu.dma_semaphore, #tpu.memory_space<semaphore_mem>>) src(%arg8 : memref<16xf32, #tpu.memory_space<vmem>>) dst(%dma_wait3A_128 : memref<16xf32, #tpu.memory_space<hbm>>)
      tpu.yield
    }) : () -> ()
    return
  }
}

</mosaic_0001>

<sc_bundles>
// kernel: _sc_partials.3.cloned.1.call-start
scs
__scs_entry_jumppad:
0x0: {  	(pc) =	sbr.rel $0x88, $3  }
0x1: {  	(tag) =	ssettag $0x0;
	lr =	simm.s32 $0x1  }
0x2: {  	[smem:$0x3F9F] =	sst lr;
	_ =	strace $0xD0000000  }
0x3: {  	_ = 	snop  }
0x4: {  	_ = 	snop  }
0x5: {  	_ = 	snop  }
0x6: {  	_ = 	snop  }
0x7: {  	_ = 	snop  }
__scs_overlays_trampoline_lowered:
0x8: {  	[smem:$0x3FAE] =	sst s0  }
0x9: {  	[smem:$0x3FAF] =	sst s1  }
0xa: {  	[smem:$0x3FB0] =	sst s2  }
0xb: {  	[smem:$0x3FB1] =	sst s3  }
0xc: {  	[smem:$0x3FB2] =	sst s4  }
0xd: {  	[smem:$0x3FB3] =	sst s5  }
0xe: {  	[smem:$0x3FB4] =	sst s6  }
0xf: {  	[smem:$0x3FB5] =	sst s7  }
0x10: {  	[smem:$0x3FB6] =	sst s8  }
0x11: {  	[smem:$0x3FB7] =	sst s9;
	s0 =	simm.s32 @!p0 $0x0  }
0x12: {  	s1 =	sld [smem:$0x3F9D];
	s0 =	simm.s32 @p0 $0x1  }
0x13: {  	[smem:$0x3FB8] =	sst s0;
	s0 =	simm.s32 @!p1 $0x0  }
0x14: {  	s2 =	sld [smem:$0x3F9C];
	s0 =	simm.s32 @p1 $0x1  }
0x15: {  	[smem:$0x3FB9] =	sst s0;
	s0 =	simm.s32 @!p2 $0x0  }
0x16: {  	s3 =	sld [smem:$0x3FDB];
	s0 =	simm.s32 @p2 $0x1  }
0x17: {  	s4 =	simm.s32 $0x1BF5;
	[smem:$0x3FBB] =	sst s0  }
0x18: {  	s0 =	sld [smem:$0x3F9E];
	_ =	swait.ge [sflag:s4], $0x0  }
0x19: {  	s7 =	sld [smem:$0x3F9F]  }
0x1a: {  	s8 =	sadd.s32 $0xFFFFE003, lr  }
0x1b: {  	s9 =	sadd.s32 $0xFFFFFEF7, lr;
	s5 =	simm.s32 $0xFFFFFFFF;
	p2 =	slt.u32 s8, $0xFFFFF086  }
0x1c: {  	p1 =	slt.u32 s9, $0xF7A;
	s5 =	simm.s32 @!p2 $0x0  }
0x1d: {  	s5 =	simm.s32 @p1 $0x1;
	p0 =	seq.s32 s7, s2  }
0x1e: {  	s7 =	smul.u32 @!p0 $0xF7A, s2;
	p2 =	seq.s32 @!p0 s5, $0x0  }
0x1f: {  	s9 =	smul.u32 $0xF7A, s1;
	s8 =	simm.s32 @!p0 $0x1BF5;
	p2 =	por !p2, p0  }
0x20: {  	[sflag:s8] =	ssyncset.s32 @!p0 $0xFFFFF086;
	s6 =	sadd.s32 @!p0 s3, s7;
	s7 =	simm.s32 @!p0 $0x108  }
0x21: {  	s3 =	sadd.s32 s3, s9;
	s6 =	sadd.s32 @!p0 $0x88, s6;
	s7 =	simm.s32 @p2 $0x1082  }
0x22: {  	[simem:s7], [sflag:s8] =	dma.local @!p0 [hbm:s6], $0xF7A  }
0x23: {  	s9 =	sor.u32 $0xD0000000, s2;
	s6 =	simm.s32 $0x108;
	_ =	swait.ge @!p0 [sflag:s8], $0x0  }
0x24: {  	s3 =	sadd.s32 $0x88, s3;
	s6 =	simm.s32 @!p1 $0x1082;
	[sflag:s4] =	ssyncset.s32 $0xFFFFF086  }
0x25: {  	[simem:s6], [sflag:s4] =	dma.local [hbm:s3], $0xF7A  }
0x26: {  	[smem:$0x3F9F] =	sst s1;
	(tag) =	ssettag s2;
	_ =	strace s9  }
0x27: {  	s1 =	sld [smem:$0x3FAF]  }
0x28: {  	s2 =	sld [smem:$0x3FB0]  }
0x29: {  	s4 =	sld [smem:$0x3FB2]  }
0x2a: {  	p0 =	seq.s32 s5, $0x0;
	s5 =	sld [smem:$0x3FB3]  }
0x2b: {  	s6 =	sld [smem:$0x3FB4]  }
0x2c: {  	s7 =	sld [smem:$0x3FB5]  }
0x2d: {  	s3 =	simm.s32 $0x108;
	s8 =	sld [smem:$0x3FB6]  }
0x2e: {  	s3 =	simm.s32 @!p0 $0x1082;
	s9 =	sld [smem:$0x3FB7]  }
0x2f: {  	lr =	sadd.s32 s0, s3;
	s0 =	sld [smem:$0x3FAE]  }
0x30: {  	s3 =	sld [smem:$0x3FB1]  }
0x31: {  	[smem:$0x3FBA] =	sst s10  }
0x32: {  	s10 =	sld [smem:$0x3FB8];
	_ =	sdelay $0x3  }
0x33: {  	p0 =	seq.s32 s10, $0x1;
	s10 =	sld [smem:$0x3FBA];
	_ =	sdelay $0x3  }
0x34: {  	[smem:$0x3FBA] =	sst s10  }
0x35: {  	s10 =	sld [smem:$0x3FB9];
	_ =	sdelay $0x3  }
0x36: {  	p1 =	seq.s32 s10, $0x1;
	s10 =	sld [smem:$0x3FBA];
	_ =	sdelay $0x3  }
0x37: {  	[smem:$0x3FBA] =	sst s10  }
0x38: {  	s10 =	sld [smem:$0x3FBB]  }
0x39: {  	_ = 	snop;
	(pc) =	sbr.ind lr, $3  }
0x3a: {  	_ = 	snop  }
0x3b: {  	_ = 	snop  }
0x3c: {  	p2 =	seq.s32 s10, $0x1;
	s10 =	sld [smem:$0x3FBA]  }
0x3d: {  	_ =	shalt  }
0x3e: {  	_ =	shalt  }
0x3f: {  	_ =	shalt  }
0x40: {  	_ =	shalt  }
0x41: {  	_ =	shalt  }
0x42: {  	_ =	shalt  }
0x43: {  	_ =	shalt  }
0x44: {  	_ =	shalt  }
0x45: {  	_ =	shalt  }
0x46: {  	_ =	shalt  }
0x47: {  	_ =	shalt  }
0x48: {  	_ =	shalt  }
0x49: {  	_ =	shalt  }
0x4a: {  	_ =	shalt  }
0x4b: {  	_ =	shalt  }
0x4c: {  	_ =	shalt  }
0x4d: {  	_ =	shalt  }
0x4e: {  	_ =	shalt  }
0x4f: {  	_ =	shalt  }
0x50: {  	_ =	shalt  }
0x51: {  	_ =	shalt  }
0x52: {  	_ =	shalt  }
0x53: {  	_ =	shalt  }
0x54: {  	_ =	shalt  }
0x55: {  	_ =	shalt  }
0x56: {  	_ =	shalt  }
0x57: {  	_ =	shalt  }
0x58: {  	_ =	shalt  }
0x59: {  	_ =	shalt  }
0x5a: {  	_ =	shalt  }
0x5b: {  	_ =	shalt  }
0x5c: {  	_ =	shalt  }
0x5d: {  	_ =	shalt  }
0x5e: {  	_ =	shalt  }
0x5f: {  	_ =	shalt  }
0x60: {  	_ =	shalt  }
0x61: {  	_ =	shalt  }
0x62: {  	_ =	shalt  }
0x63: {  	_ =	shalt  }
0x64: {  	_ =	shalt  }
0x65: {  	_ =	shalt  }
0x66: {  	_ =	shalt  }
0x67: {  	_ =	shalt  }
0x68: {  	_ =	shalt  }
0x69: {  	_ =	shalt  }
0x6a: {  	_ =	shalt  }
0x6b: {  	_ =	shalt  }
0x6c: {  	_ =	shalt  }
0x6d: {  	_ =	shalt  }
0x6e: {  	_ =	shalt  }
0x6f: {  	_ =	shalt  }
0x70: {  	_ =	shalt  }
0x71: {  	_ =	shalt  }
0x72: {  	_ =	shalt  }
0x73: {  	_ =	shalt  }
0x74: {  	_ =	shalt  }
0x75: {  	_ =	shalt  }
0x76: {  	_ =	shalt  }
0x77: {  	_ =	shalt  }
0x78: {  	_ =	shalt  }
0x79: {  	_ =	shalt  }
0x7a: {  	_ =	shalt  }
0x7b: {  	_ =	shalt  }
0x7c: {  	_ =	shalt  }
0x7d: {  	_ =	shalt  }
0x7e: {  	_ =	shalt  }
0x7f: {  	_ =	shalt  }
0x80: {  	_ =	shalt  }
0x81: {  	_ =	shalt  }
0x82: {  	_ =	shalt  }
0x83: {  	_ =	shalt  }
0x84: {  	_ =	shalt  }
0x85: {  	_ =	shalt  }
0x86: {  	_ =	shalt  }
0x87: {  	_ =	shalt  }
.Lfunc_end0:
.L_simem_size_0:
called_computation_lowered:
.L_overlay_start_0:
0x88: {  	s2 =	sld [smem:$0x3FD9]  }
0x89: {  	s3 =	sld [smem:$0x3FFE];
	_ =	sdelay $0x1  }
0x8a: {  	s1 =	srdreg.scid  }
0x8b: {  	s0 =	sand.u32 $0x1, s1  }
0x8c: {  	s18 =	sshll.u32 s0, $0xA;
	s2 =	sadd.s32 s3, s2  }
0x8d: {  	s2 =	sadd.s32 s2, s18  }
0x8e: {  	[smem:$0x3FC6] =	sst s2  }
0x8f: {  	_ = 	snop  }
0x90: {  	s2 =	sld [smem:$0x3FC9]  }
0x91: {  	s19 =	sld [smem:$0x3FC8]  }
0x92: {  	s4 =	sld [smem:$0x3FD0];
	(tm) =	ssettm $0x1  }
0x93: {  	s5 =	sld [smem:$0x3FFB];
	_ =	sdelay $0x3  }
0x94: {  	_ =	strace s5  }
0x95: {  	s5 =	sld [smem:$0x3FFC];
	_ =	sdelay $0x3  }
0x96: {  	_ =	strace s5  }
0x97: {  	s5 =	sld [smem:$0x3FFD];
	_ =	sdelay $0x3  }
0x98: {  	_ =	strace s5  }
0x99: {  	_ =	strace $0x8FFFFFFF  }
0x9a: {  	s20 =	sld [smem:$0x3FDB];
	_ =	sdelay $0x1  }
0x9b: {  	s6 =	simm.s32 $_scs_section_size  }
0x9c: {  	s7 =	simm.s32 $_size__tile_overlayer_lowered;
	s8 =	simm.s32 $_tile_overlayer_lowered  }
0x9d: {  	s23 =	simm.s32 $0x1BFF;
	s22 =	sshll.u32 s8, $0x1;
	s5 =	sadd.s32 s6, s20  }
0x9e: {  	s9 =	simm.s32 $0x0;
	s21 =	sshll.u32 s7, $0x1;
	s7 =	sadd.s32 s22, s5  }
0x9f: {  	[timem:s9], [sflag:s23] =	dma.local [hbm:s7], s21  }
0xa0: {  	_ =	swait.ge [sflag:s23], s21  }
0xa1: {  	s6 =	ssub.s32 $0x0, s21;
	[sflag:s23] =	ssyncset.done $0x0  }
0xa2: {  	[sflag:s23] =	ssyncadd.s32 s6;
	_ =	sdelay $0x1  }
0xa3: {  	s24 =	simm.s32 $0x1B8B  }
0xa4: {  	_ =	swait.ge [sflag:s24], $0x1  }
0xa5: {  	[sflag:s24] =	ssyncset.done $0x0  }
0xa6: {  	s25 =	simm.s32 $0x1B8E;
	[sflag:s24] =	ssyncadd.s32 $0xFFFFFFFF  }
0xa7: {  	s26 =	simm.s32 $execute0_lowered;
	[smem:$0x3FD2] =	sst s25  }
0xa8: {  	s6 =	sshll.u32 s26, $0x1;
	_ =	strace $0x80000046;
	[dreg:$0x1] =	wrdreg $0xFFFFFFFF  }
0xa9: {  	s28 =	simm.s32 $_size_execute0_lowered;
	s5 =	sadd.s32 s5, s6;
	[dreg:$0x0] =	wrdreg $0x0  }
0xaa: {  	s6 =	sshll.u32 s28, $0x1;
	[dreg:$0x2] =	wrdreg s5  }
0xab: {  	[dreg:$0x3] =	wrdreg s6  }
0xac: {  	[dreg:$0x4] =	wrdreg $0xC0  }
0xad: {  	_ =	task [dreg:s9], $0x5FFFF  }
0xae: {  	[dreg:$0x1] =	wrdreg $0xFFFFFFFF  }
0xaf: {  	[dreg:$0x0] =	wrdreg $0x60  }
0xb0: {  	[dreg:$0x2] =	wrdreg s2  }
0xb1: {  	[dreg:$0x3] =	wrdreg s19  }
0xb2: {  	[dreg:$0x4] =	wrdreg s4  }
0xb3: {  	[dreg:$0x5] =	wrdreg $0x9  }
0xb4: {  	_ =	task.clear_ibuf [dreg:s9], $0x6FFFF;
	_ =	strace $0x90000046  }
0xb5: {  	s29 =	simm.s32 $0x9;
	_ =	strace $0x80000048  }
0xb6: {  	_ =	swait.ge [sflag:s29], $0x1  }
0xb7: {  	[sflag:s29] =	ssyncadd.s32 $0xFFFFFFFF  }
0xb8: {  	_ =	strace $0x90000048  }
0xb9: {  	_ =	sfence  }
0xba: {  	s30 =	sld [smem:$0x0];
	_ =	sdelay $0x2  }
0xbb: {  	s31 =	sshll.u32 s1, $0xD;
	s1 =	sshrl.u32 s1, $0x2  }
0xbc: {  	s3 =	sand.u32 $0x4000, s31;
	s1 =	sadd.s32 s1, s30  }
0xbd: {  	s0 =	sor.u32 s3, s0;
	s1 =	sshll.u32 s1, $0x11  }
0xbe: {  	s0 =	sor.u32 s1, s0  }
0xbf: {  	s0 =	sadd.s32 $0x8F2B, s0  }
0xc0: {  	[sflag:s0] =	ssyncadd.remote.s32 $0x1  }
0xc1: {  	_ =	sfence.sel $0xFFFF  }
0xc2: {  	[dreg:$0x0] =	wrdreg $0xFFFFFFFF;
	(pc) =	sbr.abs _section_cstart, $3  }
0xc3: {  	[dreg:$0x1] =	wrdreg $0xFFFFFFFF  }
0xc4: {  	_ =	task.clear_ibuf [dreg:s9], $0x2FFFF;
	_ =	strace $0x9FFFFFFF  }
0xc5: {  	(tm) =	ssettm $0x7FFFFFFF  }
tec
execute0_lowered:
.L_overlay_start_1:
0x0: {  	(tag) =	ssettag $0x1  }
0x1: {  	s3 =	rddreg [dreg:$0x0]  }
0x2: {  	s4 =	rddreg [dreg:$0x1]  }
0x3: {  	s5 =	rddreg [dreg:$0x2]  }
0x4: {  	s2 =	srdreg.scid;
	s1 =	stileid.u32  }
0x5: {  	s0 =	rddreg [dreg:$0x3];
	s10 =	simm.s32 $0x80000000;
	s11 =	simm.s32 $0x18800  }
0x6: {  	s12 =	simm.s32 $0x800000;
	s13 =	simm.s32 $0x1F800;
	s14 =	simm.s32 $0x3  }
0x7: {  	s15 =	simm.s32 $0x10000;
	s16 =	simm.s32 $0x0;
	s6 =	sand.u32 $0x1, s2  }
0x8: {  	s7 =	sshll.u32 s1, $0x1;
	s2 =	simm.s32 $0x0;
	s8 =	ssub.s32 $0x2, s6  }
.Ltmp0:
0x9: {  	s6 =	sor.u32 s6, s7;
	[smem:$0x7FF] =	sst s2;
	(pc) =	sbr.rel .LBB2_1-.Ltmp0, $4  }
0xa: {  	v0 =	vlaneseq.u32;
	s31 =	sshrl.u32 s8, $0x1;
	s9 =	smul.u32 $0x1880, s6;
	s6 =	sshll.u32 s6, $0x1  }
0xb: {  	v1 =	vimm.s32 $0x0;
	v2 =	vor.u32 $0x10, v0;
	_ =	strace $0x80000047;
	s7 =	ssub.s32 s8, s31;
	s5 =	sadd.s32 s5, s6  }
0xc: {  	v3 =	vor.u32 $0x20, v0;
	v4 =	vor.u32 $0x30, v0;
	v5 =	vor.u32 $0x40, v0;
	s8 =	simm.s32 $0x1;
	s3 =	sadd.s32 s3, s9;
	s4 =	sadd.s32 s4, s9  }
0xd: {  	v6 =	vor.u32 $0x50, v0;
	v7 =	vor.u32 $0x60, v0;
	v8 =	vor.u32 $0x70, v0;
	s6 =	smax.u32 s7, $0x1;
	s7 =	simm.s32 $0xC400;
	s9 =	simm.s32 $0x2  }
.LBB2_40:
0xe: {  	(xrf0) =	vadd.scan.msk.s32 $0xffff, v10;
	_ =	sdelay $0x5  }
0xf: {  	v10, _, _ =	vpop (xrf0)  }
0x10: {  	(v2sf) =	vpush v10, $0xF;
	_ =	sdelay $0x6  }
0x11: {  	(xrf2) =	vadd.scan.msk.f32 $0xffff, v9;
	_ =	sdelay $0x7  }
0x12: {  	s17 =	spop (v2sf)  }
0x13: {  	s17 =	scvt.s32.f32 s17  }
0x14: {  	v9, _, _ =	vpop (xrf2)  }
0x15: {  	vm0 =	vcmask $0x704;
	v9 =	vbroadcast v9, $0xF;
	v10 =	vmov s17  }
0x16: {  	vm15 =	vmmov $0x1;
	s16 =	sadd.s32 $0x1, s16;
	v10 =	vnsel vm0, $0x0, v10  }
0x17: {  	p0 =	sne.s32 s16, s6;
	v9 =	vsel vm15, v9, v10  }
.Ltmp1:
0x18: {  	[tilespmem:$0x1F800] =	vst v9;
	(pc) =	sbr.rel @!p0 .LBB2_41-.Ltmp1, $4  }
0x19: {  	[hbm4b:s5+s2] =	stream.linear.scatter [tilespmem:s13], [sflag:$0x3], $0x10, $0x38;
	[tilespmem:$0x1F810] =	vst v63  }
0x1a: {  	_ =	swait.ge [sflag:s14], $0x10  }
0x1b: {  	[sflag:s14] =	ssyncset.done $0x0  }
0x1c: {  	[sflag:s14] =	ssyncadd.s32 $0xFFFFFFF0  }
.LBB2_1:
0x1d: {  	[tilespmem:s2], [sflag:$0x1] =	stream.linear.gather [hbm4b:s3+s2], $0xC400, $0x38;
	[tilespmem:$0x1F810] =	vst v63  }
0x1e: {  	_ = 	snop  }
0x1f: {  	[tilespmem:s7], [sflag:$0x2] =	stream.linear.gather [hbm4b:s4+s2], $0xC400, $0x38;
	[tilespmem:$0x1F810] =	vst v63  }
0x20: {  	_ =	swait.ge [sflag:s8], $0xC400  }
0x21: {  	[sflag:s8] =	ssyncset.done $0x0  }
0x22: {  	[sflag:s8] =	ssyncadd.s32 $0xFFFF3C00  }
0x23: {  	_ =	swait.ge [sflag:s9], $0xC400  }
0x24: {  	[sflag:s9] =	ssyncset.done $0x0  }
0x25: {  	s18 =	simm.s32 $0x0;
	[sflag:s9] =	ssyncadd.s32 $0xFFFF3C00  }
0x26: {  	v9 =	vld [tilespmem:s18+$0xC470]  }
0x27: {  	v10 =	vld [tilespmem:s18+$0x70]  }
0x28: {  	v11 =	vld [tilespmem:s18+$0xC460]  }
0x29: {  	v12 =	vld [tilespmem:s18+$0x60]  }
0x2a: {  	v13 =	vld [tilespmem:s18+$0xC450]  }
0x2b: {  	v14 =	vld [tilespmem:s18+$0xC440]  }
0x2c: {  	v16 =	vld [tilespmem:s18+$0x50]  }
0x2d: {  	v17 =	vld [tilespmem:s18+$0x30]  }
0x2e: {  	v18 =	vld [tilespmem:s18+$0xC430];
	v15 =	vshra.s32 v10, $0x1F  }
0x2f: {  	v21 =	vld [tilespmem:s18+$0x40];
	vm0 =	vgt.f32 v9, $1.000000010e-01;
	vm2 =	vgt.f32 v11, $1.000000010e-01;
	vm1 =	vgt.s32 v10, $0xFFFFFFFF  }
0x30: {  	vm3 =	vgt.f32 v13, $1.000000010e-01;
	vm4 =	vgt.f32 v14, $1.000000010e-01;
	vm5 =	vgt.s32 v12, $0xFFFFFFFF  }
0x31: {  	v19 =	vld [tilespmem:s18+$0xC420];
	v14 =	vshra.s32 v16, $0x1F;
	v15 =	vand.u32 $0x7FFFFFFF, v15;
	v13 =	vsel vm2, $0x1, v1  }
0x32: {  	vm2 =	vgt.s32 v17, $0xFFFFFFFF;
	v9 =	vxor.u32 v10, v15;
	v10 =	vshra.s32 v12, $0x1F  }
0x33: {  	v23 =	vld [tilespmem:s18+$0xC410];
	v20 =	vand.u32 $0x7FFFFFFF, v14;
	v14 =	vsel vm3, $0x1, v1;
	v10 =	vand.u32 $0x7FFFFFFF, v10  }
0x34: {  	v11 =	vld [tilespmem:s18+$0x10];
	vm3 =	vgt.f32 v18, $1.000000010e-01;
	v18 =	vshra.s32 v21, $0x1F;
	v10 =	vxor.u32 v12, v10  }
0x35: {  	v15 =	vshra.s32 v17, $0x1F;
	v25 =	vand.u32 $0x7FFFFFFF, v18;
	v18 =	vsel vm4, $0x1, v1;
	[tilespmem:s18+$0x60] =	vst v10;
	v10 =	vld [tilespmem:s18+$0x0]  }
0x36: {  	v26 =	vxor.u32 v16, v20;
	vm4 =	vgt.f32 v19, $1.000000010e-01;
	[tilespmem:s18+$0x70] =	vst v9;
	v9 =	vsel vm1, $0x1, v1;
	v12 =	vld [tilespmem:s18+$0x20]  }
0x37: {  	v24 =	vld [tilespmem:s18+$0xC400];
	vm1 =	vgt.s32 v16, $0xFFFFFFFF;
	v22 =	vand.u32 $0x7FFFFFFF, v15;
	v15 =	vsel vm2, $0x1, v1  }
0x38: {  	vm2 =	vgt.s32 v21, $0xFFFFFFFF;
	v16 =	vsel vm0, $0x1, v1;
	v20 =	vsel vm4, $0x1, v1  }
0x39: {  	v63 =	vxor.u32 v21, v25;
	v27 =	vxor.u32 v17, v22;
	v17 =	vsel vm5, $0x1, v1  }
0x3a: {  	v19 =	vshra.s32 v11, $0x1F;
	vm4 =	vgt.s32 v11, $0xFFFFFFFF;
	vm0 =	vgt.s32 v10, $0xFFFFFFFF  }
0x3b: {  	vm5 =	vgt.s32 v12, $0xFFFFFFFF;
	v21 =	vshra.s32 v12, $0x1F;
	v28 =	vsel vm0, $0x1, v1  }
0x3c: {  	[tilespmem:s18+$0x50] =	vst v26;
	vm0 =	vgt.f32 v23, $1.000000010e-01;
	v23 =	vsel vm4, $0x1, v1;
	vm4 =	vgt.f32 v24, $1.000000010e-01  }
0x3d: {  	[tilespmem:s18+$0x30] =	vst v27;
	v22 =	vsel vm5, $0x1, v1;
	v26 =	vsel vm4, $0x1, v1;
	v27 =	vadd.s32 v28, v1  }
0x3e: {  	s17 =	simm.s32 $0x200;
	[tilespmem:s18+$0x40] =	vst v63;
	v24 =	vsel vm0, $0x1, v1;
	v25 =	vadd.s32 v26, v1;
	v23 =	vadd.s32 v23, v27  }
.LBB2_2:
0x3f: {  	s19 =	sshra.s32 s17, $0x2;
	p0 =	sne.s32 s17, $0x30E00;
	s17 =	sadd.s32 $0x200, s17;
	v24 =	vadd.s32 v24, v25;
	v25 =	vsel vm3, $0x1, v1;
	v26 =	vsel vm1, $0x1, v1  }
0x40: {  	v28 =	vshra.s32 v10, $0x1F;
	v19 =	vand.u32 $0x7FFFFFFF, v19;
	v29 =	vsel vm2, $0x1, v1;
	v27 =	vld [tilespmem:s19+$0xC470]  }
0x41: {  	v21 =	vand.u32 $0x7FFFFFFF, v21;
	v22 =	vadd.s32 v22, v23;
	v20 =	vadd.s32 v20, v24;
	v30 =	vld [tilespmem:s19+$0x70]  }
0x42: {  	v11 =	vxor.u32 v11, v19;
	v15 =	vadd.s32 v15, v22;
	v19 =	vadd.s32 v25, v20;
	v23 =	vld [tilespmem:s19+$0xC460]  }
0x43: {  	v15 =	vadd.s32 v29, v15;
	v20 =	vld [tilespmem:s19+$0x60];
	[tilespmem:s18+$0x10] =	vst v11;
	v11 =	vxor.u32 v12, v21;
	v12 =	vadd.s32 v18, v19  }
0x44: {  	v19 =	vand.u32 $0x7FFFFFFF, v28;
	v18 =	vld [tilespmem:s19+$0xC450];
	[tilespmem:s18+$0x20] =	vst v11;
	v11 =	vadd.s32 v14, v12;
	v12 =	vadd.s32 v26, v15  }
0x45: {  	v10 =	vxor.u32 v10, v19;
	v14 =	vld [tilespmem:s19+$0xC440];
	vm0 =	vgt.f32 v27, $1.000000010e-01;
	v11 =	vadd.s32 v13, v11  }
0x46: {  	v19 =	vld [tilespmem:s19+$0x50];
	v13 =	vshra.s32 v30, $0x1F;
	[tilespmem:s18+$0x0] =	vst v10;
	v10 =	vadd.s32 v17, v12;
	v21 =	vadd.s32 v16, v11;
	s18 =	smov.u32 s19  }
0x47: {  	vm1 =	vgt.s32 v30, $0xFFFFFFFF;
	v16 =	vld [tilespmem:s18+$0x30];
	vm2 =	vgt.f32 v23, $1.000000010e-01;
	v11 =	vand.u32 $0x7FFFFFFF, v13  }
0x48: {  	v23 =	vadd.s32 v9, v10;
	v17 =	vld [tilespmem:s18+$0xC430];
	v12 =	vshra.s32 v20, $0x1F;
	v11 =	vxor.u32 v30, v11  }
0x49: {  	v9 =	vsel vm1, $0x1, v1;
	v25 =	vld [tilespmem:s18+$0x40];
	vm3 =	vgt.f32 v18, $1.000000010e-01;
	v10 =	vand.u32 $0x7FFFFFFF, v12;
	[tilespmem:s18+$0x70] =	vst v11  }
0x4a: {  	vm4 =	vgt.s32 v20, $0xFFFFFFFF;
	v22 =	vld [tilespmem:s18+$0xC420];
	vm5 =	vgt.f32 v14, $1.000000010e-01;
	v10 =	vxor.u32 v20, v10  }
0x4b: {  	v13 =	vsel vm2, $0x1, v1;
	v11 =	vld [tilespmem:s18+$0x10];
	v14 =	vshra.s32 v19, $0x1F;
	vm1 =	vgt.s32 v19, $0xFFFFFFFF;
	[tilespmem:s18+$0x60] =	vst v10  }
0x4c: {  	v12 =	vld [tilespmem:s18+$0x20];
	v15 =	vshra.s32 v16, $0x1F;
	vm2 =	vgt.s32 v16, $0xFFFFFFFF;
	v20 =	vand.u32 $0x7FFFFFFF, v14  }
0x4d: {  	v14 =	vsel vm3, $0x1, v1;
	v10 =	vld [tilespmem:s18+$0x0];
	v24 =	vand.u32 $0x7FFFFFFF, v15;
	v15 =	vsel vm2, $0x1, v1  }
0x4e: {  	vm3 =	vgt.f32 v17, $1.000000010e-01;
	v26 =	vld [tilespmem:s18+$0xC410];
	v17 =	vshra.s32 v25, $0x1F;
	vm2 =	vgt.s32 v25, $0xFFFFFFFF  }
0x4f: {  	v18 =	vsel vm5, $0x1, v1;
	v27 =	vld [tilespmem:s18+$0xC400];
	v28 =	vand.u32 $0x7FFFFFFF, v17;
	v17 =	vxor.u32 v19, v20  }
0x50: {  	vm5 =	vgt.f32 v22, $1.000000010e-01;
	v22 =	vxor.u32 v16, v24;
	v16 =	vsel vm0, $0x1, v1;
	[tilespmem:s18+$0x50] =	vst v17  }
0x51: {  	v19 =	vshra.s32 v11, $0x1F;
	v20 =	vsel vm5, $0x1, v1;
	v17 =	vsel vm4, $0x1, v1;
	[tilespmem:s18+$0x30] =	vst v22  }
.Ltmp2:
0x52: {  	vm4 =	vgt.s32 v11, $0xFFFFFFFF;
	vm5 =	vgt.s32 v12, $0xFFFFFFFF;
	vm0 =	vgt.s32 v10, $0xFFFFFFFF;
	(pc) =	sbr.rel @p0 .LBB2_2-.Ltmp2, $4  }
0x53: {  	v29 =	vsel vm0, $0x1, v1;
	vm0 =	vgt.f32 v26, $1.000000010e-01;
	v26 =	vsel vm4, $0x1, v1  }
0x54: {  	v22 =	vsel vm5, $0x1, v1;
	vm4 =	vgt.f32 v27, $1.000000010e-01;
	v24 =	vsel vm0, $0x1, v1  }
0x55: {  	v28 =	vxor.u32 v25, v28;
	v23 =	vadd.s32 v29, v23;
	v27 =	vsel vm4, $0x1, v1  }
0x56: {  	v23 =	vadd.s32 v26, v23;
	v25 =	vadd.s32 v27, v21;
	v21 =	vshra.s32 v12, $0x1F;
	[tilespmem:s18+$0x40] =	vst v28  }
0x57: {  	v24 =	vadd.s32 v24, v25  }
0x58: {  	v57 =	vsel vm3, $0x1, v1;
	v20 =	vadd.s32 v20, v24  }
0x59: {  	v20 =	vadd.s32 v57, v20  }
0x5a: {  	v18 =	vadd.s32 v18, v20  }
0x5b: {  	v14 =	vadd.s32 v14, v18  }
0x5c: {  	v58 =	vadd.s32 v22, v23;
	v13 =	vadd.s32 v13, v14  }
0x5d: {  	v59 =	vsel vm2, $0x1, v1;
	v15 =	vadd.s32 v15, v58;
	v13 =	vadd.s32 v16, v13  }
0x5e: {  	v60 =	vsel vm1, $0x1, v1;
	v14 =	vadd.s32 v59, v15;
	(xrf0) =	vadd.scan.msk.s32 $0xffff, v13  }
0x5f: {  	v61 =	vadd.s32 v60, v14  }
0x60: {  	v13 =	vadd.s32 v17, v61  }
0x61: {  	v9 =	vadd.s32 v9, v13  }
0x62: {  	(xrf0) =	vadd.scan.msk.s32 $0xffff, v9;
	_ =	sdelay $0x1  }
0x63: {  	v9, _, _ =	vpop (xrf0)  }
0x64: {  	(v2sf) =	vpush v9, $0xF;
	_ =	sdelay $0x2  }
0x65: {  	v9, _, _ =	vpop (xrf0)  }
0x66: {  	(v2sf) =	vpush v9, $0xF;
	_ =	sdelay $0xa  }
0x67: {  	s17 =	spop (v2sf)  }
0x68: {  	s17 =	smul.u32 $0x3, s17  }
0x69: {  	v9 =	vand.u32 $0x7FFFFFFF, v19  }
0x6a: {  	v62 =	vshra.s32 v10, $0x1F;
	v63 =	vand.u32 $0x7FFFFFFF, v21;
	v9 =	vxor.u32 v11, v9;
	p0 =	slt.s32 s17, $0xC3FF  }
0x6b: {  	v11 =	vand.u32 $0x7FFFFFFF, v62;
	[tilespmem:s18+$0x10] =	vst v9;
	v9 =	vxor.u32 v12, v63;
	s19 =	spop (v2sf);
	s17 =	simm.s32 @!p0 $0xC3FF  }
0x6c: {  	[tilespmem:s18+$0x20] =	vst v9;
	v9 =	vxor.u32 v10, v11;
	p0 =	slt.s32 s19, s17;
	s19 =	simm.s32 $0x0  }
0x6d: {  	s20 =	simm.s32 $0x1;
	[tilespmem:s18+$0x0] =	vst v9;
	s19 =	simm.s32 @!p0 $0x80000000  }
.LBB2_4:
0x6e: {  	s23 =	simm.s32 $0x0  }
0x6f: {  	v10 =	vld [tilespmem:s23+$0x0]  }
0x70: {  	s18 =	sshrl.u32 s10, s20;
	v12 =	vld [tilespmem:s23+$0x10]  }
0x71: {  	s18 =	sor.u32 s18, s19;
	v14 =	vld [tilespmem:s23+$0x20]  }
0x72: {  	v13 =	vld [tilespmem:s23+$0x30];
	s21 =	sxor.u32 $0x80000000, s18  }
0x73: {  	v11 =	vld [tilespmem:s23+$0x40];
	v9 =	vmov s21  }
0x74: {  	vm0 =	vge.s32 v10, v9;
	v10 =	vld [tilespmem:s23+$0x50]  }
0x75: {  	v15 =	vimm.s32 $0x0;
	v16 =	vsel vm0, $0x1, v1;
	vm0 =	vge.s32 v12, v9;
	v12 =	vld [tilespmem:s23+$0x60]  }
0x76: {  	s22 =	simm.s32 $0x400;
	s21 =	simm.s32 $0x80;
	v15 =	vadd.s32 v16, v15;
	v16 =	vsel vm0, $0x1, v1;
	vm0 =	vge.s32 v14, v9;
	v14 =	vld [tilespmem:s23+$0x70]  }
.LBB2_5:
0x77: {  	p0 =	sne.s32 s22, $0x30E00;
	v17 =	vld [tilespmem:s21+$0x0];
	v15 =	vadd.s32 v16, v15;
	v16 =	vsel vm0, $0x1, v1;
	vm0 =	vge.s32 v13, v9  }
0x78: {  	v18 =	vld [tilespmem:s21+$0x10];
	v13 =	vadd.s32 v16, v15;
	v15 =	vsel vm0, $0x1, v1;
	vm0 =	vge.s32 v11, v9  }
0x79: {  	v19 =	vld [tilespmem:s21+$0x20];
	v11 =	vadd.s32 v15, v13;
	v15 =	vsel vm0, $0x1, v1;
	vm0 =	vge.s32 v10, v9  }
.Ltmp3:
0x7a: {  	v13 =	vld [tilespmem:s21+$0x30];
	v10 =	vadd.s32 v15, v11;
	v15 =	vsel vm0, $0x1, v1;
	vm0 =	vge.s32 v12, v9;
	(pc) =	sbr.rel @p0 .LBB2_5-.Ltmp3, $4  }
0x7b: {  	v11 =	vld [tilespmem:s21+$0x40];
	v12 =	vadd.s32 v15, v10;
	v15 =	vsel vm0, $0x1, v1;
	vm0 =	vge.s32 v14, v9  }
0x7c: {  	vm1 =	vge.s32 v17, v9;
	v10 =	vld [tilespmem:s21+$0x50];
	v14 =	vadd.s32 v15, v12;
	v15 =	vsel vm0, $0x1, v1  }
0x7d: {  	v16 =	vsel vm1, $0x1, v1;
	vm0 =	vge.s32 v18, v9;
	v12 =	vld [tilespmem:s21+$0x60];
	v14 =	vadd.s32 v15, v14  }
0x7e: {  	v15 =	vadd.s32 v16, v14;
	v16 =	vsel vm0, $0x1, v1;
	vm0 =	vge.s32 v19, v9;
	v14 =	vld [tilespmem:s21+$0x70];
	s21 =	sshra.s32 s22, $0x2;
	s22 =	sadd.s32 $0x200, s22  }
0x7f: {  	v17 =	vld [tilespmem:s21+$0x0];
	v15 =	vadd.s32 v16, v15;
	v49 =	vsel vm0, $0x1, v1;
	vm4 =	vge.s32 v13, v9  }
0x80: {  	v50 =	vld [tilespmem:s21+$0x10];
	v15 =	vadd.s32 v49, v15;
	v51 =	vsel vm4, $0x1, v1;
	vm5 =	vge.s32 v11, v9  }
0x81: {  	v11 =	vld [tilespmem:s21+$0x20];
	v15 =	vadd.s32 v51, v15;
	v52 =	vsel vm5, $0x1, v1;
	vm6 =	vge.s32 v10, v9  }
0x82: {  	v10 =	vld [tilespmem:s21+$0x30];
	v15 =	vadd.s32 v52, v15;
	v53 =	vsel vm6, $0x1, v1;
	vm7 =	vge.s32 v12, v9  }
0x83: {  	v54 =	vld [tilespmem:s21+$0x40];
	v15 =	vadd.s32 v53, v15;
	v55 =	vsel vm7, $0x1, v1;
	vm8 =	vge.s32 v14, v9  }
0x84: {  	v56 =	vld [tilespmem:s21+$0x50];
	vm1 =	vge.s32 v17, v9;
	v15 =	vadd.s32 v55, v15;
	v57 =	vsel vm8, $0x1, v1  }
0x85: {  	v58 =	vld [tilespmem:s21+$0x60];
	vm9 =	vge.s32 v50, v9;
	v17 =	vsel vm1, $0x1, v1;
	v15 =	vadd.s32 v57, v15  }
0x86: {  	v59 =	vsel vm9, $0x1, v1;
	vm10 =	vge.s32 v11, v9;
	v11 =	vld [tilespmem:s21+$0x70];
	v15 =	vadd.s32 v17, v15  }
0x87: {  	v60 =	vsel vm10, $0x1, v1;
	vm11 =	vge.s32 v10, v9;
	v15 =	vadd.s32 v59, v15  }
0x88: {  	vm12 =	vge.s32 v54, v9;
	v61 =	vsel vm11, $0x1, v1;
	v10 =	vadd.s32 v60, v15  }
0x89: {  	vm13 =	vge.s32 v56, v9;
	v12 =	vsel vm12, $0x1, v1;
	v10 =	vadd.s32 v61, v10  }
0x8a: {  	vm14 =	vge.s32 v58, v9;
	v62 =	vsel vm13, $0x1, v1;
	v10 =	vadd.s32 v12, v10  }
0x8b: {  	v63 =	vsel vm14, $0x1, v1;
	vm15 =	vge.s32 v11, v9;
	v10 =	vadd.s32 v62, v10  }
0x8c: {  	v9 =	vadd.s32 v63, v10;
	v10 =	vsel vm15, $0x1, v1  }
0x8d: {  	v9 =	vadd.s32 v10, v9  }
0x8e: {  	(xrf0) =	vadd.scan.msk.s32 $0xffff, v9;
	_ =	sdelay $0x5  }
0x8f: {  	v9, _, _ =	vpop (xrf0)  }
0x90: {  	(v2sf) =	vpush v9, $0xF;
	_ =	sdelay $0xe  }
0x91: {  	s31 =	spop (v2sf)  }
0x92: {  	s20 =	sadd.s32 $0x1, s20;
	p0 =	slt.s32 s31, s17  }
0x93: {  	s18 =	smov.u32 @p0 s19;
	p0 =	sne.s32 s20, $0x8  }
.Ltmp4:
0x94: {  	_ = 	snop;
	(pc) =	sbr.rel @p0 .LBB2_4-.Ltmp4, $2  }
0x95: {  	_ =	sdelay $0x2  }
0x96: {  	s19 =	smov.u32 s18  }
0x97: {  	v18 =	vimm.s32 $0x0  }
0x98: {  	v9 =	vimm.s32 $0x0;
	v10 =	vimm.s32 $0x0;
	v11 =	vimm.s32 $0x0  }
0x99: {  	s19 =	sshrl.u32 s18, $0x18;
	v12 =	vimm.s32 $0x0;
	v13 =	vimm.s32 $0x0;
	v14 =	vimm.s32 $0x0  }
0x9a: {  	v15 =	vimm.s32 $0x0;
	v16 =	vimm.s32 $0x0;
	v17 =	vmov s19;
	s19 =	simm.s32 $0x0  }
.LBB2_8:
0x9b: {  	s20 =	sshra.s32 s19, $0x2  }
0x9c: {  	v19 =	vld [tilespmem:s20+$0x0];
	_ =	sdelay $0x4  }
0x9d: {  	v20 =	vxor.u32 $0x80000000, v19  }
0x9e: {  	vm0 =	vlt.s32 v16, $0xDF;
	v20 =	vshrl.u32 v20, $0x18  }
0x9f: {  	vm4 =	vlt.s32 v16, $0xE0;
	v21 =	vnsel vm0, $0xDF, v16;
	vm1 =	veq.s32 v20, v17  }
0xa0: {  	v21 =	vshll.u32 v21, $0x7;
	vm0 =	vmand vm4, vm1  }
0xa1: {  	v21 =	vor.u32 v0, v21;
	_ =	sdelay $0x4  }
0xa2: {  	[tilespmem:v21+s11+$0x0] =	vst.idx.msk vm0, v19  }
0xa3: {  	v19 =	vld [tilespmem:s20+$0x10];
	_ =	sdelay $0x4  }
0xa4: {  	v49 =	vxor.u32 $0x80000000, v19  }
0xa5: {  	vm5 =	vlt.s32 v15, $0xDF;
	v21 =	vshrl.u32 v49, $0x18  }
0xa6: {  	vm6 =	vlt.s32 v15, $0xE0;
	v22 =	vnsel vm5, $0xDF, v15;
	vm2 =	veq.s32 v21, v17  }
0xa7: {  	v22 =	vshll.u32 v22, $0x7;
	vm0 =	vmand vm6, vm2  }
0xa8: {  	v22 =	vor.u32 v2, v22;
	_ =	sdelay $0x4  }
0xa9: {  	[tilespmem:v22+s11+$0x0] =	vst.idx.msk vm0, v19  }
0xaa: {  	v19 =	vld [tilespmem:s20+$0x20];
	_ =	sdelay $0x4  }
0xab: {  	v50 =	vxor.u32 $0x80000000, v19  }
0xac: {  	vm3 =	vlt.s32 v14, $0xDF;
	v22 =	vshrl.u32 v50, $0x18  }
0xad: {  	vm7 =	vlt.s32 v14, $0xE0;
	v23 =	vnsel vm3, $0xDF, v14;
	vm0 =	veq.s32 v22, v17  }
0xae: {  	v23 =	vshll.u32 v23, $0x7;
	vm3 =	vmand vm7, vm0  }
0xaf: {  	v23 =	vor.u32 v3, v23;
	_ =	sdelay $0x4  }
0xb0: {  	[tilespmem:v23+s11+$0x0] =	vst.idx.msk vm3, v19  }
0xb1: {  	v19 =	vld [tilespmem:s20+$0x30];
	_ =	sdelay $0x4  }
0xb2: {  	v51 =	vxor.u32 $0x80000000, v19  }
0xb3: {  	vm4 =	vlt.s32 v13, $0xDF;
	v23 =	vshrl.u32 v51, $0x18  }
0xb4: {  	vm8 =	vlt.s32 v13, $0xE0;
	v24 =	vnsel vm4, $0xDF, v13;
	vm3 =	veq.s32 v23, v17  }
0xb5: {  	v24 =	vshll.u32 v24, $0x7;
	vm4 =	vmand vm8, vm3  }
0xb6: {  	v24 =	vor.u32 v4, v24;
	_ =	sdelay $0x4  }
0xb7: {  	[tilespmem:v24+s11+$0x0] =	vst.idx.msk vm4, v19  }
0xb8: {  	v19 =	vld [tilespmem:s20+$0x40];
	_ =	sdelay $0x4  }
0xb9: {  	v52 =	vxor.u32 $0x80000000, v19  }
0xba: {  	vm9 =	vlt.s32 v12, $0xDF;
	v24 =	vshrl.u32 v52, $0x18  }
0xbb: {  	vm10 =	vlt.s32 v12, $0xE0;
	v25 =	vnsel vm9, $0xDF, v12;
	vm5 =	veq.s32 v24, v17  }
0xbc: {  	v25 =	vshll.u32 v25, $0x7;
	vm4 =	vmand vm10, vm5  }
0xbd: {  	v25 =	vor.u32 v5, v25;
	_ =	sdelay $0x4  }
0xbe: {  	[tilespmem:v25+s11+$0x0] =	vst.idx.msk vm4, v19  }
0xbf: {  	v19 =	vld [tilespmem:s20+$0x50];
	_ =	sdelay $0x4  }
0xc0: {  	v53 =	vxor.u32 $0x80000000, v19  }
0xc1: {  	vm11 =	vlt.s32 v11, $0xDF;
	v25 =	vshrl.u32 v53, $0x18  }
0xc2: {  	vm12 =	vlt.s32 v11, $0xE0;
	v26 =	vnsel vm11, $0xDF, v11;
	vm6 =	veq.s32 v25, v17  }
0xc3: {  	v26 =	vshll.u32 v26, $0x7;
	vm4 =	vmand vm12, vm6  }
0xc4: {  	v26 =	vor.u32 v6, v26;
	_ =	sdelay $0x4  }
0xc5: {  	[tilespmem:v26+s11+$0x0] =	vst.idx.msk vm4, v19  }
0xc6: {  	v19 =	vld [tilespmem:s20+$0x60];
	_ =	sdelay $0x4  }
0xc7: {  	v54 =	vxor.u32 $0x80000000, v19  }
0xc8: {  	vm7 =	vlt.s32 v10, $0xDF;
	v26 =	vshrl.u32 v54, $0x18  }
0xc9: {  	vm13 =	vlt.s32 v10, $0xE0;
	v27 =	vnsel vm7, $0xDF, v10;
	vm4 =	veq.s32 v26, v17  }
0xca: {  	v27 =	vshll.u32 v27, $0x7;
	vm7 =	vmand vm13, vm4  }
0xcb: {  	v27 =	vor.u32 v7, v27;
	_ =	sdelay $0x4  }
0xcc: {  	vm14 =	vgt.u32 v20, v17;
	[tilespmem:v27+s11+$0x0] =	vst.idx.msk vm7, v19  }
0xcd: {  	vm11 =	vlt.s32 v9, $0xDF;
	v20 =	vsel vm14, $0x1, v1;
	vm15 =	vgt.u32 v21, v17;
	v55 =	vld [tilespmem:s20+$0x70]  }
0xce: {  	v33 =	vnsel vm11, $0xDF, v9;
	v18 =	vadd.s32 v20, v18;
	v28 =	vsel vm15, $0x1, v1  }
0xcf: {  	v61 =	vshll.u32 v33, $0x7;
	v56 =	vsel vm2, $0x1, v1;
	v18 =	vadd.s32 v28, v18  }
0xd0: {  	v15 =	vadd.s32 v56, v15;
	v57 =	vsel vm0, $0x1, v1;
	vm8 =	vgt.u32 v23, v17  }
0xd1: {  	v14 =	vadd.s32 v57, v14;
	v58 =	vsel vm3, $0x1, v1;
	v30 =	vsel vm8, $0x1, v1  }
0xd2: {  	v13 =	vadd.s32 v58, v13;
	vm9 =	vgt.u32 v24, v17;
	v60 =	vxor.u32 $0x80000000, v55  }
0xd3: {  	v59 =	vsel vm5, $0x1, v1;
	vm10 =	vgt.u32 v25, v17;
	v25 =	vshrl.u32 v60, $0x18  }
0xd4: {  	v20 =	vsel vm9, $0x1, v1;
	vm13 =	vlt.s32 v9, $0xE0;
	vm12 =	veq.s32 v25, v17  }
0xd5: {  	v19 =	vsel vm1, $0x1, v1;
	vm7 =	vgt.u32 v22, v17;
	vm0 =	vmand vm13, vm12  }
0xd6: {  	v29 =	vsel vm7, $0x1, v1;
	v16 =	vadd.s32 v19, v16;
	v19 =	vor.u32 v8, v61  }
0xd7: {  	p0 =	sne.s32 s19, $0x30E00;
	v12 =	vadd.s32 v59, v12;
	v31 =	vsel vm6, $0x1, v1;
	v18 =	vadd.s32 v29, v18  }
.Ltmp5:
0xd8: {  	v32 =	vsel vm10, $0x1, v1;
	vm14 =	vgt.u32 v26, v17;
	v18 =	vadd.s32 v30, v18;
	(pc) =	sbr.rel @p0 .LBB2_8-.Ltmp5, $4  }
0xd9: {  	v11 =	vadd.s32 v31, v11;
	v62 =	vsel vm14, $0x1, v1;
	v18 =	vadd.s32 v20, v18  }
0xda: {  	v20 =	vsel vm4, $0x1, v1;
	v18 =	vadd.s32 v32, v18;
	vm15 =	vgt.u32 v25, v17  }
0xdb: {  	v18 =	vadd.s32 v62, v18;
	v63 =	vsel vm15, $0x1, v1;
	[tilespmem:v19+s11+$0x0] =	vst.idx.msk vm0, v55;
	v19 =	vsel vm12, $0x1, v1  }
0xdc: {  	s19 =	sadd.s32 $0x200, s19;
	v10 =	vadd.s32 v20, v10;
	v18 =	vadd.s32 v63, v18;
	v9 =	vadd.s32 v19, v9  }
0xdd: {  	vm0 =	vgt.s32 v16, v15  }
0xde: {  	v17 =	vsel vm0, v16, v15  }
0xdf: {  	vm0 =	vgt.s32 v17, v14  }
0xe0: {  	v17 =	vsel vm0, v17, v14  }
0xe1: {  	vm0 =	vgt.s32 v17, v13  }
0xe2: {  	v17 =	vsel vm0, v17, v13  }
0xe3: {  	vm0 =	vgt.s32 v17, v12  }
0xe4: {  	v17 =	vsel vm0, v17, v12  }
0xe5: {  	vm0 =	vgt.s32 v17, v11  }
0xe6: {  	v17 =	vsel vm0, v17, v11  }
0xe7: {  	vm0 =	vgt.s32 v17, v10  }
0xe8: {  	v17 =	vsel vm0, v17, v10  }
0xe9: {  	vm0 =	vgt.s32 v17, v9  }
0xea: {  	v17 =	vsel vm0, v17, v9  }
0xeb: {  	(xrf0) =	vadd.scan.msk.s32 $0xffff, v18;
	v17 =	vxor.u32 $0x80000000, v17  }
0xec: {  	(xrf0) =	vmax.scan.msk.u32 $0xffff, v17;
	_ =	sdelay $0x4  }
0xed: {  	v17, _, _ =	vpop (xrf0)  }
0xee: {  	(v2sf) =	vpush v17, $0xF;
	v17, _, _ =	vpop (xrf0)  }
0xef: {  	(v2sf) =	vpush v17, $0xF;
	_ =	sdelay $0xd  }
0xf0: {  	s19 =	spop (v2sf)  }
0xf1: {  	s20 =	spop (v2sf)  }
0xf2: {  	s20 =	sxor.u32 $0x80000000, s20  }
0xf3: {  	p0 =	sgt.s32 s20, $0xE0  }
.Ltmp6:
0xf4: {  	_ = 	snop;
	(pc) =	sbr.rel @!p0 .LBB2_10-.Ltmp6, $2  }
0xf5: {  	_ =	sdelay $0x2  }
0xf6: {  	s21 =	simm.s32 $0x0  }
.LBB2_22:
0xf7: {  	s23 =	simm.s32 $0x0  }
0xf8: {  	v10 =	vld [tilespmem:s23+$0x0]  }
0xf9: {  	s19 =	sshrl.u32 s12, s21;
	v12 =	vld [tilespmem:s23+$0x10]  }
0xfa: {  	s19 =	sor.u32 s19, s18;
	v14 =	vld [tilespmem:s23+$0x20]  }
0xfb: {  	v13 =	vld [tilespmem:s23+$0x30];
	s20 =	sxor.u32 $0x80000000, s19  }
0xfc: {  	v11 =	vld [tilespmem:s23+$0x40];
	v9 =	vmov s20  }
0xfd: {  	vm0 =	vge.s32 v10, v9;
	v10 =	vld [tilespmem:s23+$0x50]  }
0xfe: {  	v15 =	vimm.s32 $0x0;
	v16 =	vsel vm0, $0x1, v1;
	vm0 =	vge.s32 v12, v9;
	v12 =	vld [tilespmem:s23+$0x60]  }
0xff: {  	s22 =	simm.s32 $0x400;
	s20 =	simm.s32 $0x80;
	v15 =	vadd.s32 v16, v15;
	v16 =	vsel vm0, $0x1, v1;
	vm0 =	vge.s32 v14, v9;
	v14 =	vld [tilespmem:s23+$0x70]  }
.LBB2_23:
0x100: {  	p0 =	sne.s32 s22, $0x30E00;
	v17 =	vld [tilespmem:s20+$0x0];
	v15 =	vadd.s32 v16, v15;
	v16 =	vsel vm0, $0x1, v1;
	vm0 =	vge.s32 v13, v9  }
0x101: {  	v18 =	vld [tilespmem:s20+$0x10];
	v13 =	vadd.s32 v16, v15;
	v15 =	vsel vm0, $0x1, v1;
	vm0 =	vge.s32 v11, v9  }
0x102: {  	v19 =	vld [tilespmem:s20+$0x20];
	v11 =	vadd.s32 v15, v13;
	v15 =	vsel vm0, $0x1, v1;
	vm0 =	vge.s32 v10, v9  }
.Ltmp7:
0x103: {  	v13 =	vld [tilespmem:s20+$0x30];
	v10 =	vadd.s32 v15, v11;
	v15 =	vsel vm0, $0x1, v1;
	vm0 =	vge.s32 v12, v9;
	(pc) =	sbr.rel @p0 .LBB2_23-.Ltmp7, $4  }
0x104: {  	v11 =	vld [tilespmem:s20+$0x40];
	v12 =	vadd.s32 v15, v10;
	v15 =	vsel vm0, $0x1, v1;
	vm0 =	vge.s32 v14, v9  }
0x105: {  	vm1 =	vge.s32 v17, v9;
	v10 =	vld [tilespmem:s20+$0x50];
	v14 =	vadd.s32 v15, v12;
	v15 =	vsel vm0, $0x1, v1  }
0x106: {  	v16 =	vsel vm1, $0x1, v1;
	vm0 =	vge.s32 v18, v9;
	v12 =	vld [tilespmem:s20+$0x60];
	v14 =	vadd.s32 v15, v14  }
0x107: {  	v15 =	vadd.s32 v16, v14;
	v16 =	vsel vm0, $0x1, v1;
	vm0 =	vge.s32 v19, v9;
	v14 =	vld [tilespmem:s20+$0x70];
	s20 =	sshra.s32 s22, $0x2;
	s22 =	sadd.s32 $0x200, s22  }
0x108: {  	v17 =	vld [tilespmem:s20+$0x0];
	v15 =	vadd.s32 v16, v15;
	v49 =	vsel vm0, $0x1, v1;
	vm4 =	vge.s32 v13, v9  }
0x109: {  	v50 =	vld [tilespmem:s20+$0x10];
	v15 =	vadd.s32 v49, v15;
	v51 =	vsel vm4, $0x1, v1;
	vm5 =	vge.s32 v11, v9  }
0x10a: {  	v11 =	vld [tilespmem:s20+$0x20];
	v15 =	vadd.s32 v51, v15;
	v52 =	vsel vm5, $0x1, v1;
	vm6 =	vge.s32 v10, v9  }
0x10b: {  	v10 =	vld [tilespmem:s20+$0x30];
	v15 =	vadd.s32 v52, v15;
	v53 =	vsel vm6, $0x1, v1;
	vm7 =	vge.s32 v12, v9  }
0x10c: {  	v54 =	vld [tilespmem:s20+$0x40];
	v15 =	vadd.s32 v53, v15;
	v55 =	vsel vm7, $0x1, v1;
	vm8 =	vge.s32 v14, v9  }
0x10d: {  	v56 =	vld [tilespmem:s20+$0x50];
	vm1 =	vge.s32 v17, v9;
	v15 =	vadd.s32 v55, v15;
	v57 =	vsel vm8, $0x1, v1  }
0x10e: {  	v58 =	vld [tilespmem:s20+$0x60];
	vm9 =	vge.s32 v50, v9;
	v17 =	vsel vm1, $0x1, v1;
	v15 =	vadd.s32 v57, v15  }
0x10f: {  	v59 =	vsel vm9, $0x1, v1;
	vm10 =	vge.s32 v11, v9;
	v11 =	vld [tilespmem:s20+$0x70];
	v15 =	vadd.s32 v17, v15  }
0x110: {  	v60 =	vsel vm10, $0x1, v1;
	vm11 =	vge.s32 v10, v9;
	v15 =	vadd.s32 v59, v15  }
0x111: {  	vm12 =	vge.s32 v54, v9;
	v61 =	vsel vm11, $0x1, v1;
	v10 =	vadd.s32 v60, v15  }
0x112: {  	vm13 =	vge.s32 v56, v9;
	v12 =	vsel vm12, $0x1, v1;
	v10 =	vadd.s32 v61, v10  }
0x113: {  	vm14 =	vge.s32 v58, v9;
	v62 =	vsel vm13, $0x1, v1;
	v10 =	vadd.s32 v12, v10  }
0x114: {  	v63 =	vsel vm14, $0x1, v1;
	vm15 =	vge.s32 v11, v9;
	v10 =	vadd.s32 v62, v10  }
0x115: {  	v9 =	vadd.s32 v63, v10;
	v10 =	vsel vm15, $0x1, v1  }
0x116: {  	v9 =	vadd.s32 v10, v9  }
0x117: {  	(xrf0) =	vadd.scan.msk.s32 $0xffff, v9;
	_ =	sdelay $0x5  }
0x118: {  	v9, _, _ =	vpop (xrf0)  }
0x119: {  	(v2sf) =	vpush v9, $0xF;
	_ =	sdelay $0xe  }
0x11a: {  	s31 =	spop (v2sf)  }
0x11b: {  	s21 =	sadd.s32 $0x1, s21;
	p0 =	slt.s32 s31, s17  }
0x11c: {  	s19 =	smov.u32 @p0 s18;
	p0 =	sne.s32 s21, $0x18  }
.Ltmp8:
0x11d: {  	_ = 	snop;
	(pc) =	sbr.rel @p0 .LBB2_22-.Ltmp8, $2  }
0x11e: {  	_ =	sdelay $0x2  }
0x11f: {  	s18 =	smov.u32 s19  }
0x120: {  	s20 =	simm.s32 $0x0  }
0x121: {  	v11 =	vld [tilespmem:s20+$0x70]  }
0x122: {  	v18 =	vld [tilespmem:s20+$0x60]  }
0x123: {  	v13 =	vld [tilespmem:s20+$0x50]  }
0x124: {  	v12 =	vld [tilespmem:s20+$0x40]  }
0x125: {  	v16 =	vld [tilespmem:s20+$0x30]  }
0x126: {  	s18 =	sxor.u32 $0x80000000, s19;
	v15 =	vld [tilespmem:s20+$0x20]  }
0x127: {  	v9 =	vmov s18;
	v14 =	vld [tilespmem:s20+$0x10]  }
0x128: {  	v10 =	vimm.s32 $0x0;
	v17 =	vld [tilespmem:s20+$0x0];
	vm0 =	vgt.s32 v11, v9;
	vm4 =	vgt.s32 v18, v9  }
0x129: {  	s19 =	simm.s32 $0x200;
	vm2 =	vge.s32 v18, v9;
	vm1 =	vge.s32 v11, v9;
	v11 =	vimm.s32 $0x0  }
.LBB2_26:
0x12a: {  	p0 =	sne.s32 s19, $0x30E00;
	vm7 =	vgt.s32 v12, v9;
	vm8 =	vgt.s32 v13, v9;
	vm3 =	vge.s32 v13, v9  }
0x12b: {  	vm9 =	vgt.s32 v16, v9;
	vm6 =	vge.s32 v16, v9;
	vm5 =	vge.s32 v12, v9  }
0x12c: {  	vm11 =	vgt.s32 v15, v9;
	vm12 =	vge.s32 v15, v9;
	vm10 =	vgt.s32 v14, v9  }
0x12d: {  	vm15 =	vge.s32 v14, v9;
	vm13 =	vgt.s32 v17, v9;
	vm14 =	vge.s32 v17, v9  }
0x12e: {  	v18 =	vsel vm0, $0x1, v1;
	v14 =	vsel vm8, $0x1, v1;
	v17 =	vsel vm4, $0x1, v1  }
0x12f: {  	v15 =	vsel vm9, $0x1, v1;
	v19 =	vsel vm7, $0x1, v1;
	v12 =	vsel vm11, $0x1, v1  }
0x130: {  	s20 =	sshra.s32 s19, $0x2;
	v20 =	vsel vm10, $0x1, v1;
	v13 =	vsel vm13, $0x1, v1;
	v16 =	vsel vm14, $0x1, v1  }
0x131: {  	v10 =	vadd.s32 v13, v10;
	v11 =	vadd.s32 v16, v11;
	v13 =	vsel vm15, $0x1, v1;
	v21 =	vld [tilespmem:s20+$0x70]  }
0x132: {  	v16 =	vsel vm12, $0x1, v1;
	v10 =	vadd.s32 v20, v10;
	v11 =	vadd.s32 v13, v11;
	v22 =	vld [tilespmem:s20+$0x60]  }
0x133: {  	v10 =	vadd.s32 v12, v10;
	v11 =	vadd.s32 v16, v11;
	v16 =	vsel vm6, $0x1, v1;
	v13 =	vld [tilespmem:s20+$0x50]  }
0x134: {  	v10 =	vadd.s32 v15, v10;
	v11 =	vadd.s32 v16, v11;
	v15 =	vsel vm5, $0x1, v1;
	v12 =	vld [tilespmem:s20+$0x40]  }
.Ltmp9:
0x135: {  	v10 =	vadd.s32 v19, v10;
	v11 =	vadd.s32 v15, v11;
	v19 =	vsel vm3, $0x1, v1;
	v16 =	vld [tilespmem:s20+$0x30];
	(pc) =	sbr.rel @p0 .LBB2_26-.Ltmp9, $4  }
0x136: {  	v10 =	vadd.s32 v14, v10;
	v11 =	vadd.s32 v19, v11;
	v19 =	vsel vm2, $0x1, v1;
	v15 =	vld [tilespmem:s20+$0x20]  }
0x137: {  	v10 =	vadd.s32 v17, v10;
	v11 =	vadd.s32 v19, v11;
	v19 =	vsel vm1, $0x1, v1;
	v14 =	vld [tilespmem:s20+$0x10]  }
0x138: {  	vm0 =	vgt.s32 v21, v9;
	v10 =	vadd.s32 v18, v10;
	v11 =	vadd.s32 v19, v11;
	v17 =	vld [tilespmem:s20+$0x0]  }
0x139: {  	s19 =	sadd.s32 $0x200, s19;
	vm1 =	vge.s32 v21, v9;
	vm4 =	vgt.s32 v22, v9;
	vm2 =	vge.s32 v22, v9  }
0x13a: {  	vm5 =	vgt.s32 v12, v9  }
0x13b: {  	vm6 =	vgt.s32 v13, v9;
	vm3 =	vge.s32 v13, v9;
	vm7 =	vgt.s32 v16, v9  }
0x13c: {  	vm8 =	vge.s32 v16, v9;
	vm9 =	vge.s32 v12, v9;
	v53 =	vsel vm4, $0x1, v1  }
0x13d: {  	v54 =	vsel vm0, $0x1, v1;
	vm11 =	vgt.s32 v15, v9;
	vm12 =	vge.s32 v15, v9  }
0x13e: {  	v56 =	vsel vm7, $0x1, v1;
	v57 =	vsel vm5, $0x1, v1;
	v61 =	vsel vm8, $0x1, v1  }
0x13f: {  	vm10 =	vgt.s32 v14, v9;
	vm15 =	vge.s32 v14, v9;
	vm13 =	vgt.s32 v17, v9  }
0x140: {  	v55 =	vsel vm11, $0x1, v1;
	vm14 =	vge.s32 v17, v9;
	v58 =	vsel vm13, $0x1, v1  }
0x141: {  	v19 =	vsel vm10, $0x1, v1;
	v18 =	vsel vm14, $0x1, v1;
	v10 =	vadd.s32 v58, v10  }
0x142: {  	v59 =	vsel vm15, $0x1, v1;
	v11 =	vadd.s32 v18, v11;
	v10 =	vadd.s32 v19, v10  }
0x143: {  	v60 =	vsel vm12, $0x1, v1;
	v11 =	vadd.s32 v59, v11;
	v10 =	vadd.s32 v55, v10  }
0x144: {  	v62 =	vsel vm9, $0x1, v1;
	v11 =	vadd.s32 v60, v11;
	v10 =	vadd.s32 v56, v10  }
0x145: {  	v9 =	vsel vm6, $0x1, v1;
	v11 =	vadd.s32 v61, v11;
	v10 =	vadd.s32 v57, v10  }
0x146: {  	v63 =	vsel vm3, $0x1, v1;
	v11 =	vadd.s32 v62, v11;
	v9 =	vadd.s32 v9, v10  }
0x147: {  	v10 =	vadd.s32 v63, v11;
	v11 =	vsel vm2, $0x1, v1;
	v9 =	vadd.s32 v53, v9  }
0x148: {  	v10 =	vadd.s32 v11, v10;
	v11 =	vsel vm1, $0x1, v1;
	v9 =	vadd.s32 v54, v9  }
0x149: {  	v10 =	vadd.s32 v11, v10;
	(xrf0) =	vadd.scan.msk.s32 $0xffff, v9  }
0x14a: {  	(xrf0) =	vadd.scan.msk.s32 $0xffff, v10;
	_ =	sdelay $0x4  }
0x14b: {  	v9, _, _ =	vpop (xrf0)  }
0x14c: {  	(v2sf) =	vpush v9, $0xF;
	v9, _, _ =	vpop (xrf0)  }
0x14d: {  	(v2sf) =	vpush v9, $0xF;
	_ =	sdelay $0xa  }
.Ltmp10:
0x14e: {  	_ = 	snop;
	(pc) =	sbr.rel .LBB2_28-.Ltmp10, $3  }
0x14f: {  	_ =	sdelay $0x1  }
0x150: {  	s20 =	spop (v2sf)  }
0x151: {  	s19 =	spop (v2sf)  }
.LBB2_11:
0x152: {  	v17 =	vimm.s32 $0x0  }
.LBB2_15:
0x153: {  	(xrf0) =	vadd.scan.msk.s32 $0xffff, v17;
	_ =	sdelay $0x5  }
0x154: {  	v17, _, _ =	vpop (xrf0)  }
0x155: {  	(v2sf) =	vpush v17, $0xF;
	_ =	sdelay $0xe  }
0x156: {  	s23 =	spop (v2sf)  }
0x157: {  	s23 =	sadd.s32 s19, s23  }
0x158: {  	s21 =	sadd.s32 $0x1, s21;
	p1 =	slt.s32 s23, s17  }
0x159: {  	s22 =	smov.u32 @p1 s18;
	p1 =	sne.s32 s21, $0x18  }
.Ltmp11:
0x15a: {  	_ = 	snop;
	(pc) =	sbr.rel @!p1 .LBB2_16-.Ltmp11, $2  }
0x15b: {  	_ =	sdelay $0x2  }
0x15c: {  	s18 =	smov.u32 s22  }
.LBB2_10:
0x15d: {  	p0 =	slt.s32 s20, $0x1  }
.Ltmp12:
0x15e: {  	_ = 	snop;
	(pc) =	sbr.rel @p0 .LBB2_11-.Ltmp12, $3  }
0x15f: {  	_ =	sdelay $0x1  }
0x160: {  	s22 =	sshrl.u32 s12, s21  }
0x161: {  	s22 =	sor.u32 s22, s18  }
0x162: {  	s23 =	simm.s32 $0x18840  }
0x163: {  	v18 =	vld [tilespmem:s23+$0x30]  }
0x164: {  	v19 =	vld [tilespmem:s23+$0x20]  }
0x165: {  	v20 =	vld [tilespmem:s23+$0x10]  }
0x166: {  	v21 =	vld [tilespmem:s23+$0x0]  }
0x167: {  	s24 =	simm.s32 $0x0;
	v22 =	vld [tilespmem:s23+$0xFFFFFFF0]  }
0x168: {  	s31 =	sxor.u32 $0x80000000, s22;
	v23 =	vmov s24;
	v24 =	vld [tilespmem:s23+$0xFFFFFFC0]  }
0x169: {  	v25 =	vimm.s32 $0x0;
	v17 =	vmov s31;
	v26 =	vld [tilespmem:s23+$0xFFFFFFD0];
	vm1 =	vlt.s32 v23, v9  }
0x16a: {  	v27 =	vld [tilespmem:s23+$0xFFFFFFE0];
	vm5 =	vlt.s32 v23, v12;
	vm3 =	vlt.s32 v23, v11;
	vm2 =	vlt.s32 v23, v10  }
0x16b: {  	p1 =	sne.s32 s20, $0x1;
	vm10 =	vlt.s32 v23, v15;
	vm11 =	vlt.s32 v23, v14;
	vm7 =	vlt.s32 v23, v13  }
.Ltmp13:
0x16c: {  	vm9 =	vlt.s32 v23, v16;
	vm6 =	vge.s32 v19, v17;
	vm4 =	vge.s32 v18, v17;
	(pc) =	sbr.rel @!p1 .LBB2_14-.Ltmp13, $4  }
0x16d: {  	vm12 =	vge.s32 v24, v17;
	vm8 =	vge.s32 v21, v17;
	vm0 =	vge.s32 v20, v17  }
0x16e: {  	vm13 =	vge.s32 v26, v17;
	vm12 =	vmand vm9, vm12;
	vm9 =	vge.s32 v22, v17  }
0x16f: {  	vm10 =	vmand vm10, vm13;
	v18 =	vsel vm12, $0x1, v1;
	vm12 =	vge.s32 v27, v17  }
0x170: {  	s23 =	simm.s32 $0x1;
	s24 =	simm.s32 $0x188C0;
	v19 =	vsel vm10, $0x1, v1;
	v18 =	vadd.s32 v18, v25;
	vm10 =	vmand vm11, vm12  }
.LBB2_13:
0x171: {  	v20 =	vld [tilespmem:s24+$0x30];
	v18 =	vadd.s32 v19, v18;
	v19 =	vsel vm10, $0x1, v1;
	vm7 =	vmand vm7, vm9  }
0x172: {  	vm5 =	vmand vm5, vm8;
	v21 =	vld [tilespmem:s24+$0x20];
	v18 =	vadd.s32 v19, v18;
	v19 =	vsel vm7, $0x1, v1  }
0x173: {  	vm0 =	vmand vm3, vm0;
	v22 =	vld [tilespmem:s24+$0x10];
	v18 =	vadd.s32 v19, v18;
	v19 =	vsel vm5, $0x1, v1  }
0x174: {  	v23 =	vld [tilespmem:s24+$0x0];
	v18 =	vadd.s32 v19, v18;
	v19 =	vsel vm0, $0x1, v1;
	vm0 =	vmand vm2, vm6  }
0x175: {  	v24 =	vld [tilespmem:s24+$0xFFFFFFF0];
	v18 =	vadd.s32 v19, v18;
	v19 =	vsel vm0, $0x1, v1;
	vm0 =	vmand vm1, vm4  }
0x176: {  	v26 =	vmov s23;
	s23 =	sadd.s32 $0x1, s23;
	v25 =	vld [tilespmem:s24+$0xFFFFFFC0];
	v18 =	vadd.s32 v19, v18;
	v19 =	vsel vm0, $0x1, v1  }
0x177: {  	p1 =	sne.s32 s20, s23;
	vm1 =	vlt.s32 v26, v9;
	v27 =	vld [tilespmem:s24+$0xFFFFFFD0];
	v18 =	vadd.s32 v19, v18  }
0x178: {  	vm3 =	vlt.s32 v26, v11;
	vm5 =	vlt.s32 v26, v12;
	vm2 =	vlt.s32 v26, v10;
	v19 =	vld [tilespmem:s24+$0xFFFFFFE0]  }
0x179: {  	vm10 =	vlt.s32 v26, v15;
	vm11 =	vlt.s32 v26, v14;
	vm7 =	vlt.s32 v26, v13  }
.Ltmp14:
0x17a: {  	vm9 =	vlt.s32 v26, v16;
	vm4 =	vge.s32 v20, v17;
	vm6 =	vge.s32 v21, v17;
	(pc) =	sbr.rel @p1 .LBB2_13-.Ltmp14, $4  }
0x17b: {  	vm0 =	vge.s32 v22, v17;
	vm8 =	vge.s32 v23, v17;
	vm12 =	vge.s32 v25, v17  }
0x17c: {  	vm12 =	vmand vm9, vm12;
	vm13 =	vge.s32 v27, v17;
	vm9 =	vge.s32 v24, v17  }
0x17d: {  	v20 =	vsel vm12, $0x1, v1;
	vm10 =	vmand vm10, vm13;
	vm12 =	vge.s32 v19, v17  }
0x17e: {  	s24 =	sadd.s32 $0x80, s24;
	v18 =	vadd.s32 v20, v18;
	v19 =	vsel vm10, $0x1, v1;
	vm10 =	vmand vm11, vm12  }
.LBB2_14:
0x17f: {  	v17 =	vadd.s32 v19, v18;
	v18 =	vsel vm10, $0x1, v1;
	vm7 =	vmand vm7, vm9  }
0x180: {  	vm5 =	vmand vm5, vm8;
	v17 =	vadd.s32 v18, v17;
	v18 =	vsel vm7, $0x1, v1  }
.Ltmp15:
0x181: {  	vm0 =	vmand vm3, vm0;
	v17 =	vadd.s32 v18, v17;
	v18 =	vsel vm5, $0x1, v1;
	(pc) =	sbr.rel .LBB2_15-.Ltmp15, $4  }
0x182: {  	vm14 =	vmand vm2, vm6;
	v17 =	vadd.s32 v18, v17;
	v18 =	vsel vm0, $0x1, v1  }
0x183: {  	vm15 =	vmand vm1, vm4;
	v17 =	vadd.s32 v18, v17;
	v18 =	vsel vm14, $0x1, v1  }
0x184: {  	v17 =	vadd.s32 v18, v17;
	v18 =	vsel vm15, $0x1, v1  }
0x185: {  	v17 =	vadd.s32 v18, v17  }
.LBB2_16:
.Ltmp16:
0x186: {  	(pc) =	sbr.rel @p0 .LBB2_17-.Ltmp16, $2  }
0x187: {  	_ =	sdelay $0x2  }
0x188: {  	s18 =	sxor.u32 $0x80000000, s22  }
0x189: {  	s21 =	simm.s32 $0x18840  }
0x18a: {  	v18 =	vld [tilespmem:s21+$0x30]  }
0x18b: {  	s22 =	simm.s32 $0x0;
	v19 =	vld [tilespmem:s21+$0x20]  }
0x18c: {  	v20 =	vld [tilespmem:s21+$0x10];
	v21 =	vmov s22  }
0x18d: {  	v17 =	vmov s18;
	v27 =	vimm.s32 $0x0;
	v22 =	vld [tilespmem:s21+$0x0];
	vm1 =	vlt.s32 v21, v9  }
0x18e: {  	v23 =	vld [tilespmem:s21+$0xFFFFFFE0];
	vm4 =	vlt.s32 v21, v12;
	vm3 =	vlt.s32 v21, v11;
	vm2 =	vlt.s32 v21, v10  }
0x18f: {  	v24 =	vld [tilespmem:s21+$0xFFFFFFF0];
	vm0 =	vlt.s32 v21, v15;
	vm5 =	vlt.s32 v21, v14;
	vm6 =	vlt.s32 v21, v13  }
0x190: {  	vm7 =	vlt.s32 v21, v16;
	vm8 =	vgt.s32 v18, v17;
	vm9 =	vge.s32 v18, v17  }
0x191: {  	vm10 =	vgt.s32 v20, v17;
	vm11 =	vgt.s32 v19, v17;
	vm12 =	vge.s32 v19, v17  }
0x192: {  	vm13 =	vgt.s32 v22, v17;
	vm14 =	vge.s32 v22, v17;
	vm15 =	vge.s32 v20, v17  }
0x193: {  	v18 =	vld [tilespmem:s21+$0xFFFFFFC0];
	vm11 =	vmand vm2, vm11;
	vm2 =	vmand vm2, vm12;
	vm12 =	vgt.s32 v23, v17  }
0x194: {  	v19 =	vld [tilespmem:s21+$0xFFFFFFD0];
	vm8 =	vmand vm1, vm8;
	vm1 =	vmand vm1, vm9;
	vm9 =	vgt.s32 v24, v17  }
0x195: {  	vm10 =	vmand vm3, vm10;
	vm3 =	vmand vm3, vm15;
	vm15 =	vge.s32 v24, v17  }
0x196: {  	vm13 =	vmand vm4, vm13;
	vm4 =	vmand vm4, vm14;
	vm9 =	vmand vm6, vm9  }
0x197: {  	vm6 =	vmand vm6, vm15;
	vm15 =	vge.s32 v23, v17;
	vm12 =	vmand vm5, vm12  }
0x198: {  	vm5 =	vmand vm5, vm15;
	vm14 =	vgt.s32 v18, v17;
	vm15 =	vge.s32 v18, v17  }
0x199: {  	vm14 =	vmand vm7, vm14;
	vm7 =	vmand vm7, vm15;
	vm15 =	vgt.s32 v19, v17  }
0x19a: {  	v20 =	vimm.s32 $0x0;
	vm15 =	vmand vm0, vm15;
	v24 =	vsel vm14, $0x1, v1  }
0x19b: {  	v20 =	vsel vm4, $0xFFFFFFFF, v20;
	v26 =	vsel vm15, $0x1, v1;
	v24 =	vadd.s32 v24, v27  }
0x19c: {  	[tilespmem:$0x1FFF0] =	vst v20;
	v22 =	vsel vm12, $0x1, v1;
	v24 =	vadd.s32 v26, v24  }
0x19d: {  	v24 =	vadd.s32 v22, v24;
	v22 =	vld [tilespmem:$0x1FFF0]  }
0x19e: {  	p0 =	sne.s32 s20, $0x1;
	v21 =	vsel vm13, $0x1, v1;
	v20 =	vsel vm10, $0x1, v1;
	vm4 =	vge.s32 v19, v17  }
.Ltmp17:
0x19f: {  	v23 =	vsel vm9, $0x1, v1;
	vm0 =	vmand vm0, vm4;
	v25 =	vsel vm7, $0x1, v1;
	(pc) =	sbr.rel @!p0 .LBB2_20-.Ltmp17, $4  }
0x1a0: {  	v18 =	vsel vm8, $0x1, v1;
	v28 =	vsel vm0, $0x1, v1;
	v25 =	vadd.s32 v25, v27  }
0x1a1: {  	v19 =	vsel vm11, $0x1, v1;
	v27 =	vsel vm5, $0x1, v1;
	v25 =	vadd.s32 v28, v25  }
0x1a2: {  	v26 =	vsel vm6, $0x1, v1;
	v25 =	vadd.s32 v27, v25;
	vm0 =	vnez.u8 v22  }
0x1a3: {  	s22 =	simm.s32 $0x188C0;
	s21 =	simm.s32 $0x1;
	v23 =	vadd.s32 v23, v24;
	v24 =	vadd.s32 v26, v25;
	v22 =	vsel vm0, $0x1, v1  }
.LBB2_19:
0x1a4: {  	v21 =	vadd.s32 v21, v23;
	v22 =	vadd.s32 v22, v24;
	v23 =	vsel vm3, $0x1, v1  }
0x1a5: {  	v20 =	vadd.s32 v20, v21;
	v21 =	vadd.s32 v23, v22;
	v22 =	vsel vm2, $0x1, v1  }
0x1a6: {  	v19 =	vadd.s32 v19, v20;
	v20 =	vadd.s32 v22, v21  }
0x1a7: {  	v25 =	vld [tilespmem:s22+$0x30];
	v21 =	vsel vm1, $0x1, v1;
	v22 =	vmov s21;
	v27 =	vadd.s32 v18, v19  }
0x1a8: {  	v28 =	vadd.s32 v21, v20;
	vm1 =	vlt.s32 v22, v9;
	vm0 =	vlt.s32 v22, v12  }
0x1a9: {  	v23 =	vld [tilespmem:s22+$0x10];
	v20 =	vimm.s32 $0x0;
	vm3 =	vlt.s32 v22, v11;
	vm2 =	vlt.s32 v22, v10  }
0x1aa: {  	v26 =	vld [tilespmem:s22+$0x0];
	v21 =	vimm.s32 $0x0;
	vm5 =	vlt.s32 v22, v14;
	vm7 =	vlt.s32 v22, v13  }
0x1ab: {  	v18 =	vld [tilespmem:s22+$0xFFFFFFF0];
	vm6 =	vlt.s32 v22, v16;
	v20 =	vsel vm0, $0xFFFFFFFF, v20;
	vm0 =	vlt.s32 v22, v15  }
0x1ac: {  	v19 =	vld [tilespmem:s22+$0xFFFFFFE0];
	v22 =	vimm.s32 $0x0;
	v21 =	vsel vm0, $0xFFFFFFFF, v21;
	vm0 =	vge.s32 v25, v17  }
0x1ad: {  	[tilespmem:$0x1FF60] =	vst v20;
	v20 =	vld [tilespmem:s22+$0xFFFFFFD0];
	v22 =	vsel vm0, $0xFFFFFFFF, v22  }
0x1ae: {  	vm0 =	vgt.s32 v23, v17;
	[tilespmem:$0x1FF50] =	vst v22;
	v22 =	vimm.s32 $0x0  }
0x1af: {  	v22 =	vsel vm0, $0xFFFFFFFF, v22  }
0x1b0: {  	vm0 =	vge.s32 v26, v17;
	[tilespmem:$0x1FF70] =	vst v22;
	v22 =	vimm.s32 $0x0  }
0x1b1: {  	[tilespmem:$0x1FF90] =	vst v21;
	vm9 =	vge.s32 v18, v17;
	v22 =	vsel vm0, $0xFFFFFFFF, v22  }
0x1b2: {  	v21 =	vld [tilespmem:s22+$0xFFFFFFC0];
	vm0 =	vgt.s32 v19, v17;
	vm4 =	vgt.s32 v20, v17;
	[tilespmem:$0x1FF80] =	vst v22;
	v22 =	vimm.s32 $0x0  }
0x1b3: {  	v22 =	vsel vm0, $0xFFFFFFFF, v22;
	vm0 =	vgt.s32 v18, v17;
	v18 =	vimm.s32 $0x0  }
0x1b4: {  	v18 =	vsel vm4, $0xFFFFFFFF, v18  }
0x1b5: {  	vm4 =	vge.s32 v20, v17;
	[tilespmem:$0x1FFA0] =	vst v18;
	v18 =	vimm.s32 $0x0  }
0x1b6: {  	v18 =	vsel vm4, $0xFFFFFFFF, v18  }
0x1b7: {  	vm4 =	vge.s32 v21, v17;
	[tilespmem:$0x1FFD0] =	vst v18;
	v18 =	vimm.s32 $0x0  }
0x1b8: {  	v24 =	vld [tilespmem:s22+$0x20];
	v18 =	vsel vm4, $0xFFFFFFFF, v18  }
0x1b9: {  	[tilespmem:$0x1FFC0] =	vst v18;
	v18 =	vld [tilespmem:$0x1FF50];
	_ =	sdelay $0x3  }
0x1ba: {  	vm11 =	vgt.s32 v24, v17;
	vm12 =	vge.s32 v24, v17  }
0x1bb: {  	vm11 =	vmand vm2, vm11;
	vm4 =	vmand vm2, vm12;
	vm2 =	vnez.u8 v18;
	v18 =	vld [tilespmem:$0x1FF60];
	_ =	sdelay $0x3  }
0x1bc: {  	vm8 =	vgt.s32 v25, v17  }
0x1bd: {  	vm8 =	vmand vm1, vm8;
	vm2 =	vmand vm1, vm2;
	vm1 =	vnez.u8 v18;
	v18 =	vld [tilespmem:$0x1FF70];
	_ =	sdelay $0x3  }
0x1be: {  	vm13 =	vgt.s32 v26, v17  }
0x1bf: {  	vm12 =	vmand vm1, vm13;
	vm13 =	vnez.u8 v18;
	v18 =	vld [tilespmem:$0x1FF80];
	_ =	sdelay $0x3  }
0x1c0: {  	vm15 =	vge.s32 v23, v17  }
0x1c1: {  	vm13 =	vmand vm3, vm13;
	vm3 =	vmand vm3, vm15;
	vm15 =	vnez.u8 v18  }
0x1c2: {  	v18 =	vimm.s32 $0x0;
	vm1 =	vmand vm1, vm15  }
0x1c3: {  	v18 =	vsel vm1, $0xFFFFFFFF, v18  }
0x1c4: {  	[tilespmem:$0x1FFE0] =	vst v18;
	v18 =	vld [tilespmem:$0x1FF90];
	_ =	sdelay $0x4  }
0x1c5: {  	vm1 =	vnez.u8 v18;
	v18 =	vld [tilespmem:$0x1FFA0];
	_ =	sdelay $0x3  }
0x1c6: {  	[tilespmem:$0x1FFB0] =	vst v22  }
0x1c7: {  	vm15 =	vnez.u8 v18;
	v18 =	vld [tilespmem:$0x1FFB0];
	_ =	sdelay $0x3  }
0x1c8: {  	vm0 =	vmand vm7, vm0  }
0x1c9: {  	vm7 =	vmand vm7, vm9;
	vm9 =	vmand vm1, vm15;
	vm15 =	vnez.u8 v18;
	v18 =	vld [tilespmem:$0x1FFC0];
	_ =	sdelay $0x2  }
0x1ca: {  	vm10 =	vge.s32 v19, v17;
	vm14 =	vgt.s32 v21, v17  }
0x1cb: {  	vm15 =	vmand vm5, vm15;
	vm5 =	vmand vm5, vm10;
	vm10 =	vmand vm6, vm14  }
0x1cc: {  	v24 =	vsel vm10, $0x1, v1;
	vm14 =	vnez.u8 v18;
	v18 =	vld [tilespmem:$0x1FFD0]  }
0x1cd: {  	v26 =	vsel vm9, $0x1, v1;
	v24 =	vadd.s32 v24, v27  }
0x1ce: {  	v22 =	vsel vm15, $0x1, v1;
	v24 =	vadd.s32 v26, v24  }
0x1cf: {  	v23 =	vsel vm0, $0x1, v1;
	v22 =	vadd.s32 v22, v24  }
0x1d0: {  	s21 =	sadd.s32 $0x1, s21;
	v19 =	vsel vm11, $0x1, v1;
	v23 =	vadd.s32 v23, v22;
	v22 =	vld [tilespmem:$0x1FFE0]  }
0x1d1: {  	p0 =	sne.s32 s20, s21;
	v21 =	vsel vm12, $0x1, v1;
	vm6 =	vmand vm6, vm14;
	vm14 =	vnez.u8 v18  }
.Ltmp18:
0x1d2: {  	v20 =	vsel vm13, $0x1, v1;
	v25 =	vsel vm6, $0x1, v1;
	vm14 =	vmand vm1, vm14;
	(pc) =	sbr.rel @p0 .LBB2_19-.Ltmp18, $4  }
0x1d3: {  	v26 =	vsel vm5, $0x1, v1;
	v25 =	vadd.s32 v25, v28;
	v27 =	vsel vm14, $0x1, v1  }
0x1d4: {  	v18 =	vsel vm8, $0x1, v1;
	vm1 =	vmmov vm2;
	v25 =	vadd.s32 v27, v25  }
0x1d5: {  	vm0 =	vnez.u8 v22;
	v24 =	vadd.s32 v26, v25;
	v25 =	vsel vm7, $0x1, v1  }
0x1d6: {  	s22 =	sadd.s32 $0x80, s22;
	vm2 =	vmmov vm4;
	v22 =	vsel vm0, $0x1, v1;
	v24 =	vadd.s32 v25, v24  }
.LBB2_20:
.Ltmp19:
0x1d7: {  	(pc) =	sbr.rel .LBB2_21-.Ltmp19, $4  }
0x1d8: {  	v9 =	vadd.s32 v21, v23;
	v10 =	vadd.s32 v22, v24;
	v11 =	vsel vm3, $0x1, v1  }
0x1d9: {  	v9 =	vadd.s32 v20, v9;
	v10 =	vadd.s32 v11, v10;
	v11 =	vsel vm2, $0x1, v1  }
0x1da: {  	v9 =	vadd.s32 v19, v9;
	v10 =	vadd.s32 v11, v10;
	v11 =	vsel vm1, $0x1, v1  }
0x1db: {  	v9 =	vadd.s32 v18, v9;
	v10 =	vadd.s32 v11, v10  }
.LBB2_17:
0x1dc: {  	v9 =	vimm.s32 $0x0;
	v10 =	vimm.s32 $0x0  }
.LBB2_21:
0x1dd: {  	(xrf0) =	vadd.scan.msk.s32 $0xffff, v9  }
0x1de: {  	(xrf0) =	vadd.scan.msk.s32 $0xffff, v10;
	_ =	sdelay $0x4  }
0x1df: {  	v9, _, _ =	vpop (xrf0)  }
0x1e0: {  	(v2sf) =	vpush v9, $0xF;
	v9, _, _ =	vpop (xrf0)  }
0x1e1: {  	(v2sf) =	vpush v9, $0xF;
	_ =	sdelay $0xd  }
0x1e2: {  	s20 =	spop (v2sf)  }
0x1e3: {  	s21 =	spop (v2sf)  }
0x1e4: {  	s20 =	sadd.s32 s19, s20;
	s19 =	sadd.s32 s19, s21  }
.LBB2_28:
0x1e5: {  	p0 =	seq.s32 s19, s17  }
.Ltmp20:
0x1e6: {  	_ = 	snop;
	(pc) =	sbr.rel @p0 .LBB2_37-.Ltmp20, $1  }
0x1e7: {  	_ =	sdelay $0x3  }
0x1e8: {  	s17 =	ssub.s32 s17, s20;
	v9 =	vmov s18;
	s21 =	simm.s32 $0x0;
	s19 =	simm.s32 $0x0  }
.LBB2_30:
0x1e9: {  	s22 =	simm.s32 $0x40  }
0x1ea: {  	v11 =	vld [tilespmem:s22+$0x30]  }
0x1eb: {  	v13 =	vld [tilespmem:s22+$0x20]  }
0x1ec: {  	s20 =	sshrl.u32 s15, s19;
	s23 =	simm.s32 $0x70;
	v12 =	vld [tilespmem:s22+$0x10]  }
0x1ed: {  	s25 =	simm.s32 $0x60;
	v14 =	vimm.s32 $0x0;
	s31 =	simm.s32 $0x30;
	s20 =	sor.u32 s20, s21;
	v15 =	vld [tilespmem:s22+$0x0];
	v17 =	vor.u32 s23, v0  }
0x1ee: {  	s28 =	simm.s32 $0x50;
	s24 =	simm.s32 $0x20;
	s29 =	simm.s32 $0x40;
	v16 =	vld [tilespmem:s22+$0xFFFFFFF0];
	v18 =	vor.u32 s25, v0;
	v19 =	vor.u32 s31, v0;
	v10 =	vmov s20  }
0x1ef: {  	s26 =	simm.s32 $0x10;
	s25 =	simm.s32 $0x0;
	v20 =	vor.u32 s29, v0;
	v21 =	vor.u32 s28, v0;
	s23 =	simm.s32 $0xF0;
	vm1 =	vlt.s32 v17, v10;
	v17 =	vld [tilespmem:s22+$0xFFFFFFC0]  }
.LBB2_31:
0x1f0: {  	p0 =	sne.s32 s23, $0xC3F0;
	v22 =	vor.u32 s25, v0;
	v23 =	vld [tilespmem:s22+$0xFFFFFFD0];
	v24 =	vor.u32 s26, v0;
	v25 =	vor.u32 s24, v0  }
0x1f1: {  	vm5 =	vlt.s32 v20, v10;
	vm3 =	vlt.s32 v21, v10;
	vm0 =	vlt.s32 v18, v10;
	v26 =	vld [tilespmem:s22+$0xFFFFFFE0]  }
0x1f2: {  	vm8 =	vlt.s32 v19, v10;
	vm6 =	vlt.s32 v24, v10;
	vm7 =	vlt.s32 v25, v10  }
0x1f3: {  	vm4 =	veq.s32 v13, v9;
	vm2 =	veq.s32 v11, v9;
	vm9 =	vlt.s32 v22, v10  }
0x1f4: {  	vm12 =	veq.s32 v12, v9;
	vm11 =	veq.s32 v15, v9;
	vm10 =	veq.s32 v17, v9  }
0x1f5: {  	vm13 =	veq.s32 v16, v9;
	vm9 =	vmand vm9, vm10;
	vm10 =	veq.s32 v23, v9  }
0x1f6: {  	v11 =	vsel vm9, $0x1, v1;
	vm6 =	vmand vm6, vm10;
	vm9 =	veq.s32 v26, v9  }
0x1f7: {  	v11 =	vadd.s32 v11, v14;
	v12 =	vsel vm6, $0x1, v1;
	vm6 =	vmand vm7, vm9  }
0x1f8: {  	v11 =	vadd.s32 v12, v11;
	v12 =	vsel vm6, $0x1, v1;
	vm6 =	vmand vm8, vm13  }
0x1f9: {  	s22 =	sadd.s32 $0x80, s22;
	vm5 =	vmand vm5, vm11;
	v12 =	vadd.s32 v12, v11;
	v13 =	vsel vm6, $0x1, v1  }
0x1fa: {  	vm3 =	vmand vm3, vm12;
	v14 =	vsel vm5, $0x1, v1;
	v11 =	vld [tilespmem:s22+$0x30];
	v12 =	vadd.s32 v13, v12  }
.Ltmp21:
0x1fb: {  	vm0 =	vmand vm0, vm4;
	v15 =	vsel vm3, $0x1, v1;
	v13 =	vld [tilespmem:s22+$0x20];
	v14 =	vadd.s32 v14, v12;
	(pc) =	sbr.rel @p0 .LBB2_31-.Ltmp21, $4  }
0x1fc: {  	v16 =	vsel vm0, $0x1, v1;
	vm0 =	vmand vm1, vm2;
	v12 =	vld [tilespmem:s22+$0x10];
	v14 =	vadd.s32 v15, v14  }
0x1fd: {  	s28 =	sadd.s32 $0xFFFFFFE0, s23;
	s25 =	sadd.s32 $0xFFFFFFF0, s23;
	v17 =	vor.u32 s23, v0;
	v19 =	vsel vm0, $0x1, v1;
	v15 =	vld [tilespmem:s22+$0x0];
	v14 =	vadd.s32 v16, v14  }
0x1fe: {  	s24 =	sadd.s32 $0xFFFFFFB0, s23;
	s29 =	sadd.s32 $0xFFFFFFC0, s23;
	s30 =	sadd.s32 $0xFFFFFFD0, s23;
	v18 =	vor.u32 s25, v0;
	vm1 =	vlt.s32 v17, v10;
	v16 =	vld [tilespmem:s22+$0xFFFFFFF0];
	v14 =	vadd.s32 v19, v14  }
0x1ff: {  	s26 =	sadd.s32 $0xFFFFFFA0, s23;
	s25 =	sadd.s32 $0xFFFFFF90, s23;
	v20 =	vor.u32 s30, v0;
	v21 =	vor.u32 s28, v0;
	s23 =	sadd.s32 $0x80, s23;
	v19 =	vor.u32 s29, v0;
	v17 =	vld [tilespmem:s22+$0xFFFFFFC0]  }
0x200: {  	v22 =	vor.u32 s25, v0;
	v23 =	vld [tilespmem:s22+$0xFFFFFFD0];
	v24 =	vor.u32 s26, v0;
	v25 =	vor.u32 s24, v0  }
0x201: {  	v26 =	vld [tilespmem:s22+$0xFFFFFFE0];
	vm0 =	vlt.s32 v20, v10;
	vm2 =	vlt.s32 v21, v10;
	vm3 =	vlt.s32 v18, v10  }
0x202: {  	vm6 =	vlt.s32 v19, v10;
	vm8 =	veq.s32 v13, v9;
	vm9 =	veq.s32 v11, v9  }
0x203: {  	vm4 =	vlt.s32 v24, v10;
	vm5 =	vlt.s32 v25, v10;
	vm7 =	vlt.s32 v22, v10  }
0x204: {  	vm12 =	veq.s32 v12, v9;
	vm11 =	veq.s32 v15, v9;
	vm10 =	veq.s32 v17, v9  }
0x205: {  	vm13 =	veq.s32 v16, v9;
	vm7 =	vmand vm7, vm10;
	vm10 =	veq.s32 v23, v9  }
0x206: {  	vm14 =	veq.s32 v26, v9;
	v10 =	vsel vm7, $0x1, v1;
	vm4 =	vmand vm4, vm10  }
0x207: {  	vm15 =	vmand vm5, vm14;
	v10 =	vadd.s32 v10, v14;
	v11 =	vsel vm4, $0x1, v1  }
0x208: {  	vm10 =	vmand vm6, vm13;
	v10 =	vadd.s32 v11, v10;
	v11 =	vsel vm15, $0x1, v1  }
0x209: {  	vm0 =	vmand vm0, vm11;
	v10 =	vadd.s32 v11, v10;
	v11 =	vsel vm10, $0x1, v1  }
0x20a: {  	vm13 =	vmand vm2, vm12;
	v10 =	vadd.s32 v11, v10;
	v11 =	vsel vm0, $0x1, v1  }
0x20b: {  	vm14 =	vmand vm3, vm8;
	v10 =	vadd.s32 v11, v10;
	v11 =	vsel vm13, $0x1, v1  }
0x20c: {  	vm15 =	vmand vm1, vm9;
	v10 =	vadd.s32 v11, v10;
	v11 =	vsel vm14, $0x1, v1  }
0x20d: {  	v10 =	vadd.s32 v11, v10;
	v11 =	vsel vm15, $0x1, v1  }
0x20e: {  	v10 =	vadd.s32 v11, v10  }
0x20f: {  	(xrf0) =	vadd.scan.msk.s32 $0xffff, v10;
	_ =	sdelay $0x5  }
0x210: {  	v10, _, _ =	vpop (xrf0)  }
0x211: {  	(v2sf) =	vpush v10, $0xF;
	_ =	sdelay $0xe  }
0x212: {  	s31 =	spop (v2sf)  }
0x213: {  	s19 =	sadd.s32 $0x1, s19;
	p0 =	sgt.s32 s31, s17  }
0x214: {  	s20 =	smov.u32 @p0 s21;
	p0 =	sne.s32 s19, $0x11  }
.Ltmp22:
0x215: {  	_ = 	snop;
	(pc) =	sbr.rel @p0 .LBB2_30-.Ltmp22, $2  }
0x216: {  	_ =	sdelay $0x2  }
0x217: {  	s21 =	smov.u32 s20  }
0x218: {  	p0 =	seq.s32 s20, $0x20000  }
.Ltmp23:
0x219: {  	_ = 	snop;
	(pc) =	sbr.rel @!p0 .LBB2_34-.Ltmp23, $1  }
0x21a: {  	_ =	sdelay $0x3  }
.LBB2_37:
0x21b: {  	s17 =	simm.s32 $0x0  }
0x21c: {  	v9 =	vld [tilespmem:s17+$0xC470]  }
0x21d: {  	v10 =	vld [tilespmem:s17+$0xC460]  }
0x21e: {  	v15 =	vld [tilespmem:s17+$0x70]  }
0x21f: {  	v14 =	vld [tilespmem:s17+$0xC450]  }
0x220: {  	v11 =	vld [tilespmem:s17+$0x60]  }
0x221: {  	v12 =	vld [tilespmem:s17+$0xC440]  }
0x222: {  	v13 =	vld [tilespmem:s17+$0x50]  }
0x223: {  	v18 =	vld [tilespmem:s17+$0xC430]  }
0x224: {  	v17 =	vld [tilespmem:s17+$0x40]  }
0x225: {  	v20 =	vld [tilespmem:s17+$0xC420]  }
0x226: {  	v21 =	vld [tilespmem:s17+$0x30]  }
0x227: {  	v23 =	vld [tilespmem:s17+$0xC410]  }
0x228: {  	v19 =	vmov s18;
	v24 =	vld [tilespmem:s17+$0x20]  }
0x229: {  	v22 =	vimm.f32 $0.0e+00;
	v16 =	vimm.s32 $0x0;
	v26 =	vld [tilespmem:s17+$0xC400];
	vm1 =	vgt.f32 v9, $1.000000010e-01  }
0x22a: {  	v25 =	vld [tilespmem:s17+$0x10];
	vm2 =	vgt.f32 v10, $1.000000010e-01;
	vm3 =	vge.s32 v11, v19;
	vm0 =	vge.s32 v15, v19  }
0x22b: {  	v27 =	vld [tilespmem:s17+$0x0];
	vm4 =	vgt.f32 v14, $1.000000010e-01;
	vm7 =	vge.s32 v13, v19;
	v28 =	vshra.s32 v15, $0x1F  }
0x22c: {  	vm5 =	vgt.f32 v12, $1.000000010e-01;
	vm6 =	vge.s32 v17, v19;
	v29 =	vshra.s32 v11, $0x1F  }
0x22d: {  	s17 =	simm.s32 $0x200;
	vm8 =	vgt.f32 v18, $1.000000010e-01;
	vm9 =	vge.s32 v21, v19;
	v30 =	vshra.s32 v13, $0x1F  }
.LBB2_38:
0x22e: {  	p0 =	seq.s32 s17, $0x30E00;
	vm10 =	vgt.f32 v20, $1.000000010e-01;
	vm11 =	vge.s32 v24, v19;
	v31 =	vshra.s32 v17, $0x1F  }
0x22f: {  	vm12 =	vgt.f32 v23, $1.000000010e-01;
	v32 =	vshra.s32 v21, $0x1F;
	vm13 =	vge.s32 v25, v19  }
0x230: {  	vm14 =	vgt.f32 v26, $1.000000010e-01;
	v33 =	vshra.s32 v24, $0x1F;
	vm15 =	vge.s32 v27, v19  }
0x231: {  	vm1 =	vmor vm0, vm1;
	v35 =	vshra.s32 v25, $0x1F;
	v34 =	vshra.s32 v27, $0x1F  }
0x232: {  	vm4 =	vmor vm7, vm4;
	vm2 =	vmor vm3, vm2;
	v28 =	vand.u32 $0x7FFFFFFF, v28  }
0x233: {  	vm0 =	vmor vm9, vm8;
	vm3 =	vmor vm6, vm5;
	v29 =	vand.u32 $0x7FFFFFFF, v29  }
0x234: {  	v30 =	vand.u32 $0x7FFFFFFF, v30;
	vm6 =	vmor vm11, vm10;
	v34 =	vand.u32 $0x7FFFFFFF, v34  }
0x235: {  	v31 =	vand.u32 $0x7FFFFFFF, v31;
	vm7 =	vmor vm13, vm12;
	v27 =	vxor.u32 v27, v34  }
0x236: {  	v32 =	vand.u32 $0x7FFFFFFF, v32;
	v26 =	vsub.f32 v27, v26;
	v27 =	vand.u32 $0x7FFFFFFF, v35  }
0x237: {  	vm5 =	vmor vm15, vm14;
	v25 =	vxor.u32 v25, v27;
	v27 =	vand.u32 $0x7FFFFFFF, v33  }
0x238: {  	v26 =	vmul.f32 v26, v26;
	v23 =	vsub.f32 v25, v23;
	v25 =	vsel vm4, $0x1, v1  }
0x239: {  	v33 =	vsel vm0, $0x1, v1;
	v24 =	vxor.u32 v24, v27;
	v27 =	vsel vm6, $0x1, v1  }
0x23a: {  	v20 =	vsub.f32 v24, v20;
	v26 =	vnsel vm5, $0x0, v26;
	v23 =	vmul.f32 v23, v23  }
0x23b: {  	s18 =	sshra.s32 s17, $0x2;
	v21 =	vxor.u32 v21, v32;
	v24 =	vxor.u32 v15, v28;
	v22 =	vadd.f32 v26, v22  }
0x23c: {  	v18 =	vsub.f32 v21, v18;
	v20 =	vmul.f32 v20, v20;
	v15 =	vnsel vm7, $0x0, v23;
	v26 =	vld [tilespmem:s18+$0xC470]  }
0x23d: {  	v17 =	vxor.u32 v17, v31;
	v23 =	vsel vm7, $0x1, v1;
	v22 =	vadd.f32 v15, v22;
	v21 =	vld [tilespmem:s18+$0xC460]  }
0x23e: {  	v12 =	vsub.f32 v17, v12;
	v18 =	vmul.f32 v18, v18;
	v20 =	vnsel vm6, $0x0, v20;
	v15 =	vld [tilespmem:s18+$0x70]  }
0x23f: {  	v13 =	vxor.u32 v13, v30;
	v17 =	vadd.f32 v20, v22;
	v20 =	vxor.u32 v11, v29;
	v28 =	vld [tilespmem:s18+$0xC450]  }
0x240: {  	v14 =	vsub.f32 v13, v14;
	v18 =	vnsel vm0, $0x0, v18;
	v22 =	vmul.f32 v12, v12;
	v11 =	vld [tilespmem:s18+$0x60]  }
0x241: {  	v29 =	vsel vm5, $0x1, v1;
	v20 =	vsub.f32 v20, v10;
	v17 =	vadd.f32 v18, v17;
	v12 =	vld [tilespmem:s18+$0xC440]  }
0x242: {  	v16 =	vadd.s32 v29, v16;
	v29 =	vmul.f32 v14, v14;
	v22 =	vnsel vm3, $0x0, v22;
	v13 =	vld [tilespmem:s18+$0x50];
	v10 =	vmovc v21  }
0x243: {  	v16 =	vadd.s32 v23, v16;
	v21 =	vadd.f32 v22, v17;
	v22 =	vsub.f32 v24, v9;
	v9 =	vmovc v26;
	v18 =	vld [tilespmem:s18+$0xC430]  }
0x244: {  	v16 =	vadd.s32 v27, v16;
	v23 =	vnsel vm4, $0x0, v29;
	v24 =	vmul.f32 v20, v20;
	v17 =	vld [tilespmem:s18+$0x40];
	v14 =	vmovc v28  }
0x245: {  	v16 =	vadd.s32 v33, v16;
	v26 =	vsel vm3, $0x1, v1;
	v27 =	vadd.f32 v23, v21;
	v20 =	vld [tilespmem:s18+$0xC420]  }
0x246: {  	v16 =	vadd.s32 v26, v16;
	v24 =	vnsel vm2, $0x0, v24;
	v22 =	vmul.f32 v22, v22;
	v21 =	vld [tilespmem:s18+$0x30]  }
0x247: {  	v26 =	vsel vm2, $0x1, v1;
	v16 =	vadd.s32 v25, v16;
	v25 =	vadd.f32 v24, v27;
	v23 =	vld [tilespmem:s18+$0xC410]  }
0x248: {  	v16 =	vadd.s32 v26, v16;
	v22 =	vnsel vm1, $0x0, v22;
	v27 =	vsel vm1, $0x1, v1;
	v24 =	vld [tilespmem:s18+$0x20]  }
.Ltmp24:
0x249: {  	vm1 =	vgt.f32 v9, $1.000000010e-01;
	v16 =	vadd.s32 v27, v16;
	v22 =	vadd.f32 v22, v25;
	v26 =	vld [tilespmem:s18+$0xC400];
	(pc) =	sbr.rel @!p0 .LBB2_38-.Ltmp24, $4  }
0x24a: {  	vm0 =	vge.s32 v15, v19;
	vm2 =	vgt.f32 v10, $1.000000010e-01;
	vm3 =	vge.s32 v11, v19;
	v25 =	vld [tilespmem:s18+$0x10]  }
0x24b: {  	v28 =	vshra.s32 v15, $0x1F;
	vm4 =	vgt.f32 v14, $1.000000010e-01;
	vm7 =	vge.s32 v13, v19;
	v27 =	vld [tilespmem:s18+$0x0]  }
0x24c: {  	v29 =	vshra.s32 v11, $0x1F;
	vm5 =	vgt.f32 v12, $1.000000010e-01;
	vm6 =	vge.s32 v17, v19  }
0x24d: {  	s17 =	sadd.s32 $0x200, s17;
	v30 =	vshra.s32 v13, $0x1F;
	vm8 =	vgt.f32 v18, $1.000000010e-01;
	vm9 =	vge.s32 v21, v19  }
0x24e: {  	vm10 =	vgt.f32 v20, $1.000000010e-01;
	vm11 =	vge.s32 v24, v19;
	v31 =	vshra.s32 v17, $0x1F  }
0x24f: {  	vm12 =	vgt.f32 v23, $1.000000010e-01;
	v32 =	vshra.s32 v21, $0x1F;
	vm14 =	vgt.f32 v26, $1.000000010e-01  }
0x250: {  	v45 =	vshra.s32 v24, $0x1F;
	vm1 =	vmor vm0, vm1;
	vm0 =	vmor vm7, vm4  }
0x251: {  	vm2 =	vmor vm3, vm2;
	v28 =	vand.u32 $0x7FFFFFFF, v28;
	vm4 =	vmor vm9, vm8  }
0x252: {  	vm9 =	vmor vm6, vm5;
	v29 =	vand.u32 $0x7FFFFFFF, v29;
	v30 =	vand.u32 $0x7FFFFFFF, v30  }
0x253: {  	vm13 =	vge.s32 v25, v19;
	v34 =	vshra.s32 v25, $0x1F;
	v33 =	vshra.s32 v27, $0x1F  }
0x254: {  	vm11 =	vmor vm11, vm10;
	v31 =	vand.u32 $0x7FFFFFFF, v31;
	v33 =	vand.u32 $0x7FFFFFFF, v33  }
0x255: {  	v32 =	vand.u32 $0x7FFFFFFF, v32;
	v51 =	vsel vm0, $0x1, v1;
	v46 =	vxor.u32 v27, v33  }
0x256: {  	v53 =	vsel vm4, $0x1, v1;
	v48 =	vand.u32 $0x7FFFFFFF, v34;
	v47 =	vsub.f32 v46, v26  }
0x257: {  	v15 =	vxor.u32 v15, v28;
	vm15 =	vge.s32 v27, v19;
	v49 =	vxor.u32 v25, v48  }
0x258: {  	v19 =	vand.u32 $0x7FFFFFFF, v45;
	v50 =	vsub.f32 v49, v23;
	v26 =	vmul.f32 v47, v47  }
0x259: {  	v13 =	vxor.u32 v13, v30;
	vm15 =	vmor vm15, vm14;
	v19 =	vxor.u32 v24, v19  }
0x25a: {  	v19 =	vsub.f32 v19, v20;
	v23 =	vmul.f32 v50, v50;
	v26 =	vnsel vm15, $0x0, v26  }
0x25b: {  	vm13 =	vmor vm13, vm12;
	v55 =	vxor.u32 v21, v32;
	v54 =	vadd.f32 v26, v22  }
0x25c: {  	v18 =	vsub.f32 v55, v18;
	v19 =	vmul.f32 v19, v19;
	v56 =	vnsel vm13, $0x0, v23  }
0x25d: {  	v11 =	vxor.u32 v11, v29;
	v58 =	vxor.u32 v17, v31;
	v20 =	vadd.f32 v56, v54  }
0x25e: {  	v12 =	vsub.f32 v58, v12;
	v18 =	vmul.f32 v18, v18;
	v19 =	vnsel vm11, $0x0, v19  }
0x25f: {  	v52 =	vsel vm11, $0x1, v1;
	v13 =	vsub.f32 v13, v14;
	v59 =	vadd.f32 v19, v20  }
0x260: {  	v10 =	vsub.f32 v11, v10;
	v12 =	vmul.f32 v12, v12;
	v18 =	vnsel vm4, $0x0, v18  }
0x261: {  	v57 =	vsel vm13, $0x1, v1;
	v60 =	vsel vm15, $0x1, v1;
	v17 =	vadd.f32 v18, v59  }
0x262: {  	v13 =	vmul.f32 v13, v13;
	v11 =	vadd.s32 v60, v16;
	v12 =	vnsel vm9, $0x0, v12  }
0x263: {  	v9 =	vsub.f32 v15, v9;
	v11 =	vadd.s32 v57, v11;
	v12 =	vadd.f32 v12, v17  }
0x264: {  	v10 =	vmul.f32 v10, v10;
	v13 =	vnsel vm0, $0x0, v13;
	v11 =	vadd.s32 v52, v11  }
.Ltmp25:
0x265: {  	v61 =	vsel vm9, $0x1, v1;
	v11 =	vadd.s32 v53, v11;
	v12 =	vadd.f32 v13, v12;
	(pc) =	sbr.rel .LBB2_40-.Ltmp25, $4  }
0x266: {  	v9 =	vmul.f32 v9, v9;
	v10 =	vnsel vm2, $0x0, v10;
	v11 =	vadd.s32 v61, v11  }
0x267: {  	v62 =	vsel vm2, $0x1, v1;
	v11 =	vadd.s32 v51, v11;
	v10 =	vadd.f32 v10, v12  }
0x268: {  	v63 =	vsel vm1, $0x1, v1;
	v9 =	vnsel vm1, $0x0, v9;
	v11 =	vadd.s32 v62, v11  }
0x269: {  	v9 =	vadd.f32 v9, v10;
	v10 =	vadd.s32 v63, v11  }
.LBB2_34:
0x26a: {  	v14 =	vmov s20;
	v17 =	vimm.f32 $0.0e+00;
	s19 =	simm.s32 $0x70;
	s17 =	simm.s32 $0xC440  }
0x26b: {  	v12 =	vimm.s32 $0x0;
	s29 =	simm.s32 $0x40;
	s30 =	simm.s32 $0x50;
	s21 =	simm.s32 $0x60;
	v27 =	vimm.s32 $0x0;
	v16 =	vor.u32 s19, v0  }
0x26c: {  	s22 =	simm.s32 $0x10;
	s23 =	simm.s32 $0x20;
	s24 =	simm.s32 $0x30;
	v21 =	vor.u32 s29, v0;
	v20 =	vor.u32 s30, v0;
	v22 =	vor.u32 s21, v0  }
0x26d: {  	v10 =	vld [tilespmem:s17+$0x30];
	v23 =	vor.u32 s22, v0;
	v24 =	vor.u32 s23, v0;
	v25 =	vor.u32 s24, v0  }
0x26e: {  	s18 =	simm.s32 $0x40;
	s31 =	simm.s32 $0x0;
	v11 =	vld [tilespmem:s17+$0x20];
	vm2 =	vlt.s32 v22, v14;
	vm3 =	vlt.s32 v24, v14;
	v22 =	vimm.s32 $0x0  }
0x26f: {  	v15 =	vld [tilespmem:s18+$0x30];
	v26 =	vor.u32 s31, v0;
	vm0 =	vlt.s32 v16, v14;
	v22 =	vsel vm3, $0xFFFFFFFF, v22  }
0x270: {  	v13 =	vld [tilespmem:s17+$0x10];
	vm1 =	vlt.s32 v20, v14;
	vm3 =	vlt.s32 v25, v14;
	[tilespmem:$0x1FEC0] =	vst v22;
	v22 =	vimm.s32 $0x0  }
0x271: {  	v18 =	vld [tilespmem:s18+$0x20];
	v22 =	vsel vm3, $0xFFFFFFFF, v22;
	vm3 =	vlt.s32 v21, v14;
	v21 =	vimm.s32 $0x0  }
0x272: {  	v19 =	vld [tilespmem:s18+$0x10];
	[tilespmem:$0x1FED0] =	vst v22;
	v21 =	vsel vm3, $0xFFFFFFFF, v21;
	vm3 =	vlt.s32 v26, v14;
	v22 =	vimm.s32 $0x0  }
0x273: {  	v25 =	vimm.s32 $0x0;
	vm4 =	vgt.f32 v11, $1.000000010e-01;
	v22 =	vsel vm3, $0xFFFFFFFF, v22  }
0x274: {  	v28 =	vld [tilespmem:s18+$0xFFFFFFC0];
	vm5 =	vgt.s32 v15, v9;
	vm3 =	vlt.s32 v23, v14;
	[tilespmem:$0x1FEF0] =	vst v22;
	v22 =	vimm.s32 $0x0  }
0x275: {  	v16 =	vld [tilespmem:s17+$0x0];
	vm6 =	veq.s32 v15, v9;
	v22 =	vsel vm3, $0xFFFFFFFF, v22;
	vm3 =	vgt.f32 v10, $1.000000010e-01  }
0x276: {  	vm7 =	vgt.f32 v13, $1.000000010e-01;
	vm8 =	vgt.s32 v18, v9;
	[tilespmem:$0x1FEE0] =	vst v21;
	v21 =	vld [tilespmem:s18+$0x0];
	vm3 =	vmor vm5, vm3  }
0x277: {  	v20 =	vld [tilespmem:s17+$0xFFFFFFF0];
	vm9 =	veq.s32 v18, v9;
	vm10 =	vgt.s32 v19, v9;
	v25 =	vsel vm3, $0xFFFFFFFF, v25  }
0x278: {  	v24 =	vld [tilespmem:s18+$0xFFFFFFE0];
	v30 =	vshra.s32 v15, $0x1F;
	vm0 =	vmand vm0, vm6;
	[tilespmem:$0x1FF10] =	vst v25;
	v25 =	vimm.s32 $0x0  }
0x279: {  	v29 =	vshra.s32 v18, $0x1F;
	v32 =	vshra.s32 v19, $0x1F;
	v25 =	vsel vm0, $0xFFFFFFFF, v25  }
0x27a: {  	v26 =	vld [tilespmem:s18+$0xFFFFFFD0];
	v35 =	vshra.s32 v28, $0x1F;
	vm5 =	vmor vm10, vm7;
	[tilespmem:$0x1FF20] =	vst v25;
	v25 =	vimm.s32 $0x0  }
0x27b: {  	v23 =	vld [tilespmem:s18+$0xFFFFFFF0];
	vm0 =	vgt.f32 v16, $1.000000010e-01;
	v25 =	vsel vm5, $0xFFFFFFFF, v25;
	vm5 =	vgt.s32 v21, v9  }
0x27c: {  	vm11 =	vmor vm8, vm4;
	vm12 =	vmand vm2, vm9;
	[tilespmem:$0x1FF00] =	vst v22;
	v22 =	vld [tilespmem:s17+$0xFFFFFFE0];
	vm0 =	vmor vm5, vm0  }
0x27d: {  	vm13 =	vgt.f32 v20, $1.000000010e-01;
	v33 =	vshra.s32 v24, $0x1F;
	[tilespmem:$0x1FF30] =	vst v25;
	v25 =	vld [tilespmem:s17+$0xFFFFFFD0];
	v27 =	vsel vm0, $0xFFFFFFFF, v27  }
0x27e: {  	v30 =	vand.u32 $0x7FFFFFFF, v30;
	vm4 =	vgt.s32 v24, v9;
	vm2 =	veq.s32 v24, v9;
	[tilespmem:$0x1FF40] =	vst v27;
	v27 =	vld [tilespmem:s17+$0xFFFFFFC0]  }
0x27f: {  	vm9 =	vgt.s32 v28, v9;
	vm8 =	veq.s32 v28, v9;
	vm3 =	veq.s32 v19, v9  }
0x280: {  	v36 =	vshra.s32 v26, $0x1F;
	vm6 =	vgt.s32 v26, v9;
	vm10 =	veq.s32 v21, v9  }
0x281: {  	vm15 =	vgt.s32 v23, v9;
	vm14 =	vmand vm1, vm3;
	v31 =	vshra.s32 v21, $0x1F  }
0x282: {  	v34 =	vshra.s32 v23, $0x1F;
	vm1 =	veq.s32 v23, v9;
	vm3 =	veq.s32 v26, v9  }
0x283: {  	s19 =	simm.s32 $0xF0;
	vm0 =	vgt.f32 v22, $1.000000010e-01;
	vm5 =	vgt.f32 v25, $1.000000010e-01;
	vm7 =	vgt.f32 v27, $1.000000010e-01  }
.LBB2_35:
0x284: {  	vm13 =	vmor vm15, vm13;
	v29 =	vand.u32 $0x7FFFFFFF, v29;
	vm0 =	vmor vm4, vm0  }
0x285: {  	v32 =	vand.u32 $0x7FFFFFFF, v32;
	vm5 =	vmor vm6, vm5;
	v31 =	vand.u32 $0x7FFFFFFF, v31  }
0x286: {  	v37 =	vld [tilespmem:$0x1FEE0];
	vm9 =	vmor vm9, vm7;
	v34 =	vand.u32 $0x7FFFFFFF, v34;
	v36 =	vand.u32 $0x7FFFFFFF, v36  }
0x287: {  	v63 =	vld [tilespmem:$0x1FED0];
	v33 =	vand.u32 $0x7FFFFFFF, v33;
	v35 =	vand.u32 $0x7FFFFFFF, v35;
	v15 =	vxor.u32 v15, v30  }
0x288: {  	v40 =	vld [tilespmem:$0x1FEC0];
	v28 =	vxor.u32 v28, v35;
	v18 =	vxor.u32 v18, v29;
	v26 =	vxor.u32 v26, v36  }
0x289: {  	v41 =	vld [tilespmem:$0x1FF00];
	v24 =	vxor.u32 v24, v33;
	v21 =	vxor.u32 v21, v31;
	v27 =	vsub.f32 v28, v27  }
0x28a: {  	v42 =	vld [tilespmem:$0x1FEF0];
	v23 =	vxor.u32 v23, v34;
	v25 =	vsub.f32 v26, v25;
	v22 =	vsub.f32 v24, v22  }
0x28b: {  	v19 =	vxor.u32 v19, v32;
	v20 =	vsub.f32 v23, v20;
	v16 =	vsub.f32 v21, v16  }
0x28c: {  	v13 =	vsub.f32 v19, v13;
	vm15 =	vnez.u8 v37;
	vm4 =	vnez.u8 v63  }
0x28d: {  	v44 =	vld [tilespmem:$0x1FF20];
	vm10 =	vmand vm15, vm10;
	vm15 =	vmand vm4, vm1;
	vm1 =	vnez.u8 v40  }
0x28e: {  	v11 =	vsub.f32 v18, v11;
	vm1 =	vmand vm1, vm2;
	vm2 =	vnez.u8 v41  }
0x28f: {  	v43 =	vld [tilespmem:$0x1FF10];
	v27 =	vmul.f32 v27, v27;
	vm6 =	vmand vm2, vm3;
	vm2 =	vnez.u8 v42  }
0x290: {  	v45 =	vld [tilespmem:$0x1FF30];
	v25 =	vmul.f32 v25, v25;
	v22 =	vmul.f32 v22, v22;
	vm8 =	vmand vm2, vm8  }
0x291: {  	v20 =	vmul.f32 v20, v20;
	vm0 =	vmor vm1, vm0;
	vm1 =	vmor vm8, vm9  }
0x292: {  	v28 =	vld [tilespmem:$0x1FF40];
	v13 =	vmul.f32 v13, v13;
	vm4 =	vnez.u8 v44;
	v26 =	vnsel vm1, $0x0, v27  }
0x293: {  	vm7 =	vmor vm15, vm13;
	vm5 =	vmor vm6, vm5;
	v17 =	vadd.f32 v26, v17  }
0x294: {  	vm3 =	vnez.u8 v43;
	vm2 =	vmor vm12, vm11;
	v24 =	vnsel vm5, $0x0, v25  }
0x295: {  	vm11 =	vmor vm4, vm3;
	vm3 =	vnez.u8 v45;
	v17 =	vadd.f32 v24, v17  }
0x296: {  	v23 =	vsel vm7, $0x1, v1;
	v22 =	vnsel vm0, $0x0, v22;
	vm4 =	vmor vm14, vm3  }
0x297: {  	vm3 =	vnez.u8 v28;
	v21 =	vsel vm5, $0x1, v1;
	v17 =	vadd.f32 v22, v17  }
0x298: {  	v22 =	vsub.f32 v15, v10;
	v10 =	vnsel vm7, $0x0, v20;
	v15 =	vmul.f32 v16, v16  }
0x299: {  	vm3 =	vmor vm10, vm3;
	v16 =	vsel vm1, $0x1, v1;
	v10 =	vadd.f32 v10, v17  }
0x29a: {  	v13 =	vnsel vm4, $0x0, v13;
	v12 =	vadd.s32 v16, v12;
	v15 =	vnsel vm3, $0x0, v15  }
0x29b: {  	v16 =	vsel vm0, $0x1, v1;
	v12 =	vadd.s32 v21, v12;
	v15 =	vadd.f32 v15, v10  }
0x29c: {  	v24 =	vsel vm4, $0x1, v1;
	v12 =	vadd.s32 v16, v12;
	v16 =	vmul.f32 v11, v11  }
0x29d: {  	v17 =	vsel vm3, $0x1, v1;
	v12 =	vadd.s32 v23, v12;
	v18 =	vadd.f32 v13, v15  }
0x29e: {  	v21 =	vor.u32 s19, v0;
	v12 =	vadd.s32 v17, v12;
	v16 =	vnsel vm2, $0x0, v16  }
0x29f: {  	v12 =	vadd.s32 v24, v12;
	v19 =	vadd.f32 v16, v18;
	v16 =	vsel vm2, $0x1, v1  }
0x2a0: {  	s21 =	sadd.s32 $0xFFFFFFE0, s19;
	v20 =	vsel vm11, $0x1, v1;
	vm0 =	vlt.s32 v21, v14;
	v12 =	vadd.s32 v16, v12  }
0x2a1: {  	v23 =	vor.u32 s21, v0;
	v12 =	vadd.s32 v20, v12;
	v20 =	vimm.s32 $0x0  }
0x2a2: {  	s22 =	sadd.s32 $0xFFFFFFF0, s19;
	v20 =	vsel vm0, $0xFFFFFFFF, v20;
	vm0 =	vlt.s32 v23, v14;
	v23 =	vimm.s32 $0x0  }
0x2a3: {  	v25 =	vor.u32 s22, v0;
	v23 =	vsel vm0, $0xFFFFFFFF, v23  }
0x2a4: {  	s24 =	sadd.s32 $0xFFFFFFB0, s19;
	s25 =	sadd.s32 $0xFFFFFFC0, s19;
	vm0 =	vlt.s32 v25, v14;
	[tilespmem:$0x1FE90] =	vst v23;
	v23 =	vimm.s32 $0x0  }
0x2a5: {  	s17 =	sadd.s32 $0x80, s17;
	s20 =	sadd.s32 $0xFFFFFFD0, s19;
	v28 =	vor.u32 s25, v0;
	v27 =	vor.u32 s24, v0;
	v23 =	vsel vm0, $0xFFFFFFFF, v23  }
0x2a6: {  	s18 =	sadd.s32 $0x80, s18;
	v11 =	vld [tilespmem:s17+$0x20];
	v24 =	vor.u32 s20, v0;
	vm0 =	vlt.s32 v27, v14;
	[tilespmem:$0x1FE50] =	vst v23;
	v23 =	vimm.s32 $0x0  }
0x2a7: {  	v21 =	vld [tilespmem:s18+$0x0];
	v25 =	vimm.s32 $0x0;
	v23 =	vsel vm0, $0xFFFFFFFF, v23;
	vm0 =	vlt.s32 v28, v14  }
0x2a8: {  	s31 =	sadd.s32 $0xFFFFFF90, s19;
	v10 =	vld [tilespmem:s17+$0x30];
	v25 =	vsel vm0, $0xFFFFFFFF, v25;
	vm0 =	vlt.s32 v24, v14;
	v24 =	vimm.s32 $0x0  }
0x2a9: {  	v29 =	vor.u32 s31, v0;
	v17 =	vmul.f32 v22, v22;
	v22 =	vld [tilespmem:s17+$0xFFFFFFE0];
	v24 =	vsel vm0, $0xFFFFFFFF, v24  }
0x2aa: {  	s23 =	sadd.s32 $0xFFFFFFA0, s19;
	v48 =	vimm.s32 $0x0;
	v15 =	vld [tilespmem:s18+$0x30];
	vm0 =	vlt.s32 v29, v14;
	[tilespmem:$0x1FEE0] =	vst v24;
	v24 =	vimm.s32 $0x0  }
0x2ab: {  	v51 =	vimm.s32 $0x0;
	v26 =	vor.u32 s23, v0;
	v13 =	vld [tilespmem:s17+$0x10];
	v24 =	vsel vm0, $0xFFFFFFFF, v24  }
0x2ac: {  	v17 =	vnsel vm11, $0x0, v17;
	v18 =	vld [tilespmem:s18+$0x20];
	vm0 =	vlt.s32 v26, v14;
	[tilespmem:$0x1FEF0] =	vst v24;
	v24 =	vimm.s32 $0x0  }
0x2ad: {  	v53 =	vimm.s32 $0x0;
	v17 =	vadd.f32 v17, v19;
	v19 =	vld [tilespmem:s18+$0x10];
	[tilespmem:$0x1FE00] =	vst v20;
	v24 =	vsel vm0, $0xFFFFFFFF, v24  }
0x2ae: {  	v60 =	vimm.s32 $0x0;
	v16 =	vld [tilespmem:s17+$0x0];
	vm0 =	vgt.f32 v10, $1.000000010e-01;
	[tilespmem:$0x1FF00] =	vst v24;
	v24 =	vimm.s32 $0x0  }
0x2af: {  	v20 =	vld [tilespmem:s17+$0xFFFFFFF0];
	[tilespmem:$0x1FEC0] =	vst v23;
	v26 =	vimm.s32 $0x0;
	v24 =	vsel vm0, $0xFFFFFFFF, v24;
	vm0 =	vgt.f32 v11, $1.000000010e-01  }
0x2b0: {  	v31 =	vshra.s32 v21, $0x1F;
	v30 =	vshra.s32 v15, $0x1F;
	v27 =	vld [tilespmem:s17+$0xFFFFFFC0];
	[tilespmem:$0x1FED0] =	vst v25;
	v26 =	vsel vm0, $0xFFFFFFFF, v26  }
0x2b1: {  	v30 =	vand.u32 $0x7FFFFFFF, v30;
	v23 =	vld [tilespmem:s18+$0xFFFFFFF0];
	vm0 =	vgt.s32 v15, v9;
	[tilespmem:$0x1FE30] =	vst v26;
	v26 =	vimm.s32 $0x0  }
0x2b2: {  	vm10 =	vgt.s32 v19, v9;
	v32 =	vshra.s32 v19, $0x1F;
	v25 =	vld [tilespmem:s17+$0xFFFFFFD0];
	[tilespmem:$0x1FDF0] =	vst v24;
	v26 =	vsel vm0, $0xFFFFFFFF, v26  }
0x2b3: {  	v28 =	vimm.s32 $0x0;
	v24 =	vld [tilespmem:s18+$0xFFFFFFE0];
	vm0 =	veq.s32 v15, v9;
	[tilespmem:$0x1FDE0] =	vst v26;
	v26 =	vimm.s32 $0x0  }
0x2b4: {  	vm13 =	vgt.f32 v20, $1.000000010e-01;
	v29 =	vimm.s32 $0x0;
	v47 =	vld [tilespmem:$0x1FDF0];
	v26 =	vsel vm0, $0xFFFFFFFF, v26  }
0x2b5: {  	vm7 =	vgt.f32 v27, $1.000000010e-01;
	vm0 =	vgt.f32 v13, $1.000000010e-01;
	v46 =	vld [tilespmem:$0x1FDE0];
	[tilespmem:$0x1FE10] =	vst v26;
	v26 =	vimm.s32 $0x0  }
0x2b6: {  	v49 =	vld [tilespmem:$0x1FE00];
	vm15 =	vgt.s32 v23, v9;
	vm1 =	veq.s32 v23, v9;
	v26 =	vsel vm0, $0xFFFFFFFF, v26  }
0x2b7: {  	v61 =	vld [tilespmem:$0x1FE90];
	v34 =	vshra.s32 v23, $0x1F;
	vm0 =	vgt.s32 v18, v9;
	[tilespmem:$0x1FE20] =	vst v26;
	v26 =	vimm.s32 $0x0  }
0x2b8: {  	vm5 =	vgt.f32 v25, $1.000000010e-01;
	vm4 =	vgt.s32 v24, v9;
	v50 =	vld [tilespmem:$0x1FE10];
	v26 =	vsel vm0, $0xFFFFFFFF, v26  }
0x2b9: {  	v56 =	vld [tilespmem:$0x1FE50];
	vm11 =	vnez.u8 v47;
	vm0 =	veq.s32 v18, v9;
	[tilespmem:$0x1FE40] =	vst v26;
	v26 =	vimm.s32 $0x0  }
0x2ba: {  	v52 =	vld [tilespmem:$0x1FE20];
	vm12 =	vnez.u8 v46;
	v26 =	vsel vm0, $0xFFFFFFFF, v26;
	vm0 =	veq.s32 v19, v9  }
0x2bb: {  	v54 =	vld [tilespmem:$0x1FE30];
	vm12 =	vmor vm12, vm11;
	v28 =	vsel vm0, $0xFFFFFFFF, v28;
	vm0 =	vgt.f32 v16, $1.000000010e-01  }
0x2bc: {  	v55 =	vld [tilespmem:$0x1FE40];
	[tilespmem:$0x1FE60] =	vst v26;
	v37 =	vsel vm12, $0xFFFFFFFF, v48;
	vm12 =	vnez.u8 v49;
	v29 =	vsel vm0, $0xFFFFFFFF, v29  }
0x2bd: {  	v26 =	vld [tilespmem:s18+$0xFFFFFFD0];
	vm11 =	vnez.u8 v50;
	vm0 =	vgt.s32 v21, v9;
	[tilespmem:$0x1FE70] =	vst v29;
	v29 =	vimm.s32 $0x0  }
0x2be: {  	vm2 =	veq.s32 v24, v9;
	[tilespmem:$0x1FF10] =	vst v37;
	vm12 =	vmand vm12, vm11;
	v57 =	vld [tilespmem:$0x1FE60];
	v29 =	vsel vm0, $0xFFFFFFFF, v29  }
0x2bf: {  	v33 =	vshra.s32 v24, $0x1F;
	v37 =	vsel vm12, $0xFFFFFFFF, v51;
	vm11 =	vnez.u8 v52;
	v58 =	vld [tilespmem:$0x1FE70];
	[tilespmem:$0x1FE80] =	vst v29  }
0x2c0: {  	[tilespmem:$0x1FEA0] =	vst v28;
	vm0 =	veq.s32 v21, v9;
	vm11 =	vmor vm10, vm11;
	v29 =	vimm.s32 $0x0;
	v59 =	vld [tilespmem:$0x1FE80]  }
0x2c1: {  	v28 =	vld [tilespmem:s18+$0xFFFFFFC0];
	[tilespmem:$0x1FF20] =	vst v37;
	v37 =	vsel vm11, $0xFFFFFFFF, v53;
	vm11 =	vnez.u8 v54;
	v29 =	vsel vm0, $0xFFFFFFFF, v29  }
0x2c2: {  	v62 =	vld [tilespmem:$0x1FEA0];
	vm12 =	vnez.u8 v55;
	vm0 =	vgt.f32 v22, $1.000000010e-01;
	vm6 =	vgt.s32 v26, v9;
	[tilespmem:$0x1FEB0] =	vst v29  }
0x2c3: {  	p0 =	sne.s32 s19, $0xC3F0;
	vm3 =	veq.s32 v26, v9;
	v36 =	vshra.s32 v26, $0x1F;
	vm11 =	vmor vm12, vm11;
	v63 =	vld [tilespmem:$0x1FEB0]  }
.Ltmp26:
0x2c4: {  	vm12 =	vnez.u8 v56;
	v29 =	vshra.s32 v18, $0x1F;
	vm14 =	vnez.u8 v57;
	(pc) =	sbr.rel @p0 .LBB2_35-.Ltmp26, $4  }
0x2c5: {  	vm12 =	vmand vm12, vm14;
	vm10 =	vnez.u8 v58;
	vm14 =	vnez.u8 v59  }
0x2c6: {  	vm9 =	vgt.s32 v28, v9;
	vm8 =	veq.s32 v28, v9;
	vm14 =	vmor vm14, vm10  }
0x2c7: {  	[tilespmem:$0x1FF30] =	vst v37;
	vm10 =	vnez.u8 v62;
	v37 =	vsel vm14, $0xFFFFFFFF, v60;
	vm14 =	vnez.u8 v61  }
0x2c8: {  	s19 =	sadd.s32 $0x80, s19;
	v35 =	vshra.s32 v28, $0x1F;
	[tilespmem:$0x1FF40] =	vst v37;
	vm14 =	vmand vm14, vm10;
	vm10 =	vnez.u8 v63  }
0x2c9: {  	v9 =	vld [tilespmem:$0x1FEE0];
	_ =	sdelay $0x4  }
0x2ca: {  	vm13 =	vmor vm15, vm13;
	vm15 =	vnez.u8 v9;
	v9 =	vld [tilespmem:$0x1FED0];
	_ =	sdelay $0x4  }
0x2cb: {  	vm10 =	vmand vm15, vm10;
	vm15 =	vnez.u8 v9;
	v9 =	vld [tilespmem:$0x1FEC0];
	_ =	sdelay $0x4  }
0x2cc: {  	vm5 =	vmor vm6, vm5;
	vm6 =	vnez.u8 v9;
	v9 =	vld [tilespmem:$0x1FF00];
	_ =	sdelay $0x4  }
0x2cd: {  	vm7 =	vmor vm9, vm7;
	vm9 =	vnez.u8 v9;
	v9 =	vld [tilespmem:$0x1FEF0];
	_ =	sdelay $0x4  }
0x2ce: {  	vm4 =	vmor vm4, vm0;
	vm0 =	vnez.u8 v9;
	v9 =	vld [tilespmem:$0x1FF10];
	_ =	sdelay $0x4  }
0x2cf: {  	vm6 =	vmand vm6, vm2;
	vm2 =	vmor vm12, vm11;
	vm11 =	vnez.u8 v9;
	v9 =	vld [tilespmem:$0x1FF20]  }
0x2d0: {  	v14 =	vld [tilespmem:$0x1FF30];
	v49 =	vand.u32 $0x7FFFFFFF, v35;
	v50 =	vand.u32 $0x7FFFFFFF, v34  }
0x2d1: {  	v51 =	vand.u32 $0x7FFFFFFF, v33;
	v54 =	vand.u32 $0x7FFFFFFF, v32;
	v55 =	vand.u32 $0x7FFFFFFF, v31  }
0x2d2: {  	v59 =	vand.u32 $0x7FFFFFFF, v29;
	v15 =	vxor.u32 v15, v30;
	v23 =	vxor.u32 v23, v50  }
0x2d3: {  	v19 =	vxor.u32 v19, v54;
	v18 =	vxor.u32 v18, v59;
	v10 =	vsub.f32 v15, v10  }
0x2d4: {  	v20 =	vsub.f32 v23, v20;
	vm15 =	vmand vm15, vm1;
	vm12 =	vnez.u8 v9  }
0x2d5: {  	vm1 =	vmor vm12, vm11;
	vm11 =	vnez.u8 v14;
	v14 =	vxor.u32 v28, v49  }
0x2d6: {  	v23 =	vxor.u32 v24, v51;
	v9 =	vand.u32 $0x7FFFFFFF, v36;
	v14 =	vsub.f32 v14, v27  }
0x2d7: {  	v13 =	vsub.f32 v19, v13;
	vm9 =	vmand vm9, vm3;
	v9 =	vxor.u32 v26, v9  }
0x2d8: {  	vm8 =	vmand vm0, vm8;
	v9 =	vsub.f32 v9, v25;
	v14 =	vmul.f32 v14, v14  }
0x2d9: {  	vm3 =	vmor vm14, vm11;
	vm14 =	vmor vm15, vm13;
	vm15 =	vmor vm8, vm7  }
0x2da: {  	v22 =	vsub.f32 v23, v22;
	v9 =	vmul.f32 v9, v9;
	v14 =	vnsel vm15, $0x0, v14  }
0x2db: {  	v48 =	vld [tilespmem:$0x1FF40];
	v11 =	vsub.f32 v18, v11;
	vm5 =	vmor vm9, vm5;
	v14 =	vadd.f32 v14, v17  }
0x2dc: {  	v10 =	vmul.f32 v10, v10;
	v22 =	vmul.f32 v22, v22;
	v9 =	vnsel vm5, $0x0, v9  }
0x2dd: {  	vm4 =	vmor vm6, vm4;
	v17 =	vxor.u32 v21, v55;
	v9 =	vadd.f32 v9, v14  }
0x2de: {  	v20 =	vmul.f32 v20, v20;
	v57 =	vnsel vm4, $0x0, v22;
	v16 =	vsub.f32 v17, v16  }
0x2df: {  	v13 =	vmul.f32 v13, v13;
	v11 =	vmul.f32 v11, v11;
	v9 =	vadd.f32 v57, v9  }
0x2e0: {  	vm12 =	vnez.u8 v48;
	v20 =	vnsel vm14, $0x0, v20;
	v16 =	vmul.f32 v16, v16  }
0x2e1: {  	vm0 =	vmor vm10, vm12;
	v56 =	vsel vm15, $0x1, v1;
	v9 =	vadd.f32 v20, v9  }
0x2e2: {  	v52 =	vsel vm5, $0x1, v1;
	v12 =	vadd.s32 v56, v12;
	v61 =	vnsel vm0, $0x0, v16  }
0x2e3: {  	v58 =	vsel vm4, $0x1, v1;
	v12 =	vadd.s32 v52, v12;
	v9 =	vadd.f32 v61, v9  }
0x2e4: {  	v53 =	vsel vm14, $0x1, v1;
	v13 =	vnsel vm3, $0x0, v13;
	v12 =	vadd.s32 v58, v12  }
.Ltmp27:
0x2e5: {  	v62 =	vsel vm0, $0x1, v1;
	v12 =	vadd.s32 v53, v12;
	v9 =	vadd.f32 v13, v9;
	(pc) =	sbr.rel .LBB2_40-.Ltmp27, $4  }
0x2e6: {  	v11 =	vnsel vm2, $0x0, v11;
	v60 =	vsel vm3, $0x1, v1;
	v12 =	vadd.s32 v62, v12  }
0x2e7: {  	v63 =	vsel vm2, $0x1, v1;
	v12 =	vadd.s32 v60, v12;
	v9 =	vadd.f32 v11, v9  }
0x2e8: {  	v10 =	vnsel vm1, $0x0, v10;
	v12 =	vadd.s32 v63, v12;
	v11 =	vsel vm1, $0x1, v1  }
0x2e9: {  	v9 =	vadd.f32 v10, v9;
	v10 =	vadd.s32 v11, v12  }
.LBB2_41:
0x2ea: {  	_ =	sfence.sel $0x180000  }
0x2eb: {  	[bflag:$0x0] =	sbarrier.arrive $0xFFFF  }
0x2ec: {  	p0 =	sne.s32 s1, $0x0;
	_ =	strace $0x90000047  }
0x2ed: {  	s0 =	sadd.s32 @!p0 $0x100000, s0;
	[bflag:$0x2] =	sbarrier.arrive $0xFFFF  }
0x2ee: {  	[sflag:s0] =	ssyncadd.tile.s32 @!p0 $0x1;
	_ =	shalt  }
.Lfunc_end2:
_tile_overlayer_lowered:
.L_overlay_start_2:
0x2ef: {  	(tag) =	ssettag $0x2  }
0x2f0: {  	s0 =	rddreg [dreg:$0x0];
	s2 =	stileid.u32  }
0x2f1: {  	s1 =	rddreg [dreg:$0x1];
	p0 =	sne.s32 s2, $0x0  }
0x2f2: {  	s3 =	rddreg [dreg:$0x2];
	[bflag:$0x3] =	sbarrier.arrive $0xFFFF;
	s2 =	simm.s32 @!p0 $0x1C03  }
0x2f3: {  	[timem:s3], [sflag:s2] =	dma.local @!p0 [hbm:s0], s1  }
0x2f4: {  	s0 =	simm.s32 @!p0 $0x3  }
0x2f5: {  	_ =	swait.ge @!p0 [sflag:s0], s1  }
0x2f6: {  	s1 =	ssub.s32 @!p0 $0x0, s1;
	[sflag:s0] =	ssyncset.done @!p0 $0x0  }
0x2f7: {  	[sflag:s0] =	ssyncadd.s32 @!p0 s1  }
0x2f8: {  	[bflag:$0x3] =	sbarrier.arrive $0xFFFF  }
0x2f9: {  	_ =	shalt  }

</sc_bundles>
